<compile_context>
chip_gen: v7x
topology: tpu7x:2x2x1
jax: 0.10.2.dev20260603
libtpu: 0.0.44.dev20260713+nightly
codegen_flags: <defaults>
</compile_context>

<pallas_src>
import jax
import jax.numpy as jnp
from jax import lax
from jax.experimental import pallas as pl
from jax.experimental.pallas import tpu as pltpu
from jax.experimental.pallas import tpu_sc as plsc

N = 10000
E = 320000
D = 128

NC = 2
NS = 16
NW = NC * NS
K = 40
EPT = E // NW
STEPS = EPT // K
NBUF = 5
NBUFC = 10
NP = 10240
RPT = NP // NS

_MESH = plsc.VectorSubcoreMesh(core_axis_name="c", subcore_axis_name="s")


def _cnt_body(ei_hbm, ones_hbm, z16_hbm, out_hbm, cacc, dst_f, ones_v,
              ssem):
    c = lax.axis_index("c")
    s = lax.axis_index("s")
    wid = c * NS + s
    pltpu.sync_copy(z16_hbm, cacc.at[pl.ds(s * RPT, RPT)])
    pltpu.sync_copy(ones_hbm, ones_v)
    pltpu.sync_copy(ei_hbm.at[1, pl.ds(wid * EPT, EPT)], dst_f)
    plsc.subcore_barrier()

    def scatter_start(j, b):
        pltpu.async_copy(ones_v, cacc.at[dst_f.at[pl.ds(j * K, K)]], ssem[b],
                         add=True)

    def scatter_wait(b):
        pltpu.make_async_copy(ones_v, cacc.at[dst_f.at[pl.ds(0, K)]],
                              ssem[b]).wait()

    def step(i, carry):
        for b in range(NBUFC):
            j = i * NBUFC + b
            scatter_start(j, b)

            @pl.when(j + NBUFC < STEPS)
            def _():
                scatter_wait(b)

            del _
        return carry

    lax.fori_loop(0, STEPS // NBUFC, step, 0)
    for b in range(NBUFC):
        scatter_wait(b)
    plsc.subcore_barrier()
    pltpu.sync_copy(cacc.at[pl.ds(s * RPT, RPT)],
                    out_hbm.at[c, pl.ds(s * RPT, RPT)])


_cnt_kernel = pl.kernel(
    _cnt_body,
    out_type=jax.ShapeDtypeStruct((NC, NP, 16), jnp.float32),
    mesh=_MESH,
    scratch_types=[
        pltpu.VMEM_SHARED((NP, 16), jnp.float32),
        pltpu.VMEM((EPT,), jnp.int32),
        pltpu.VMEM((K, 16), jnp.float32),
        [pltpu.SemaphoreType.DMA] * NBUFC,
    ],
    compiler_params=pltpu.CompilerParams(use_tc_tiling_on_sc=False),
)


def _edge_body(y_hbm, ei_hbm, zrows_hbm, out_hbm, zacc, src_f, dst_f, rows,
               gsem, ssem):
    c = lax.axis_index("c")
    s = lax.axis_index("s")
    wid = c * NS + s
    pltpu.sync_copy(zrows_hbm, zacc.at[pl.ds(s * RPT, RPT)])
    pltpu.sync_copy(ei_hbm.at[0, pl.ds(wid * EPT, EPT)], src_f)
    pltpu.sync_copy(ei_hbm.at[1, pl.ds(wid * EPT, EPT)], dst_f)
    plsc.subcore_barrier()

    def gather_start(j, b):
        pltpu.async_copy(y_hbm.at[src_f.at[pl.ds(j * K, K)]], rows[b],
                         gsem[b])

    def gather_wait(j, b):
        pltpu.make_async_copy(y_hbm.at[src_f.at[pl.ds(j * K, K)]], rows[b],
                              gsem[b]).wait()

    def scatter_start(j, b):
        pltpu.async_copy(rows[b], zacc.at[dst_f.at[pl.ds(j * K, K)]],
                         ssem[b], add=True)

    def scatter_wait(j, b):
        pltpu.make_async_copy(rows[b], zacc.at[dst_f.at[pl.ds(j * K, K)]],
                              ssem[b]).wait()

    for b in range(NBUF):
        gather_start(b, b)

    def step(i, carry):
        j0 = i * NBUF
        for b in range(NBUF):
            j = j0 + b
            gather_wait(j, b)
            scatter_start(j, b)

            @pl.when(j + NBUF < STEPS)
            def _():
                scatter_wait(j, b)
                gather_start(j + NBUF, b)

            del _
        return carry

    lax.fori_loop(0, STEPS // NBUF, step, 0)
    for b in range(NBUF):
        scatter_wait(STEPS - NBUF + b, b)
    plsc.subcore_barrier()
    pltpu.sync_copy(zacc.at[pl.ds(s * RPT, RPT)],
                    out_hbm.at[c, pl.ds(s * RPT, RPT)])


_edge_kernel = pl.kernel(
    _edge_body,
    out_type=jax.ShapeDtypeStruct((NC, NP, D), jnp.float32),
    mesh=_MESH,
    scratch_types=[
        pltpu.VMEM_SHARED((NP, D), jnp.float32),
        pltpu.VMEM((EPT,), jnp.int32),
        pltpu.VMEM((EPT,), jnp.int32),
        [pltpu.VMEM((K, D), jnp.float32)] * NBUF,
        [pltpu.SemaphoreType.DMA] * NBUF,
        [pltpu.SemaphoreType.DMA] * NBUF,
    ],
    compiler_params=pltpu.CompilerParams(use_tc_tiling_on_sc=False),
)


BN = 2000


def _dinv(cnt_ref):
    deg = cnt_ref[0, :, 0:1] + cnt_ref[1, :, 0:1] + 1.0
    return lax.rsqrt(deg)


def _k1_body(cnt_ref, x_ref, w_ref, y_ref):
    y_ref[...] = _dinv(cnt_ref) * jnp.dot(
        x_ref[...], w_ref[...], preferred_element_type=jnp.float32)


def _k2_body(cnt_ref, z_ref, y_ref, b_ref, w_ref, o_ref):
    dinv = _dinv(cnt_ref)
    h = jnp.maximum(
        dinv * (z_ref[0] + z_ref[1] + y_ref[...]) + b_ref[...], 0.0)
    o_ref[...] = dinv * jnp.dot(
        h, w_ref[...], preferred_element_type=jnp.float32)


def _k3_body(cnt_ref, z_ref, y_ref, b_ref, o_ref):
    o_ref[...] = (_dinv(cnt_ref) * (z_ref[0] + z_ref[1] + y_ref[...])
                  + b_ref[...])


_cnt_spec = pl.BlockSpec((NC, BN, 16), lambda i: (0, i, 0))
_row_spec = pl.BlockSpec((BN, D), lambda i: (i, 0))
_z_spec = pl.BlockSpec((NC, BN, D), lambda i: (0, i, 0))
_w_spec = pl.BlockSpec((D, D), lambda i: (0, 0))
_b_spec = pl.BlockSpec((1, D), lambda i: (0, 0))
_out_shape = jax.ShapeDtypeStruct((N, D), jnp.float32)

_k1 = pl.pallas_call(
    _k1_body, grid=(N // BN,),
    in_specs=[_cnt_spec, _row_spec, _w_spec],
    out_specs=_row_spec, out_shape=_out_shape)

_k2 = pl.pallas_call(
    _k2_body, grid=(N // BN,),
    in_specs=[_cnt_spec, _z_spec, _row_spec, _b_spec, _w_spec],
    out_specs=_row_spec, out_shape=_out_shape)

_k3 = pl.pallas_call(
    _k3_body, grid=(N // BN,),
    in_specs=[_cnt_spec, _z_spec, _row_spec, _b_spec],
    out_specs=_row_spec, out_shape=_out_shape)


def kernel(x, edge_index, W1, b1, W2, b2):
    ones16 = jnp.ones((K, 16), jnp.float32)
    z16 = jnp.zeros((RPT, 16), jnp.float32)
    zrows = jnp.zeros((RPT, D), jnp.float32)

    cnt = _cnt_kernel(edge_index, ones16, z16)
    y1 = _k1(cnt, x, W1)
    z1 = _edge_kernel(y1, edge_index, zrows)
    y2 = _k2(cnt, z1, y1, b1.reshape(1, D), W2)
    z2 = _edge_kernel(y2, edge_index, zrows)
    return _k3(cnt, z2, y2, b2.reshape(1, D))

# --- scband reference (transcript-rebuilt; emitter-appended) ---
"""Pipeline reference for scband-cbgnn-my-81484119540343 (READ-ONLY COPY).

The authoritative reference and input builder live on the scoring server;
editing this copy changes nothing except your own understanding.
"""

import jax, jax.numpy as jnp
import numpy as np

N = 10000
E = 320000
D = 128

def _gcn(x, edge_index, W, b):
    # PyG GCNConv (improved=False): add self-loops, symmetric normalization,
    # linear transform, scatter-add aggregation at dst, then bias.
    src = edge_index[0]
    dst = edge_index[1]
    loop = jnp.arange(N, dtype=src.dtype)
    src = jnp.concatenate([src, loop])
    dst = jnp.concatenate([dst, loop])
    ones = jnp.ones(src.shape[0], dtype=x.dtype)
    deg = jax.ops.segment_sum(ones, dst, num_segments=N)
    dinv = jnp.where(deg > 0, 1.0 / jnp.sqrt(deg), 0.0)
    norm = dinv[src] * dinv[dst]
    xw = x @ W
    msg = xw[src] * norm[:, None]
    out = jax.ops.segment_sum(msg, dst, num_segments=N)
    return out + b

def setup_inputs(seed: int = 0):
    key = jax.random.key(seed)
    ks = jax.random.split(key, 6)
    x = jax.random.normal(ks[0], (N, D), dtype=jnp.float32)
    edge_index = jax.random.randint(ks[1], (2, E), 0, N, dtype=jnp.int32)
    s = 1.0 / np.sqrt(D)
    W1 = jax.random.normal(ks[2], (D, D), dtype=jnp.float32) * s
    b1 = jnp.zeros((D,), dtype=jnp.float32)
    W2 = jax.random.normal(ks[3], (D, D), dtype=jnp.float32) * s
    b2 = jnp.zeros((D,), dtype=jnp.float32)
    return {"x": x, "edge_index": edge_index, "W1": W1, "b1": b1, "W2": W2, "b2": b2}

def reference(x, edge_index, W1, b1, W2, b2):
    # CBGNN_my.encode in eval mode (dropout = identity):
    # x -> GCNConv1 -> relu -> GCNConv2
    h = _gcn(x, edge_index, W1, b1)
    h = jax.nn.relu(h)
    h = _gcn(h, edge_index, W2, b2)
    return h

if __name__ == "__main__":
    import jax
    _d = setup_inputs()
    print(jax.jit(kernel)(*tuple(_d.values())))

</pallas_src>

<mosaic_0001>
#map = affine_map<(d0, d1) -> (0, 0)>
#map1 = affine_map<(d0, d1) -> (0, 0, 0)>
module attributes {stable_mosaic.version = 14 : i64} {
  func.func @_cnt_body(%arg0: i32, %arg1: i32, %arg2: memref<2x320000xi32, #tpu.memory_space<hbm>>, %arg3: memref<40x16xf32, #tpu.memory_space<hbm>>, %arg4: memref<640x16xf32, #tpu.memory_space<hbm>>, %arg5: memref<2x10240x16xf32, #tpu.memory_space<hbm>>, %arg6: memref<10240x16xf32, #tpu.memory_space<vmem_shared>>, %arg7: memref<10000xi32, #tpu.memory_space<vmem>>, %arg8: memref<40x16xf32, #tpu.memory_space<vmem>>, %arg9: memref<!tpu.dma_semaphore, #tpu.memory_space<semaphore_mem>>, %arg10: memref<!tpu.dma_semaphore, #tpu.memory_space<semaphore_mem>>, %arg11: memref<!tpu.dma_semaphore, #tpu.memory_space<semaphore_mem>>, %arg12: memref<!tpu.dma_semaphore, #tpu.memory_space<semaphore_mem>>, %arg13: memref<!tpu.dma_semaphore, #tpu.memory_space<semaphore_mem>>, %arg14: memref<!tpu.dma_semaphore, #tpu.memory_space<semaphore_mem>>, %arg15: memref<!tpu.dma_semaphore, #tpu.memory_space<semaphore_mem>>, %arg16: memref<!tpu.dma_semaphore, #tpu.memory_space<semaphore_mem>>, %arg17: memref<!tpu.dma_semaphore, #tpu.memory_space<semaphore_mem>>, %arg18: memref<!tpu.dma_semaphore, #tpu.memory_space<semaphore_mem>>) attributes {dimension_semantics = [#tpu.dimension_semantics<core_parallel>, #tpu.dimension_semantics<subcore_parallel>], iteration_bounds = array<i64: 2, 16>, scalar_prefetch = 0 : i64, scratch_operands = 13 : i64, tpu.core_type = #tpu.core_type<sc_vector_subcore>, window_params = [{transform_indices = #map}, {transform_indices = #map}, {transform_indices = #map}, {transform_indices = #map1}]} {
    %mul3A = arith.constant 16 : i32
    %mul3A_0 = arith.muli %arg0, %mul3A : i32
    %add3A = arith.addi %mul3A_0, %arg1 : i32
    %mul3A_1 = arith.constant 640 : i32
    %mul3A_2 = arith.muli %arg1, %mul3A_1 : i32
    "tpu.region"() ({
      %run_scoped3A_64 = tpu.sem_alloc : memref<!tpu.dma_semaphore, #tpu.memory_space<semaphore_mem>>
      %dma_start3A = arith.constant 0 : i32
      %dma_start3A_65 = tpu.memref_slice %arg6[%mul3A_2, %dma_start3A] : memref<10240x16xf32, #tpu.memory_space<vmem_shared>> -> memref<640x16xf32, #tpu.memory_space<vmem_shared>>
      tpu.enqueue_dma source(%arg4 : memref<640x16xf32, #tpu.memory_space<hbm>>) target(%dma_start3A_65 : memref<640x16xf32, #tpu.memory_space<vmem_shared>>) target_semaphore(%run_scoped3A_64 : memref<!tpu.dma_semaphore, #tpu.memory_space<semaphore_mem>>)
      %dma_wait3A_66 = arith.constant 0 : i32
      %dma_wait3A_67 = tpu.memref_slice %arg6[%mul3A_2, %dma_wait3A_66] : memref<10240x16xf32, #tpu.memory_space<vmem_shared>> -> memref<640x16xf32, #tpu.memory_space<vmem_shared>>
      tpu.wait_dma2 semaphore(%run_scoped3A_64 : memref<!tpu.dma_semaphore, #tpu.memory_space<semaphore_mem>>) src(%arg4 : memref<640x16xf32, #tpu.memory_space<hbm>>) dst(%dma_wait3A_67 : memref<640x16xf32, #tpu.memory_space<vmem_shared>>)
      tpu.yield
    }) : () -> ()
    "tpu.region"() ({
      %run_scoped3A_64 = tpu.sem_alloc : memref<!tpu.dma_semaphore, #tpu.memory_space<semaphore_mem>>
      tpu.enqueue_dma source(%arg3 : memref<40x16xf32, #tpu.memory_space<hbm>>) target(%arg8 : memref<40x16xf32, #tpu.memory_space<vmem>>) target_semaphore(%run_scoped3A_64 : memref<!tpu.dma_semaphore, #tpu.memory_space<semaphore_mem>>)
      tpu.wait_dma2 semaphore(%run_scoped3A_64 : memref<!tpu.dma_semaphore, #tpu.memory_space<semaphore_mem>>) src(%arg3 : memref<40x16xf32, #tpu.memory_space<hbm>>) dst(%arg8 : memref<40x16xf32, #tpu.memory_space<vmem>>)
      tpu.yield
    }) : () -> ()
    %mul3A_3 = arith.constant 10000 : i32
    %mul3A_4 = arith.muli %add3A, %mul3A_3 : i32
    %run_scoped3A = arith.constant 1 : i32
    "tpu.region"() ({
      %run_scoped3A_64 = tpu.sem_alloc : memref<!tpu.dma_semaphore, #tpu.memory_space<semaphore_mem>>
      %dma_start3A = tpu.memref_slice %arg2[%run_scoped3A, %mul3A_4] : memref<2x320000xi32, #tpu.memory_space<hbm>> -> memref<1x10000xi32, #tpu.memory_space<hbm>>
      %dma_start3A_65 = tpu.memref_squeeze %dma_start3A : memref<1x10000xi32, #tpu.memory_space<hbm>> -> memref<10000xi32, #tpu.memory_space<hbm>>
      %dma_start3A_66 = tpu.memref_slice %arg2[%run_scoped3A, %mul3A_4] : memref<2x320000xi32, #tpu.memory_space<hbm>> -> memref<1x10000xi32, #tpu.memory_space<hbm>>
      %dma_start3A_67 = tpu.memref_squeeze %dma_start3A_66 : memref<1x10000xi32, #tpu.memory_space<hbm>> -> memref<10000xi32, #tpu.memory_space<hbm>>
      tpu.enqueue_dma source(%dma_start3A_67 : memref<10000xi32, #tpu.memory_space<hbm>>) target(%arg7 : memref<10000xi32, #tpu.memory_space<vmem>>) target_semaphore(%run_scoped3A_64 : memref<!tpu.dma_semaphore, #tpu.memory_space<semaphore_mem>>)
      %dma_wait3A_68 = tpu.memref_slice %arg2[%run_scoped3A, %mul3A_4] : memref<2x320000xi32, #tpu.memory_space<hbm>> -> memref<1x10000xi32, #tpu.memory_space<hbm>>
      %dma_wait3A_69 = tpu.memref_squeeze %dma_wait3A_68 : memref<1x10000xi32, #tpu.memory_space<hbm>> -> memref<10000xi32, #tpu.memory_space<hbm>>
      %dma_wait3A_70 = tpu.memref_slice %arg2[%run_scoped3A, %mul3A_4] : memref<2x320000xi32, #tpu.memory_space<hbm>> -> memref<1x10000xi32, #tpu.memory_space<hbm>>
      %dma_wait3A_71 = tpu.memref_squeeze %dma_wait3A_70 : memref<1x10000xi32, #tpu.memory_space<hbm>> -> memref<10000xi32, #tpu.memory_space<hbm>>
      tpu.wait_dma2 semaphore(%run_scoped3A_64 : memref<!tpu.dma_semaphore, #tpu.memory_space<semaphore_mem>>) src(%dma_wait3A_71 : memref<10000xi32, #tpu.memory_space<hbm>>) dst(%arg7 : memref<10000xi32, #tpu.memory_space<vmem>>)
      tpu.yield
    }) : () -> ()
    %barrier3A = arith.constant 0 : index
    tpu.barrier barrier_id(%barrier3A)
    %scan3A = arith.constant 0 : i32
    %scan3A_5 = arith.constant 0 : i32
    %scan3A_6 = arith.constant 25 : i32
    %scan3A_7 = arith.addi %scan3A_5, %scan3A_6 : i32
    %scan3A_8 = arith.constant 1 : i32
    scf.for %scan3A_64 = %scan3A_5 to %scan3A_7 step %scan3A_8  : i32 {
      %mul3A_65 = arith.constant 10 : i32
      %mul3A_66 = arith.muli %scan3A_64, %mul3A_65 : i32
      %add3A_67 = arith.constant 0 : i32
      %add3A_68 = arith.addi %mul3A_66, %add3A_67 : i32
      %mul3A_69 = arith.constant 40 : i32
      %mul3A_70 = arith.muli %add3A_68, %mul3A_69 : i32
      %dma_start3A = tpu.memref_slice %arg7[%mul3A_70] : memref<10000xi32, #tpu.memory_space<vmem>> -> memref<40xi32, #tpu.memory_space<vmem>>
      %dma_start3A_71 = arith.constant 0 : i32
      %dma_start3A_72 = arith.constant 0 : i32
      %dma_start3A_73 = tpu.memref_slice %arg6[%dma_start3A_71, %dma_start3A_72] : memref<10240x16xf32, #tpu.memory_space<vmem_shared>> -> memref<10240x16xf32, #tpu.memory_space<vmem_shared>>
      tpu.enqueue_indirect_dma source(%arg8 : memref<40x16xf32, #tpu.memory_space<vmem>>) target(%dma_start3A_73 : memref<10240x16xf32, #tpu.memory_space<vmem_shared>>) offsets(%dma_start3A : memref<40xi32, #tpu.memory_space<vmem>>) semaphore(%arg9 : memref<!tpu.dma_semaphore, #tpu.memory_space<semaphore_mem>>) {add = true}
      %add3A_74 = arith.constant 10 : i32
      %add3A_75 = arith.addi %add3A_68, %add3A_74 : i32
      %lt3A = arith.constant 250 : i32
      %lt3A_76 = arith.cmpi slt, %add3A_75, %lt3A : i32
      %convert_element_type3A = arith.extui %lt3A_76 : i1 to i32
      %cond3A = arith.constant 0 : i32
      %cond3A_77 = arith.cmpi ne, %convert_element_type3A, %cond3A : i32
      scf.if %cond3A_77 {
        %dma_wait3A_231 = arith.constant 0 : i32
        %dma_wait3A_232 = tpu.memref_slice %arg7[%dma_wait3A_231] : memref<10000xi32, #tpu.memory_space<vmem>> -> memref<40xi32, #tpu.memory_space<vmem>>
        %dma_wait3A_233 = arith.constant 0 : i32
        %dma_wait3A_234 = arith.constant 0 : i32
        %dma_wait3A_235 = tpu.memref_slice %arg6[%dma_wait3A_233, %dma_wait3A_234] : memref<10240x16xf32, #tpu.memory_space<vmem_shared>> -> memref<10240x16xf32, #tpu.memory_space<vmem_shared>>
        tpu.wait_indirect_dma semaphore(%arg9 : memref<!tpu.dma_semaphore, #tpu.memory_space<semaphore_mem>>) src(%arg8 : memref<40x16xf32, #tpu.memory_space<vmem>>) dst(%dma_wait3A_235 : memref<10240x16xf32, #tpu.memory_space<vmem_shared>>)
      } else {
      }
      %mul3A_78 = arith.constant 10 : i32
      %mul3A_79 = arith.muli %scan3A_64, %mul3A_78 : i32
      %add3A_80 = arith.constant 1 : i32
      %add3A_81 = arith.addi %mul3A_79, %add3A_80 : i32
      %mul3A_82 = arith.constant 40 : i32
      %mul3A_83 = arith.muli %add3A_81, %mul3A_82 : i32
      %dma_start3A_84 = tpu.memref_slice %arg7[%mul3A_83] : memref<10000xi32, #tpu.memory_space<vmem>> -> memref<40xi32, #tpu.memory_space<vmem>>
      %dma_start3A_85 = arith.constant 0 : i32
      %dma_start3A_86 = arith.constant 0 : i32
      %dma_start3A_87 = tpu.memref_slice %arg6[%dma_start3A_85, %dma_start3A_86] : memref<10240x16xf32, #tpu.memory_space<vmem_shared>> -> memref<10240x16xf32, #tpu.memory_space<vmem_shared>>
      tpu.enqueue_indirect_dma source(%arg8 : memref<40x16xf32, #tpu.memory_space<vmem>>) target(%dma_start3A_87 : memref<10240x16xf32, #tpu.memory_space<vmem_shared>>) offsets(%dma_start3A_84 : memref<40xi32, #tpu.memory_space<vmem>>) semaphore(%arg10 : memref<!tpu.dma_semaphore, #tpu.memory_space<semaphore_mem>>) {add = true}
      %add3A_88 = arith.constant 10 : i32
      %add3A_89 = arith.addi %add3A_81, %add3A_88 : i32
      %lt3A_90 = arith.constant 250 : i32
      %lt3A_91 = arith.cmpi slt, %add3A_89, %lt3A_90 : i32
      %convert_element_type3A_92 = arith.extui %lt3A_91 : i1 to i32
      %cond3A_93 = arith.constant 0 : i32
      %cond3A_94 = arith.cmpi ne, %convert_element_type3A_92, %cond3A_93 : i32
      scf.if %cond3A_94 {
        %dma_wait3A_231 = arith.constant 0 : i32
        %dma_wait3A_232 = tpu.memref_slice %arg7[%dma_wait3A_231] : memref<10000xi32, #tpu.memory_space<vmem>> -> memref<40xi32, #tpu.memory_space<vmem>>
        %dma_wait3A_233 = arith.constant 0 : i32
        %dma_wait3A_234 = arith.constant 0 : i32
        %dma_wait3A_235 = tpu.memref_slice %arg6[%dma_wait3A_233, %dma_wait3A_234] : memref<10240x16xf32, #tpu.memory_space<vmem_shared>> -> memref<10240x16xf32, #tpu.memory_space<vmem_shared>>
        tpu.wait_indirect_dma semaphore(%arg10 : memref<!tpu.dma_semaphore, #tpu.memory_space<semaphore_mem>>) src(%arg8 : memref<40x16xf32, #tpu.memory_space<vmem>>) dst(%dma_wait3A_235 : memref<10240x16xf32, #tpu.memory_space<vmem_shared>>)
      } else {
      }
      %mul3A_95 = arith.constant 10 : i32
      %mul3A_96 = arith.muli %scan3A_64, %mul3A_95 : i32
      %add3A_97 = arith.constant 2 : i32
      %add3A_98 = arith.addi %mul3A_96, %add3A_97 : i32
      %mul3A_99 = arith.constant 40 : i32
      %mul3A_100 = arith.muli %add3A_98, %mul3A_99 : i32
      %dma_start3A_101 = tpu.memref_slice %arg7[%mul3A_100] : memref<10000xi32, #tpu.memory_space<vmem>> -> memref<40xi32, #tpu.memory_space<vmem>>
      %dma_start3A_102 = arith.constant 0 : i32
      %dma_start3A_103 = arith.constant 0 : i32
      %dma_start3A_104 = tpu.memref_slice %arg6[%dma_start3A_102, %dma_start3A_103] : memref<10240x16xf32, #tpu.memory_space<vmem_shared>> -> memref<10240x16xf32, #tpu.memory_space<vmem_shared>>
      tpu.enqueue_indirect_dma source(%arg8 : memref<40x16xf32, #tpu.memory_space<vmem>>) target(%dma_start3A_104 : memref<10240x16xf32, #tpu.memory_space<vmem_shared>>) offsets(%dma_start3A_101 : memref<40xi32, #tpu.memory_space<vmem>>) semaphore(%arg11 : memref<!tpu.dma_semaphore, #tpu.memory_space<semaphore_mem>>) {add = true}
      %add3A_105 = arith.constant 10 : i32
      %add3A_106 = arith.addi %add3A_98, %add3A_105 : i32
      %lt3A_107 = arith.constant 250 : i32
      %lt3A_108 = arith.cmpi slt, %add3A_106, %lt3A_107 : i32
      %convert_element_type3A_109 = arith.extui %lt3A_108 : i1 to i32
      %cond3A_110 = arith.constant 0 : i32
      %cond3A_111 = arith.cmpi ne, %convert_element_type3A_109, %cond3A_110 : i32
      scf.if %cond3A_111 {
        %dma_wait3A_231 = arith.constant 0 : i32
        %dma_wait3A_232 = tpu.memref_slice %arg7[%dma_wait3A_231] : memref<10000xi32, #tpu.memory_space<vmem>> -> memref<40xi32, #tpu.memory_space<vmem>>
        %dma_wait3A_233 = arith.constant 0 : i32
        %dma_wait3A_234 = arith.constant 0 : i32
        %dma_wait3A_235 = tpu.memref_slice %arg6[%dma_wait3A_233, %dma_wait3A_234] : memref<10240x16xf32, #tpu.memory_space<vmem_shared>> -> memref<10240x16xf32, #tpu.memory_space<vmem_shared>>
        tpu.wait_indirect_dma semaphore(%arg11 : memref<!tpu.dma_semaphore, #tpu.memory_space<semaphore_mem>>) src(%arg8 : memref<40x16xf32, #tpu.memory_space<vmem>>) dst(%dma_wait3A_235 : memref<10240x16xf32, #tpu.memory_space<vmem_shared>>)
      } else {
      }
      %mul3A_112 = arith.constant 10 : i32
      %mul3A_113 = arith.muli %scan3A_64, %mul3A_112 : i32
      %add3A_114 = arith.constant 3 : i32
      %add3A_115 = arith.addi %mul3A_113, %add3A_114 : i32
      %mul3A_116 = arith.constant 40 : i32
      %mul3A_117 = arith.muli %add3A_115, %mul3A_116 : i32
      %dma_start3A_118 = tpu.memref_slice %arg7[%mul3A_117] : memref<10000xi32, #tpu.memory_space<vmem>> -> memref<40xi32, #tpu.memory_space<vmem>>
      %dma_start3A_119 = arith.constant 0 : i32
      %dma_start3A_120 = arith.constant 0 : i32
      %dma_start3A_121 = tpu.memref_slice %arg6[%dma_start3A_119, %dma_start3A_120] : memref<10240x16xf32, #tpu.memory_space<vmem_shared>> -> memref<10240x16xf32, #tpu.memory_space<vmem_shared>>
      tpu.enqueue_indirect_dma source(%arg8 : memref<40x16xf32, #tpu.memory_space<vmem>>) target(%dma_start3A_121 : memref<10240x16xf32, #tpu.memory_space<vmem_shared>>) offsets(%dma_start3A_118 : memref<40xi32, #tpu.memory_space<vmem>>) semaphore(%arg12 : memref<!tpu.dma_semaphore, #tpu.memory_space<semaphore_mem>>) {add = true}
      %add3A_122 = arith.constant 10 : i32
      %add3A_123 = arith.addi %add3A_115, %add3A_122 : i32
      %lt3A_124 = arith.constant 250 : i32
      %lt3A_125 = arith.cmpi slt, %add3A_123, %lt3A_124 : i32
      %convert_element_type3A_126 = arith.extui %lt3A_125 : i1 to i32
      %cond3A_127 = arith.constant 0 : i32
      %cond3A_128 = arith.cmpi ne, %convert_element_type3A_126, %cond3A_127 : i32
      scf.if %cond3A_128 {
        %dma_wait3A_231 = arith.constant 0 : i32
        %dma_wait3A_232 = tpu.memref_slice %arg7[%dma_wait3A_231] : memref<10000xi32, #tpu.memory_space<vmem>> -> memref<40xi32, #tpu.memory_space<vmem>>
        %dma_wait3A_233 = arith.constant 0 : i32
        %dma_wait3A_234 = arith.constant 0 : i32
        %dma_wait3A_235 = tpu.memref_slice %arg6[%dma_wait3A_233, %dma_wait3A_234] : memref<10240x16xf32, #tpu.memory_space<vmem_shared>> -> memref<10240x16xf32, #tpu.memory_space<vmem_shared>>
        tpu.wait_indirect_dma semaphore(%arg12 : memref<!tpu.dma_semaphore, #tpu.memory_space<semaphore_mem>>) src(%arg8 : memref<40x16xf32, #tpu.memory_space<vmem>>) dst(%dma_wait3A_235 : memref<10240x16xf32, #tpu.memory_space<vmem_shared>>)
      } else {
      }
      %mul3A_129 = arith.constant 10 : i32
      %mul3A_130 = arith.muli %scan3A_64, %mul3A_129 : i32
      %add3A_131 = arith.constant 4 : i32
      %add3A_132 = arith.addi %mul3A_130, %add3A_131 : i32
      %mul3A_133 = arith.constant 40 : i32
      %mul3A_134 = arith.muli %add3A_132, %mul3A_133 : i32
      %dma_start3A_135 = tpu.memref_slice %arg7[%mul3A_134] : memref<10000xi32, #tpu.memory_space<vmem>> -> memref<40xi32, #tpu.memory_space<vmem>>
      %dma_start3A_136 = arith.constant 0 : i32
      %dma_start3A_137 = arith.constant 0 : i32
      %dma_start3A_138 = tpu.memref_slice %arg6[%dma_start3A_136, %dma_start3A_137] : memref<10240x16xf32, #tpu.memory_space<vmem_shared>> -> memref<10240x16xf32, #tpu.memory_space<vmem_shared>>
      tpu.enqueue_indirect_dma source(%arg8 : memref<40x16xf32, #tpu.memory_space<vmem>>) target(%dma_start3A_138 : memref<10240x16xf32, #tpu.memory_space<vmem_shared>>) offsets(%dma_start3A_135 : memref<40xi32, #tpu.memory_space<vmem>>) semaphore(%arg13 : memref<!tpu.dma_semaphore, #tpu.memory_space<semaphore_mem>>) {add = true}
      %add3A_139 = arith.constant 10 : i32
      %add3A_140 = arith.addi %add3A_132, %add3A_139 : i32
      %lt3A_141 = arith.constant 250 : i32
      %lt3A_142 = arith.cmpi slt, %add3A_140, %lt3A_141 : i32
      %convert_element_type3A_143 = arith.extui %lt3A_142 : i1 to i32
      %cond3A_144 = arith.constant 0 : i32
      %cond3A_145 = arith.cmpi ne, %convert_element_type3A_143, %cond3A_144 : i32
      scf.if %cond3A_145 {
        %dma_wait3A_231 = arith.constant 0 : i32
        %dma_wait3A_232 = tpu.memref_slice %arg7[%dma_wait3A_231] : memref<10000xi32, #tpu.memory_space<vmem>> -> memref<40xi32, #tpu.memory_space<vmem>>
        %dma_wait3A_233 = arith.constant 0 : i32
        %dma_wait3A_234 = arith.constant 0 : i32
        %dma_wait3A_235 = tpu.memref_slice %arg6[%dma_wait3A_233, %dma_wait3A_234] : memref<10240x16xf32, #tpu.memory_space<vmem_shared>> -> memref<10240x16xf32, #tpu.memory_space<vmem_shared>>
        tpu.wait_indirect_dma semaphore(%arg13 : memref<!tpu.dma_semaphore, #tpu.memory_space<semaphore_mem>>) src(%arg8 : memref<40x16xf32, #tpu.memory_space<vmem>>) dst(%dma_wait3A_235 : memref<10240x16xf32, #tpu.memory_space<vmem_shared>>)
      } else {
      }
      %mul3A_146 = arith.constant 10 : i32
      %mul3A_147 = arith.muli %scan3A_64, %mul3A_146 : i32
      %add3A_148 = arith.constant 5 : i32
      %add3A_149 = arith.addi %mul3A_147, %add3A_148 : i32
      %mul3A_150 = arith.constant 40 : i32
      %mul3A_151 = arith.muli %add3A_149, %mul3A_150 : i32
      %dma_start3A_152 = tpu.memref_slice %arg7[%mul3A_151] : memref<10000xi32, #tpu.memory_space<vmem>> -> memref<40xi32, #tpu.memory_space<vmem>>
      %dma_start3A_153 = arith.constant 0 : i32
      %dma_start3A_154 = arith.constant 0 : i32
      %dma_start3A_155 = tpu.memref_slice %arg6[%dma_start3A_153, %dma_start3A_154] : memref<10240x16xf32, #tpu.memory_space<vmem_shared>> -> memref<10240x16xf32, #tpu.memory_space<vmem_shared>>
      tpu.enqueue_indirect_dma source(%arg8 : memref<40x16xf32, #tpu.memory_space<vmem>>) target(%dma_start3A_155 : memref<10240x16xf32, #tpu.memory_space<vmem_shared>>) offsets(%dma_start3A_152 : memref<40xi32, #tpu.memory_space<vmem>>) semaphore(%arg14 : memref<!tpu.dma_semaphore, #tpu.memory_space<semaphore_mem>>) {add = true}
      %add3A_156 = arith.constant 10 : i32
      %add3A_157 = arith.addi %add3A_149, %add3A_156 : i32
      %lt3A_158 = arith.constant 250 : i32
      %lt3A_159 = arith.cmpi slt, %add3A_157, %lt3A_158 : i32
      %convert_element_type3A_160 = arith.extui %lt3A_159 : i1 to i32
      %cond3A_161 = arith.constant 0 : i32
      %cond3A_162 = arith.cmpi ne, %convert_element_type3A_160, %cond3A_161 : i32
      scf.if %cond3A_162 {
        %dma_wait3A_231 = arith.constant 0 : i32
        %dma_wait3A_232 = tpu.memref_slice %arg7[%dma_wait3A_231] : memref<10000xi32, #tpu.memory_space<vmem>> -> memref<40xi32, #tpu.memory_space<vmem>>
        %dma_wait3A_233 = arith.constant 0 : i32
        %dma_wait3A_234 = arith.constant 0 : i32
        %dma_wait3A_235 = tpu.memref_slice %arg6[%dma_wait3A_233, %dma_wait3A_234] : memref<10240x16xf32, #tpu.memory_space<vmem_shared>> -> memref<10240x16xf32, #tpu.memory_space<vmem_shared>>
        tpu.wait_indirect_dma semaphore(%arg14 : memref<!tpu.dma_semaphore, #tpu.memory_space<semaphore_mem>>) src(%arg8 : memref<40x16xf32, #tpu.memory_space<vmem>>) dst(%dma_wait3A_235 : memref<10240x16xf32, #tpu.memory_space<vmem_shared>>)
      } else {
      }
      %mul3A_163 = arith.constant 10 : i32
      %mul3A_164 = arith.muli %scan3A_64, %mul3A_163 : i32
      %add3A_165 = arith.constant 6 : i32
      %add3A_166 = arith.addi %mul3A_164, %add3A_165 : i32
      %mul3A_167 = arith.constant 40 : i32
      %mul3A_168 = arith.muli %add3A_166, %mul3A_167 : i32
      %dma_start3A_169 = tpu.memref_slice %arg7[%mul3A_168] : memref<10000xi32, #tpu.memory_space<vmem>> -> memref<40xi32, #tpu.memory_space<vmem>>
      %dma_start3A_170 = arith.constant 0 : i32
      %dma_start3A_171 = arith.constant 0 : i32
      %dma_start3A_172 = tpu.memref_slice %arg6[%dma_start3A_170, %dma_start3A_171] : memref<10240x16xf32, #tpu.memory_space<vmem_shared>> -> memref<10240x16xf32, #tpu.memory_space<vmem_shared>>
      tpu.enqueue_indirect_dma source(%arg8 : memref<40x16xf32, #tpu.memory_space<vmem>>) target(%dma_start3A_172 : memref<10240x16xf32, #tpu.memory_space<vmem_shared>>) offsets(%dma_start3A_169 : memref<40xi32, #tpu.memory_space<vmem>>) semaphore(%arg15 : memref<!tpu.dma_semaphore, #tpu.memory_space<semaphore_mem>>) {add = true}
      %add3A_173 = arith.constant 10 : i32
      %add3A_174 = arith.addi %add3A_166, %add3A_173 : i32
      %lt3A_175 = arith.constant 250 : i32
      %lt3A_176 = arith.cmpi slt, %add3A_174, %lt3A_175 : i32
      %convert_element_type3A_177 = arith.extui %lt3A_176 : i1 to i32
      %cond3A_178 = arith.constant 0 : i32
      %cond3A_179 = arith.cmpi ne, %convert_element_type3A_177, %cond3A_178 : i32
      scf.if %cond3A_179 {
        %dma_wait3A_231 = arith.constant 0 : i32
        %dma_wait3A_232 = tpu.memref_slice %arg7[%dma_wait3A_231] : memref<10000xi32, #tpu.memory_space<vmem>> -> memref<40xi32, #tpu.memory_space<vmem>>
        %dma_wait3A_233 = arith.constant 0 : i32
        %dma_wait3A_234 = arith.constant 0 : i32
        %dma_wait3A_235 = tpu.memref_slice %arg6[%dma_wait3A_233, %dma_wait3A_234] : memref<10240x16xf32, #tpu.memory_space<vmem_shared>> -> memref<10240x16xf32, #tpu.memory_space<vmem_shared>>
        tpu.wait_indirect_dma semaphore(%arg15 : memref<!tpu.dma_semaphore, #tpu.memory_space<semaphore_mem>>) src(%arg8 : memref<40x16xf32, #tpu.memory_space<vmem>>) dst(%dma_wait3A_235 : memref<10240x16xf32, #tpu.memory_space<vmem_shared>>)
      } else {
      }
      %mul3A_180 = arith.constant 10 : i32
      %mul3A_181 = arith.muli %scan3A_64, %mul3A_180 : i32
      %add3A_182 = arith.constant 7 : i32
      %add3A_183 = arith.addi %mul3A_181, %add3A_182 : i32
      %mul3A_184 = arith.constant 40 : i32
      %mul3A_185 = arith.muli %add3A_183, %mul3A_184 : i32
      %dma_start3A_186 = tpu.memref_slice %arg7[%mul3A_185] : memref<10000xi32, #tpu.memory_space<vmem>> -> memref<40xi32, #tpu.memory_space<vmem>>
      %dma_start3A_187 = arith.constant 0 : i32
      %dma_start3A_188 = arith.constant 0 : i32
      %dma_start3A_189 = tpu.memref_slice %arg6[%dma_start3A_187, %dma_start3A_188] : memref<10240x16xf32, #tpu.memory_space<vmem_shared>> -> memref<10240x16xf32, #tpu.memory_space<vmem_shared>>
      tpu.enqueue_indirect_dma source(%arg8 : memref<40x16xf32, #tpu.memory_space<vmem>>) target(%dma_start3A_189 : memref<10240x16xf32, #tpu.memory_space<vmem_shared>>) offsets(%dma_start3A_186 : memref<40xi32, #tpu.memory_space<vmem>>) semaphore(%arg16 : memref<!tpu.dma_semaphore, #tpu.memory_space<semaphore_mem>>) {add = true}
      %add3A_190 = arith.constant 10 : i32
      %add3A_191 = arith.addi %add3A_183, %add3A_190 : i32
      %lt3A_192 = arith.constant 250 : i32
      %lt3A_193 = arith.cmpi slt, %add3A_191, %lt3A_192 : i32
      %convert_element_type3A_194 = arith.extui %lt3A_193 : i1 to i32
      %cond3A_195 = arith.constant 0 : i32
      %cond3A_196 = arith.cmpi ne, %convert_element_type3A_194, %cond3A_195 : i32
      scf.if %cond3A_196 {
        %dma_wait3A_231 = arith.constant 0 : i32
        %dma_wait3A_232 = tpu.memref_slice %arg7[%dma_wait3A_231] : memref<10000xi32, #tpu.memory_space<vmem>> -> memref<40xi32, #tpu.memory_space<vmem>>
        %dma_wait3A_233 = arith.constant 0 : i32
        %dma_wait3A_234 = arith.constant 0 : i32
        %dma_wait3A_235 = tpu.memref_slice %arg6[%dma_wait3A_233, %dma_wait3A_234] : memref<10240x16xf32, #tpu.memory_space<vmem_shared>> -> memref<10240x16xf32, #tpu.memory_space<vmem_shared>>
        tpu.wait_indirect_dma semaphore(%arg16 : memref<!tpu.dma_semaphore, #tpu.memory_space<semaphore_mem>>) src(%arg8 : memref<40x16xf32, #tpu.memory_space<vmem>>) dst(%dma_wait3A_235 : memref<10240x16xf32, #tpu.memory_space<vmem_shared>>)
      } else {
      }
      %mul3A_197 = arith.constant 10 : i32
      %mul3A_198 = arith.muli %scan3A_64, %mul3A_197 : i32
      %add3A_199 = arith.constant 8 : i32
      %add3A_200 = arith.addi %mul3A_198, %add3A_199 : i32
      %mul3A_201 = arith.constant 40 : i32
      %mul3A_202 = arith.muli %add3A_200, %mul3A_201 : i32
      %dma_start3A_203 = tpu.memref_slice %arg7[%mul3A_202] : memref<10000xi32, #tpu.memory_space<vmem>> -> memref<40xi32, #tpu.memory_space<vmem>>
      %dma_start3A_204 = arith.constant 0 : i32
      %dma_start3A_205 = arith.constant 0 : i32
      %dma_start3A_206 = tpu.memref_slice %arg6[%dma_start3A_204, %dma_start3A_205] : memref<10240x16xf32, #tpu.memory_space<vmem_shared>> -> memref<10240x16xf32, #tpu.memory_space<vmem_shared>>
      tpu.enqueue_indirect_dma source(%arg8 : memref<40x16xf32, #tpu.memory_space<vmem>>) target(%dma_start3A_206 : memref<10240x16xf32, #tpu.memory_space<vmem_shared>>) offsets(%dma_start3A_203 : memref<40xi32, #tpu.memory_space<vmem>>) semaphore(%arg17 : memref<!tpu.dma_semaphore, #tpu.memory_space<semaphore_mem>>) {add = true}
      %add3A_207 = arith.constant 10 : i32
      %add3A_208 = arith.addi %add3A_200, %add3A_207 : i32
      %lt3A_209 = arith.constant 250 : i32
      %lt3A_210 = arith.cmpi slt, %add3A_208, %lt3A_209 : i32
      %convert_element_type3A_211 = arith.extui %lt3A_210 : i1 to i32
      %cond3A_212 = arith.constant 0 : i32
      %cond3A_213 = arith.cmpi ne, %convert_element_type3A_211, %cond3A_212 : i32
      scf.if %cond3A_213 {
        %dma_wait3A_231 = arith.constant 0 : i32
        %dma_wait3A_232 = tpu.memref_slice %arg7[%dma_wait3A_231] : memref<10000xi32, #tpu.memory_space<vmem>> -> memref<40xi32, #tpu.memory_space<vmem>>
        %dma_wait3A_233 = arith.constant 0 : i32
        %dma_wait3A_234 = arith.constant 0 : i32
        %dma_wait3A_235 = tpu.memref_slice %arg6[%dma_wait3A_233, %dma_wait3A_234] : memref<10240x16xf32, #tpu.memory_space<vmem_shared>> -> memref<10240x16xf32, #tpu.memory_space<vmem_shared>>
        tpu.wait_indirect_dma semaphore(%arg17 : memref<!tpu.dma_semaphore, #tpu.memory_space<semaphore_mem>>) src(%arg8 : memref<40x16xf32, #tpu.memory_space<vmem>>) dst(%dma_wait3A_235 : memref<10240x16xf32, #tpu.memory_space<vmem_shared>>)
      } else {
      }
      %mul3A_214 = arith.constant 10 : i32
      %mul3A_215 = arith.muli %scan3A_64, %mul3A_214 : i32
      %add3A_216 = arith.constant 9 : i32
      %add3A_217 = arith.addi %mul3A_215, %add3A_216 : i32
      %mul3A_218 = arith.constant 40 : i32
      %mul3A_219 = arith.muli %add3A_217, %mul3A_218 : i32
      %dma_start3A_220 = tpu.memref_slice %arg7[%mul3A_219] : memref<10000xi32, #tpu.memory_space<vmem>> -> memref<40xi32, #tpu.memory_space<vmem>>
      %dma_start3A_221 = arith.constant 0 : i32
      %dma_start3A_222 = arith.constant 0 : i32
      %dma_start3A_223 = tpu.memref_slice %arg6[%dma_start3A_221, %dma_start3A_222] : memref<10240x16xf32, #tpu.memory_space<vmem_shared>> -> memref<10240x16xf32, #tpu.memory_space<vmem_shared>>
      tpu.enqueue_indirect_dma source(%arg8 : memref<40x16xf32, #tpu.memory_space<vmem>>) target(%dma_start3A_223 : memref<10240x16xf32, #tpu.memory_space<vmem_shared>>) offsets(%dma_start3A_220 : memref<40xi32, #tpu.memory_space<vmem>>) semaphore(%arg18 : memref<!tpu.dma_semaphore, #tpu.memory_space<semaphore_mem>>) {add = true}
      %add3A_224 = arith.constant 10 : i32
      %add3A_225 = arith.addi %add3A_217, %add3A_224 : i32
      %lt3A_226 = arith.constant 250 : i32
      %lt3A_227 = arith.cmpi slt, %add3A_225, %lt3A_226 : i32
      %convert_element_type3A_228 = arith.extui %lt3A_227 : i1 to i32
      %cond3A_229 = arith.constant 0 : i32
      %cond3A_230 = arith.cmpi ne, %convert_element_type3A_228, %cond3A_229 : i32
      scf.if %cond3A_230 {
        %dma_wait3A_231 = arith.constant 0 : i32
        %dma_wait3A_232 = tpu.memref_slice %arg7[%dma_wait3A_231] : memref<10000xi32, #tpu.memory_space<vmem>> -> memref<40xi32, #tpu.memory_space<vmem>>
        %dma_wait3A_233 = arith.constant 0 : i32
        %dma_wait3A_234 = arith.constant 0 : i32
        %dma_wait3A_235 = tpu.memref_slice %arg6[%dma_wait3A_233, %dma_wait3A_234] : memref<10240x16xf32, #tpu.memory_space<vmem_shared>> -> memref<10240x16xf32, #tpu.memory_space<vmem_shared>>
        tpu.wait_indirect_dma semaphore(%arg18 : memref<!tpu.dma_semaphore, #tpu.memory_space<semaphore_mem>>) src(%arg8 : memref<40x16xf32, #tpu.memory_space<vmem>>) dst(%dma_wait3A_235 : memref<10240x16xf32, #tpu.memory_space<vmem_shared>>)
      } else {
      }
    }
    %scan3A_9 = arith.constant 25 : i32
    %dma_wait3A = arith.constant 0 : i32
    %dma_wait3A_10 = tpu.memref_slice %arg7[%dma_wait3A] : memref<10000xi32, #tpu.memory_space<vmem>> -> memref<40xi32, #tpu.memory_space<vmem>>
    %dma_wait3A_11 = arith.constant 0 : i32
    %dma_wait3A_12 = arith.constant 0 : i32
    %dma_wait3A_13 = tpu.memref_slice %arg6[%dma_wait3A_11, %dma_wait3A_12] : memref<10240x16xf32, #tpu.memory_space<vmem_shared>> -> memref<10240x16xf32, #tpu.memory_space<vmem_shared>>
    tpu.wait_indirect_dma semaphore(%arg9 : memref<!tpu.dma_semaphore, #tpu.memory_space<semaphore_mem>>) src(%arg8 : memref<40x16xf32, #tpu.memory_space<vmem>>) dst(%dma_wait3A_13 : memref<10240x16xf32, #tpu.memory_space<vmem_shared>>)
    %dma_wait3A_14 = arith.constant 0 : i32
    %dma_wait3A_15 = tpu.memref_slice %arg7[%dma_wait3A_14] : memref<10000xi32, #tpu.memory_space<vmem>> -> memref<40xi32, #tpu.memory_space<vmem>>
    %dma_wait3A_16 = arith.constant 0 : i32
    %dma_wait3A_17 = arith.constant 0 : i32
    %dma_wait3A_18 = tpu.memref_slice %arg6[%dma_wait3A_16, %dma_wait3A_17] : memref<10240x16xf32, #tpu.memory_space<vmem_shared>> -> memref<10240x16xf32, #tpu.memory_space<vmem_shared>>
    tpu.wait_indirect_dma semaphore(%arg10 : memref<!tpu.dma_semaphore, #tpu.memory_space<semaphore_mem>>) src(%arg8 : memref<40x16xf32, #tpu.memory_space<vmem>>) dst(%dma_wait3A_18 : memref<10240x16xf32, #tpu.memory_space<vmem_shared>>)
    %dma_wait3A_19 = arith.constant 0 : i32
    %dma_wait3A_20 = tpu.memref_slice %arg7[%dma_wait3A_19] : memref<10000xi32, #tpu.memory_space<vmem>> -> memref<40xi32, #tpu.memory_space<vmem>>
    %dma_wait3A_21 = arith.constant 0 : i32
    %dma_wait3A_22 = arith.constant 0 : i32
    %dma_wait3A_23 = tpu.memref_slice %arg6[%dma_wait3A_21, %dma_wait3A_22] : memref<10240x16xf32, #tpu.memory_space<vmem_shared>> -> memref<10240x16xf32, #tpu.memory_space<vmem_shared>>
    tpu.wait_indirect_dma semaphore(%arg11 : memref<!tpu.dma_semaphore, #tpu.memory_space<semaphore_mem>>) src(%arg8 : memref<40x16xf32, #tpu.memory_space<vmem>>) dst(%dma_wait3A_23 : memref<10240x16xf32, #tpu.memory_space<vmem_shared>>)
    %dma_wait3A_24 = arith.constant 0 : i32
    %dma_wait3A_25 = tpu.memref_slice %arg7[%dma_wait3A_24] : memref<10000xi32, #tpu.memory_space<vmem>> -> memref<40xi32, #tpu.memory_space<vmem>>
    %dma_wait3A_26 = arith.constant 0 : i32
    %dma_wait3A_27 = arith.constant 0 : i32
    %dma_wait3A_28 = tpu.memref_slice %arg6[%dma_wait3A_26, %dma_wait3A_27] : memref<10240x16xf32, #tpu.memory_space<vmem_shared>> -> memref<10240x16xf32, #tpu.memory_space<vmem_shared>>
    tpu.wait_indirect_dma semaphore(%arg12 : memref<!tpu.dma_semaphore, #tpu.memory_space<semaphore_mem>>) src(%arg8 : memref<40x16xf32, #tpu.memory_space<vmem>>) dst(%dma_wait3A_28 : memref<10240x16xf32, #tpu.memory_space<vmem_shared>>)
    %dma_wait3A_29 = arith.constant 0 : i32
    %dma_wait3A_30 = tpu.memref_slice %arg7[%dma_wait3A_29] : memref<10000xi32, #tpu.memory_space<vmem>> -> memref<40xi32, #tpu.memory_space<vmem>>
    %dma_wait3A_31 = arith.constant 0 : i32
    %dma_wait3A_32 = arith.constant 0 : i32
    %dma_wait3A_33 = tpu.memref_slice %arg6[%dma_wait3A_31, %dma_wait3A_32] : memref<10240x16xf32, #tpu.memory_space<vmem_shared>> -> memref<10240x16xf32, #tpu.memory_space<vmem_shared>>
    tpu.wait_indirect_dma semaphore(%arg13 : memref<!tpu.dma_semaphore, #tpu.memory_space<semaphore_mem>>) src(%arg8 : memref<40x16xf32, #tpu.memory_space<vmem>>) dst(%dma_wait3A_33 : memref<10240x16xf32, #tpu.memory_space<vmem_shared>>)
    %dma_wait3A_34 = arith.constant 0 : i32
    %dma_wait3A_35 = tpu.memref_slice %arg7[%dma_wait3A_34] : memref<10000xi32, #tpu.memory_space<vmem>> -> memref<40xi32, #tpu.memory_space<vmem>>
    %dma_wait3A_36 = arith.constant 0 : i32
    %dma_wait3A_37 = arith.constant 0 : i32
    %dma_wait3A_38 = tpu.memref_slice %arg6[%dma_wait3A_36, %dma_wait3A_37] : memref<10240x16xf32, #tpu.memory_space<vmem_shared>> -> memref<10240x16xf32, #tpu.memory_space<vmem_shared>>
    tpu.wait_indirect_dma semaphore(%arg14 : memref<!tpu.dma_semaphore, #tpu.memory_space<semaphore_mem>>) src(%arg8 : memref<40x16xf32, #tpu.memory_space<vmem>>) dst(%dma_wait3A_38 : memref<10240x16xf32, #tpu.memory_space<vmem_shared>>)
    %dma_wait3A_39 = arith.constant 0 : i32
    %dma_wait3A_40 = tpu.memref_slice %arg7[%dma_wait3A_39] : memref<10000xi32, #tpu.memory_space<vmem>> -> memref<40xi32, #tpu.memory_space<vmem>>
    %dma_wait3A_41 = arith.constant 0 : i32
    %dma_wait3A_42 = arith.constant 0 : i32
    %dma_wait3A_43 = tpu.memref_slice %arg6[%dma_wait3A_41, %dma_wait3A_42] : memref<10240x16xf32, #tpu.memory_space<vmem_shared>> -> memref<10240x16xf32, #tpu.memory_space<vmem_shared>>
    tpu.wait_indirect_dma semaphore(%arg15 : memref<!tpu.dma_semaphore, #tpu.memory_space<semaphore_mem>>) src(%arg8 : memref<40x16xf32, #tpu.memory_space<vmem>>) dst(%dma_wait3A_43 : memref<10240x16xf32, #tpu.memory_space<vmem_shared>>)
    %dma_wait3A_44 = arith.constant 0 : i32
    %dma_wait3A_45 = tpu.memref_slice %arg7[%dma_wait3A_44] : memref<10000xi32, #tpu.memory_space<vmem>> -> memref<40xi32, #tpu.memory_space<vmem>>
    %dma_wait3A_46 = arith.constant 0 : i32
    %dma_wait3A_47 = arith.constant 0 : i32
    %dma_wait3A_48 = tpu.memref_slice %arg6[%dma_wait3A_46, %dma_wait3A_47] : memref<10240x16xf32, #tpu.memory_space<vmem_shared>> -> memref<10240x16xf32, #tpu.memory_space<vmem_shared>>
    tpu.wait_indirect_dma semaphore(%arg16 : memref<!tpu.dma_semaphore, #tpu.memory_space<semaphore_mem>>) src(%arg8 : memref<40x16xf32, #tpu.memory_space<vmem>>) dst(%dma_wait3A_48 : memref<10240x16xf32, #tpu.memory_space<vmem_shared>>)
    %dma_wait3A_49 = arith.constant 0 : i32
    %dma_wait3A_50 = tpu.memref_slice %arg7[%dma_wait3A_49] : memref<10000xi32, #tpu.memory_space<vmem>> -> memref<40xi32, #tpu.memory_space<vmem>>
    %dma_wait3A_51 = arith.constant 0 : i32
    %dma_wait3A_52 = arith.constant 0 : i32
    %dma_wait3A_53 = tpu.memref_slice %arg6[%dma_wait3A_51, %dma_wait3A_52] : memref<10240x16xf32, #tpu.memory_space<vmem_shared>> -> memref<10240x16xf32, #tpu.memory_space<vmem_shared>>
    tpu.wait_indirect_dma semaphore(%arg17 : memref<!tpu.dma_semaphore, #tpu.memory_space<semaphore_mem>>) src(%arg8 : memref<40x16xf32, #tpu.memory_space<vmem>>) dst(%dma_wait3A_53 : memref<10240x16xf32, #tpu.memory_space<vmem_shared>>)
    %dma_wait3A_54 = arith.constant 0 : i32
    %dma_wait3A_55 = tpu.memref_slice %arg7[%dma_wait3A_54] : memref<10000xi32, #tpu.memory_space<vmem>> -> memref<40xi32, #tpu.memory_space<vmem>>
    %dma_wait3A_56 = arith.constant 0 : i32
    %dma_wait3A_57 = arith.constant 0 : i32
    %dma_wait3A_58 = tpu.memref_slice %arg6[%dma_wait3A_56, %dma_wait3A_57] : memref<10240x16xf32, #tpu.memory_space<vmem_shared>> -> memref<10240x16xf32, #tpu.memory_space<vmem_shared>>
    tpu.wait_indirect_dma semaphore(%arg18 : memref<!tpu.dma_semaphore, #tpu.memory_space<semaphore_mem>>) src(%arg8 : memref<40x16xf32, #tpu.memory_space<vmem>>) dst(%dma_wait3A_58 : memref<10240x16xf32, #tpu.memory_space<vmem_shared>>)
    %barrier3A_59 = arith.constant 0 : index
    tpu.barrier barrier_id(%barrier3A_59)
    %mul3A_60 = arith.constant 640 : i32
    %mul3A_61 = arith.muli %arg1, %mul3A_60 : i32
    %mul3A_62 = arith.constant 640 : i32
    %mul3A_63 = arith.muli %arg1, %mul3A_62 : i32
    "tpu.region"() ({
      %run_scoped3A_64 = tpu.sem_alloc : memref<!tpu.dma_semaphore, #tpu.memory_space<semaphore_mem>>
      %dma_start3A = arith.constant 0 : i32
      %dma_start3A_65 = tpu.memref_slice %arg5[%arg0, %mul3A_63, %dma_start3A] : memref<2x10240x16xf32, #tpu.memory_space<hbm>> -> memref<1x640x16xf32, #tpu.memory_space<hbm>>
      %dma_start3A_66 = tpu.memref_squeeze %dma_start3A_65 : memref<1x640x16xf32, #tpu.memory_space<hbm>> -> memref<640x16xf32, #tpu.memory_space<hbm>>
      %dma_start3A_67 = arith.constant 0 : i32
      %dma_start3A_68 = tpu.memref_slice %arg6[%mul3A_61, %dma_start3A_67] : memref<10240x16xf32, #tpu.memory_space<vmem_shared>> -> memref<640x16xf32, #tpu.memory_space<vmem_shared>>
      tpu.enqueue_dma source(%dma_start3A_68 : memref<640x16xf32, #tpu.memory_space<vmem_shared>>) target(%dma_start3A_66 : memref<640x16xf32, #tpu.memory_space<hbm>>) target_semaphore(%run_scoped3A_64 : memref<!tpu.dma_semaphore, #tpu.memory_space<semaphore_mem>>)
      %dma_wait3A_69 = arith.constant 0 : i32
      %dma_wait3A_70 = tpu.memref_slice %arg5[%arg0, %mul3A_63, %dma_wait3A_69] : memref<2x10240x16xf32, #tpu.memory_space<hbm>> -> memref<1x640x16xf32, #tpu.memory_space<hbm>>
      %dma_wait3A_71 = tpu.memref_squeeze %dma_wait3A_70 : memref<1x640x16xf32, #tpu.memory_space<hbm>> -> memref<640x16xf32, #tpu.memory_space<hbm>>
      %dma_wait3A_72 = arith.constant 0 : i32
      %dma_wait3A_73 = tpu.memref_slice %arg6[%mul3A_61, %dma_wait3A_72] : memref<10240x16xf32, #tpu.memory_space<vmem_shared>> -> memref<640x16xf32, #tpu.memory_space<vmem_shared>>
      tpu.wait_dma2 semaphore(%run_scoped3A_64 : memref<!tpu.dma_semaphore, #tpu.memory_space<semaphore_mem>>) src(%dma_wait3A_73 : memref<640x16xf32, #tpu.memory_space<vmem_shared>>) dst(%dma_wait3A_71 : memref<640x16xf32, #tpu.memory_space<hbm>>)
      tpu.yield
    }) : () -> ()
    return
  }
}

#map = affine_map<(d0, d1) -> (0, 0)>
#map1 = affine_map<(d0, d1) -> (0, 0, 0)>
module attributes {stable_mosaic.version = 14 : i64} {
  func.func @_edge_body(%arg0: i32, %arg1: i32, %arg2: memref<10000x128xf32, #tpu.memory_space<hbm>>, %arg3: memref<2x320000xi32, #tpu.memory_space<hbm>>, %arg4: memref<640x128xf32, #tpu.memory_space<hbm>>, %arg5: memref<2x10240x128xf32, #tpu.memory_space<hbm>>, %arg6: memref<10240x128xf32, #tpu.memory_space<vmem_shared>>, %arg7: memref<10000xi32, #tpu.memory_space<vmem>>, %arg8: memref<10000xi32, #tpu.memory_space<vmem>>, %arg9: memref<40x128xf32, #tpu.memory_space<vmem>>, %arg10: memref<40x128xf32, #tpu.memory_space<vmem>>, %arg11: memref<40x128xf32, #tpu.memory_space<vmem>>, %arg12: memref<40x128xf32, #tpu.memory_space<vmem>>, %arg13: memref<40x128xf32, #tpu.memory_space<vmem>>, %arg14: memref<!tpu.dma_semaphore, #tpu.memory_space<semaphore_mem>>, %arg15: memref<!tpu.dma_semaphore, #tpu.memory_space<semaphore_mem>>, %arg16: memref<!tpu.dma_semaphore, #tpu.memory_space<semaphore_mem>>, %arg17: memref<!tpu.dma_semaphore, #tpu.memory_space<semaphore_mem>>, %arg18: memref<!tpu.dma_semaphore, #tpu.memory_space<semaphore_mem>>, %arg19: memref<!tpu.dma_semaphore, #tpu.memory_space<semaphore_mem>>, %arg20: memref<!tpu.dma_semaphore, #tpu.memory_space<semaphore_mem>>, %arg21: memref<!tpu.dma_semaphore, #tpu.memory_space<semaphore_mem>>, %arg22: memref<!tpu.dma_semaphore, #tpu.memory_space<semaphore_mem>>, %arg23: memref<!tpu.dma_semaphore, #tpu.memory_space<semaphore_mem>>) attributes {dimension_semantics = [#tpu.dimension_semantics<core_parallel>, #tpu.dimension_semantics<subcore_parallel>], iteration_bounds = array<i64: 2, 16>, scalar_prefetch = 0 : i64, scratch_operands = 18 : i64, tpu.core_type = #tpu.core_type<sc_vector_subcore>, window_params = [{transform_indices = #map}, {transform_indices = #map}, {transform_indices = #map}, {transform_indices = #map1}]} {
    %mul3A = arith.constant 16 : i32
    %mul3A_0 = arith.muli %arg0, %mul3A : i32
    %add3A = arith.addi %mul3A_0, %arg1 : i32
    %mul3A_1 = arith.constant 640 : i32
    %mul3A_2 = arith.muli %arg1, %mul3A_1 : i32
    "tpu.region"() ({
      %run_scoped3A_66 = tpu.sem_alloc : memref<!tpu.dma_semaphore, #tpu.memory_space<semaphore_mem>>
      %dma_start3A_67 = arith.constant 0 : i32
      %dma_start3A_68 = tpu.memref_slice %arg6[%mul3A_2, %dma_start3A_67] : memref<10240x128xf32, #tpu.memory_space<vmem_shared>> -> memref<640x128xf32, #tpu.memory_space<vmem_shared>>
      tpu.enqueue_dma source(%arg4 : memref<640x128xf32, #tpu.memory_space<hbm>>) target(%dma_start3A_68 : memref<640x128xf32, #tpu.memory_space<vmem_shared>>) target_semaphore(%run_scoped3A_66 : memref<!tpu.dma_semaphore, #tpu.memory_space<semaphore_mem>>)
      %dma_wait3A_69 = arith.constant 0 : i32
      %dma_wait3A_70 = tpu.memref_slice %arg6[%mul3A_2, %dma_wait3A_69] : memref<10240x128xf32, #tpu.memory_space<vmem_shared>> -> memref<640x128xf32, #tpu.memory_space<vmem_shared>>
      tpu.wait_dma2 semaphore(%run_scoped3A_66 : memref<!tpu.dma_semaphore, #tpu.memory_space<semaphore_mem>>) src(%arg4 : memref<640x128xf32, #tpu.memory_space<hbm>>) dst(%dma_wait3A_70 : memref<640x128xf32, #tpu.memory_space<vmem_shared>>)
      tpu.yield
    }) : () -> ()
    %mul3A_3 = arith.constant 10000 : i32
    %mul3A_4 = arith.muli %add3A, %mul3A_3 : i32
    %run_scoped3A = arith.constant 0 : i32
    "tpu.region"() ({
      %run_scoped3A_66 = tpu.sem_alloc : memref<!tpu.dma_semaphore, #tpu.memory_space<semaphore_mem>>
      %dma_start3A_67 = tpu.memref_slice %arg3[%run_scoped3A, %mul3A_4] : memref<2x320000xi32, #tpu.memory_space<hbm>> -> memref<1x10000xi32, #tpu.memory_space<hbm>>
      %dma_start3A_68 = tpu.memref_squeeze %dma_start3A_67 : memref<1x10000xi32, #tpu.memory_space<hbm>> -> memref<10000xi32, #tpu.memory_space<hbm>>
      %dma_start3A_69 = tpu.memref_slice %arg3[%run_scoped3A, %mul3A_4] : memref<2x320000xi32, #tpu.memory_space<hbm>> -> memref<1x10000xi32, #tpu.memory_space<hbm>>
      %dma_start3A_70 = tpu.memref_squeeze %dma_start3A_69 : memref<1x10000xi32, #tpu.memory_space<hbm>> -> memref<10000xi32, #tpu.memory_space<hbm>>
      tpu.enqueue_dma source(%dma_start3A_70 : memref<10000xi32, #tpu.memory_space<hbm>>) target(%arg7 : memref<10000xi32, #tpu.memory_space<vmem>>) target_semaphore(%run_scoped3A_66 : memref<!tpu.dma_semaphore, #tpu.memory_space<semaphore_mem>>)
      %dma_wait3A_71 = tpu.memref_slice %arg3[%run_scoped3A, %mul3A_4] : memref<2x320000xi32, #tpu.memory_space<hbm>> -> memref<1x10000xi32, #tpu.memory_space<hbm>>
      %dma_wait3A_72 = tpu.memref_squeeze %dma_wait3A_71 : memref<1x10000xi32, #tpu.memory_space<hbm>> -> memref<10000xi32, #tpu.memory_space<hbm>>
      %dma_wait3A_73 = tpu.memref_slice %arg3[%run_scoped3A, %mul3A_4] : memref<2x320000xi32, #tpu.memory_space<hbm>> -> memref<1x10000xi32, #tpu.memory_space<hbm>>
      %dma_wait3A_74 = tpu.memref_squeeze %dma_wait3A_73 : memref<1x10000xi32, #tpu.memory_space<hbm>> -> memref<10000xi32, #tpu.memory_space<hbm>>
      tpu.wait_dma2 semaphore(%run_scoped3A_66 : memref<!tpu.dma_semaphore, #tpu.memory_space<semaphore_mem>>) src(%dma_wait3A_74 : memref<10000xi32, #tpu.memory_space<hbm>>) dst(%arg7 : memref<10000xi32, #tpu.memory_space<vmem>>)
      tpu.yield
    }) : () -> ()
    %mul3A_5 = arith.constant 10000 : i32
    %mul3A_6 = arith.muli %add3A, %mul3A_5 : i32
    %run_scoped3A_7 = arith.constant 1 : i32
    "tpu.region"() ({
      %run_scoped3A_66 = tpu.sem_alloc : memref<!tpu.dma_semaphore, #tpu.memory_space<semaphore_mem>>
      %dma_start3A_67 = tpu.memref_slice %arg3[%run_scoped3A_7, %mul3A_6] : memref<2x320000xi32, #tpu.memory_space<hbm>> -> memref<1x10000xi32, #tpu.memory_space<hbm>>
      %dma_start3A_68 = tpu.memref_squeeze %dma_start3A_67 : memref<1x10000xi32, #tpu.memory_space<hbm>> -> memref<10000xi32, #tpu.memory_space<hbm>>
      %dma_start3A_69 = tpu.memref_slice %arg3[%run_scoped3A_7, %mul3A_6] : memref<2x320000xi32, #tpu.memory_space<hbm>> -> memref<1x10000xi32, #tpu.memory_space<hbm>>
      %dma_start3A_70 = tpu.memref_squeeze %dma_start3A_69 : memref<1x10000xi32, #tpu.memory_space<hbm>> -> memref<10000xi32, #tpu.memory_space<hbm>>
      tpu.enqueue_dma source(%dma_start3A_70 : memref<10000xi32, #tpu.memory_space<hbm>>) target(%arg8 : memref<10000xi32, #tpu.memory_space<vmem>>) target_semaphore(%run_scoped3A_66 : memref<!tpu.dma_semaphore, #tpu.memory_space<semaphore_mem>>)
      %dma_wait3A_71 = tpu.memref_slice %arg3[%run_scoped3A_7, %mul3A_6] : memref<2x320000xi32, #tpu.memory_space<hbm>> -> memref<1x10000xi32, #tpu.memory_space<hbm>>
      %dma_wait3A_72 = tpu.memref_squeeze %dma_wait3A_71 : memref<1x10000xi32, #tpu.memory_space<hbm>> -> memref<10000xi32, #tpu.memory_space<hbm>>
      %dma_wait3A_73 = tpu.memref_slice %arg3[%run_scoped3A_7, %mul3A_6] : memref<2x320000xi32, #tpu.memory_space<hbm>> -> memref<1x10000xi32, #tpu.memory_space<hbm>>
      %dma_wait3A_74 = tpu.memref_squeeze %dma_wait3A_73 : memref<1x10000xi32, #tpu.memory_space<hbm>> -> memref<10000xi32, #tpu.memory_space<hbm>>
      tpu.wait_dma2 semaphore(%run_scoped3A_66 : memref<!tpu.dma_semaphore, #tpu.memory_space<semaphore_mem>>) src(%dma_wait3A_74 : memref<10000xi32, #tpu.memory_space<hbm>>) dst(%arg8 : memref<10000xi32, #tpu.memory_space<vmem>>)
      tpu.yield
    }) : () -> ()
    %barrier3A = arith.constant 0 : index
    tpu.barrier barrier_id(%barrier3A)
    %dma_start3A = arith.constant 0 : i32
    %dma_start3A_8 = tpu.memref_slice %arg7[%dma_start3A] : memref<10000xi32, #tpu.memory_space<vmem>> -> memref<40xi32, #tpu.memory_space<vmem>>
    %dma_start3A_9 = arith.constant 0 : i32
    %dma_start3A_10 = arith.constant 0 : i32
    %dma_start3A_11 = tpu.memref_slice %arg2[%dma_start3A_9, %dma_start3A_10] : memref<10000x128xf32, #tpu.memory_space<hbm>> -> memref<10000x128xf32, #tpu.memory_space<hbm>>
    tpu.enqueue_indirect_dma source(%dma_start3A_11 : memref<10000x128xf32, #tpu.memory_space<hbm>>) target(%arg9 : memref<40x128xf32, #tpu.memory_space<vmem>>) offsets(%dma_start3A_8 : memref<40xi32, #tpu.memory_space<vmem>>) semaphore(%arg14 : memref<!tpu.dma_semaphore, #tpu.memory_space<semaphore_mem>>)
    %dma_start3A_12 = arith.constant 40 : i32
    %dma_start3A_13 = tpu.memref_slice %arg7[%dma_start3A_12] : memref<10000xi32, #tpu.memory_space<vmem>> -> memref<40xi32, #tpu.memory_space<vmem>>
    %dma_start3A_14 = arith.constant 0 : i32
    %dma_start3A_15 = arith.constant 0 : i32
    %dma_start3A_16 = tpu.memref_slice %arg2[%dma_start3A_14, %dma_start3A_15] : memref<10000x128xf32, #tpu.memory_space<hbm>> -> memref<10000x128xf32, #tpu.memory_space<hbm>>
    tpu.enqueue_indirect_dma source(%dma_start3A_16 : memref<10000x128xf32, #tpu.memory_space<hbm>>) target(%arg10 : memref<40x128xf32, #tpu.memory_space<vmem>>) offsets(%dma_start3A_13 : memref<40xi32, #tpu.memory_space<vmem>>) semaphore(%arg15 : memref<!tpu.dma_semaphore, #tpu.memory_space<semaphore_mem>>)
    %dma_start3A_17 = arith.constant 80 : i32
    %dma_start3A_18 = tpu.memref_slice %arg7[%dma_start3A_17] : memref<10000xi32, #tpu.memory_space<vmem>> -> memref<40xi32, #tpu.memory_space<vmem>>
    %dma_start3A_19 = arith.constant 0 : i32
    %dma_start3A_20 = arith.constant 0 : i32
    %dma_start3A_21 = tpu.memref_slice %arg2[%dma_start3A_19, %dma_start3A_20] : memref<10000x128xf32, #tpu.memory_space<hbm>> -> memref<10000x128xf32, #tpu.memory_space<hbm>>
    tpu.enqueue_indirect_dma source(%dma_start3A_21 : memref<10000x128xf32, #tpu.memory_space<hbm>>) target(%arg11 : memref<40x128xf32, #tpu.memory_space<vmem>>) offsets(%dma_start3A_18 : memref<40xi32, #tpu.memory_space<vmem>>) semaphore(%arg16 : memref<!tpu.dma_semaphore, #tpu.memory_space<semaphore_mem>>)
    %dma_start3A_22 = arith.constant 120 : i32
    %dma_start3A_23 = tpu.memref_slice %arg7[%dma_start3A_22] : memref<10000xi32, #tpu.memory_space<vmem>> -> memref<40xi32, #tpu.memory_space<vmem>>
    %dma_start3A_24 = arith.constant 0 : i32
    %dma_start3A_25 = arith.constant 0 : i32
    %dma_start3A_26 = tpu.memref_slice %arg2[%dma_start3A_24, %dma_start3A_25] : memref<10000x128xf32, #tpu.memory_space<hbm>> -> memref<10000x128xf32, #tpu.memory_space<hbm>>
    tpu.enqueue_indirect_dma source(%dma_start3A_26 : memref<10000x128xf32, #tpu.memory_space<hbm>>) target(%arg12 : memref<40x128xf32, #tpu.memory_space<vmem>>) offsets(%dma_start3A_23 : memref<40xi32, #tpu.memory_space<vmem>>) semaphore(%arg17 : memref<!tpu.dma_semaphore, #tpu.memory_space<semaphore_mem>>)
    %dma_start3A_27 = arith.constant 160 : i32
    %dma_start3A_28 = tpu.memref_slice %arg7[%dma_start3A_27] : memref<10000xi32, #tpu.memory_space<vmem>> -> memref<40xi32, #tpu.memory_space<vmem>>
    %dma_start3A_29 = arith.constant 0 : i32
    %dma_start3A_30 = arith.constant 0 : i32
    %dma_start3A_31 = tpu.memref_slice %arg2[%dma_start3A_29, %dma_start3A_30] : memref<10000x128xf32, #tpu.memory_space<hbm>> -> memref<10000x128xf32, #tpu.memory_space<hbm>>
    tpu.enqueue_indirect_dma source(%dma_start3A_31 : memref<10000x128xf32, #tpu.memory_space<hbm>>) target(%arg13 : memref<40x128xf32, #tpu.memory_space<vmem>>) offsets(%dma_start3A_28 : memref<40xi32, #tpu.memory_space<vmem>>) semaphore(%arg18 : memref<!tpu.dma_semaphore, #tpu.memory_space<semaphore_mem>>)
    %scan3A = arith.constant 0 : i32
    %scan3A_32 = arith.constant 0 : i32
    %scan3A_33 = arith.constant 50 : i32
    %scan3A_34 = arith.addi %scan3A_32, %scan3A_33 : i32
    %scan3A_35 = arith.constant 1 : i32
    scf.for %scan3A_66 = %scan3A_32 to %scan3A_34 step %scan3A_35  : i32 {
      %mul3A_67 = arith.constant 5 : i32
      %mul3A_68 = arith.muli %scan3A_66, %mul3A_67 : i32
      %add3A_69 = arith.constant 0 : i32
      %add3A_70 = arith.addi %mul3A_68, %add3A_69 : i32
      %mul3A_71 = arith.constant 40 : i32
      %mul3A_72 = arith.muli %add3A_70, %mul3A_71 : i32
      %dma_wait3A_73 = tpu.memref_slice %arg7[%mul3A_72] : memref<10000xi32, #tpu.memory_space<vmem>> -> memref<40xi32, #tpu.memory_space<vmem>>
      %dma_wait3A_74 = arith.constant 0 : i32
      %dma_wait3A_75 = arith.constant 0 : i32
      %dma_wait3A_76 = tpu.memref_slice %arg2[%dma_wait3A_74, %dma_wait3A_75] : memref<10000x128xf32, #tpu.memory_space<hbm>> -> memref<10000x128xf32, #tpu.memory_space<hbm>>
      tpu.wait_indirect_dma semaphore(%arg14 : memref<!tpu.dma_semaphore, #tpu.memory_space<semaphore_mem>>) src(%dma_wait3A_76 : memref<10000x128xf32, #tpu.memory_space<hbm>>) dst(%arg9 : memref<40x128xf32, #tpu.memory_space<vmem>>)
      %mul3A_77 = arith.constant 40 : i32
      %mul3A_78 = arith.muli %add3A_70, %mul3A_77 : i32
      %dma_start3A_79 = tpu.memref_slice %arg8[%mul3A_78] : memref<10000xi32, #tpu.memory_space<vmem>> -> memref<40xi32, #tpu.memory_space<vmem>>
      %dma_start3A_80 = arith.constant 0 : i32
      %dma_start3A_81 = arith.constant 0 : i32
      %dma_start3A_82 = tpu.memref_slice %arg6[%dma_start3A_80, %dma_start3A_81] : memref<10240x128xf32, #tpu.memory_space<vmem_shared>> -> memref<10240x128xf32, #tpu.memory_space<vmem_shared>>
      tpu.enqueue_indirect_dma source(%arg9 : memref<40x128xf32, #tpu.memory_space<vmem>>) target(%dma_start3A_82 : memref<10240x128xf32, #tpu.memory_space<vmem_shared>>) offsets(%dma_start3A_79 : memref<40xi32, #tpu.memory_space<vmem>>) semaphore(%arg19 : memref<!tpu.dma_semaphore, #tpu.memory_space<semaphore_mem>>) {add = true}
      %add3A_83 = arith.constant 5 : i32
      %add3A_84 = arith.addi %add3A_70, %add3A_83 : i32
      %lt3A = arith.constant 250 : i32
      %lt3A_85 = arith.cmpi slt, %add3A_84, %lt3A : i32
      %convert_element_type3A = arith.extui %lt3A_85 : i1 to i32
      %cond3A = arith.constant 0 : i32
      %cond3A_86 = arith.cmpi ne, %convert_element_type3A, %cond3A : i32
      scf.if %cond3A_86 {
        %mul3A_171 = arith.constant 40 : i32
        %mul3A_172 = arith.muli %add3A_70, %mul3A_171 : i32
        %dma_wait3A_173 = tpu.memref_slice %arg8[%mul3A_172] : memref<10000xi32, #tpu.memory_space<vmem>> -> memref<40xi32, #tpu.memory_space<vmem>>
        %dma_wait3A_174 = arith.constant 0 : i32
        %dma_wait3A_175 = arith.constant 0 : i32
        %dma_wait3A_176 = tpu.memref_slice %arg6[%dma_wait3A_174, %dma_wait3A_175] : memref<10240x128xf32, #tpu.memory_space<vmem_shared>> -> memref<10240x128xf32, #tpu.memory_space<vmem_shared>>
        tpu.wait_indirect_dma semaphore(%arg19 : memref<!tpu.dma_semaphore, #tpu.memory_space<semaphore_mem>>) src(%arg9 : memref<40x128xf32, #tpu.memory_space<vmem>>) dst(%dma_wait3A_176 : memref<10240x128xf32, #tpu.memory_space<vmem_shared>>)
        %add3A_177 = arith.constant 5 : i32
        %add3A_178 = arith.addi %add3A_70, %add3A_177 : i32
        %mul3A_179 = arith.constant 40 : i32
        %mul3A_180 = arith.muli %add3A_178, %mul3A_179 : i32
        %dma_start3A_181 = tpu.memref_slice %arg7[%mul3A_180] : memref<10000xi32, #tpu.memory_space<vmem>> -> memref<40xi32, #tpu.memory_space<vmem>>
        %dma_start3A_182 = arith.constant 0 : i32
        %dma_start3A_183 = arith.constant 0 : i32
        %dma_start3A_184 = tpu.memref_slice %arg2[%dma_start3A_182, %dma_start3A_183] : memref<10000x128xf32, #tpu.memory_space<hbm>> -> memref<10000x128xf32, #tpu.memory_space<hbm>>
        tpu.enqueue_indirect_dma source(%dma_start3A_184 : memref<10000x128xf32, #tpu.memory_space<hbm>>) target(%arg9 : memref<40x128xf32, #tpu.memory_space<vmem>>) offsets(%dma_start3A_181 : memref<40xi32, #tpu.memory_space<vmem>>) semaphore(%arg14 : memref<!tpu.dma_semaphore, #tpu.memory_space<semaphore_mem>>)
      } else {
      }
      %add3A_87 = arith.constant 1 : i32
      %add3A_88 = arith.addi %mul3A_68, %add3A_87 : i32
      %mul3A_89 = arith.constant 40 : i32
      %mul3A_90 = arith.muli %add3A_88, %mul3A_89 : i32
      %dma_wait3A_91 = tpu.memref_slice %arg7[%mul3A_90] : memref<10000xi32, #tpu.memory_space<vmem>> -> memref<40xi32, #tpu.memory_space<vmem>>
      %dma_wait3A_92 = arith.constant 0 : i32
      %dma_wait3A_93 = arith.constant 0 : i32
      %dma_wait3A_94 = tpu.memref_slice %arg2[%dma_wait3A_92, %dma_wait3A_93] : memref<10000x128xf32, #tpu.memory_space<hbm>> -> memref<10000x128xf32, #tpu.memory_space<hbm>>
      tpu.wait_indirect_dma semaphore(%arg15 : memref<!tpu.dma_semaphore, #tpu.memory_space<semaphore_mem>>) src(%dma_wait3A_94 : memref<10000x128xf32, #tpu.memory_space<hbm>>) dst(%arg10 : memref<40x128xf32, #tpu.memory_space<vmem>>)
      %mul3A_95 = arith.constant 40 : i32
      %mul3A_96 = arith.muli %add3A_88, %mul3A_95 : i32
      %dma_start3A_97 = tpu.memref_slice %arg8[%mul3A_96] : memref<10000xi32, #tpu.memory_space<vmem>> -> memref<40xi32, #tpu.memory_space<vmem>>
      %dma_start3A_98 = arith.constant 0 : i32
      %dma_start3A_99 = arith.constant 0 : i32
      %dma_start3A_100 = tpu.memref_slice %arg6[%dma_start3A_98, %dma_start3A_99] : memref<10240x128xf32, #tpu.memory_space<vmem_shared>> -> memref<10240x128xf32, #tpu.memory_space<vmem_shared>>
      tpu.enqueue_indirect_dma source(%arg10 : memref<40x128xf32, #tpu.memory_space<vmem>>) target(%dma_start3A_100 : memref<10240x128xf32, #tpu.memory_space<vmem_shared>>) offsets(%dma_start3A_97 : memref<40xi32, #tpu.memory_space<vmem>>) semaphore(%arg20 : memref<!tpu.dma_semaphore, #tpu.memory_space<semaphore_mem>>) {add = true}
      %add3A_101 = arith.constant 5 : i32
      %add3A_102 = arith.addi %add3A_88, %add3A_101 : i32
      %lt3A_103 = arith.constant 250 : i32
      %lt3A_104 = arith.cmpi slt, %add3A_102, %lt3A_103 : i32
      %convert_element_type3A_105 = arith.extui %lt3A_104 : i1 to i32
      %cond3A_106 = arith.constant 0 : i32
      %cond3A_107 = arith.cmpi ne, %convert_element_type3A_105, %cond3A_106 : i32
      scf.if %cond3A_107 {
        %mul3A_171 = arith.constant 40 : i32
        %mul3A_172 = arith.muli %add3A_88, %mul3A_171 : i32
        %dma_wait3A_173 = tpu.memref_slice %arg8[%mul3A_172] : memref<10000xi32, #tpu.memory_space<vmem>> -> memref<40xi32, #tpu.memory_space<vmem>>
        %dma_wait3A_174 = arith.constant 0 : i32
        %dma_wait3A_175 = arith.constant 0 : i32
        %dma_wait3A_176 = tpu.memref_slice %arg6[%dma_wait3A_174, %dma_wait3A_175] : memref<10240x128xf32, #tpu.memory_space<vmem_shared>> -> memref<10240x128xf32, #tpu.memory_space<vmem_shared>>
        tpu.wait_indirect_dma semaphore(%arg20 : memref<!tpu.dma_semaphore, #tpu.memory_space<semaphore_mem>>) src(%arg10 : memref<40x128xf32, #tpu.memory_space<vmem>>) dst(%dma_wait3A_176 : memref<10240x128xf32, #tpu.memory_space<vmem_shared>>)
        %add3A_177 = arith.constant 5 : i32
        %add3A_178 = arith.addi %add3A_88, %add3A_177 : i32
        %mul3A_179 = arith.constant 40 : i32
        %mul3A_180 = arith.muli %add3A_178, %mul3A_179 : i32
        %dma_start3A_181 = tpu.memref_slice %arg7[%mul3A_180] : memref<10000xi32, #tpu.memory_space<vmem>> -> memref<40xi32, #tpu.memory_space<vmem>>
        %dma_start3A_182 = arith.constant 0 : i32
        %dma_start3A_183 = arith.constant 0 : i32
        %dma_start3A_184 = tpu.memref_slice %arg2[%dma_start3A_182, %dma_start3A_183] : memref<10000x128xf32, #tpu.memory_space<hbm>> -> memref<10000x128xf32, #tpu.memory_space<hbm>>
        tpu.enqueue_indirect_dma source(%dma_start3A_184 : memref<10000x128xf32, #tpu.memory_space<hbm>>) target(%arg10 : memref<40x128xf32, #tpu.memory_space<vmem>>) offsets(%dma_start3A_181 : memref<40xi32, #tpu.memory_space<vmem>>) semaphore(%arg15 : memref<!tpu.dma_semaphore, #tpu.memory_space<semaphore_mem>>)
      } else {
      }
      %add3A_108 = arith.constant 2 : i32
      %add3A_109 = arith.addi %mul3A_68, %add3A_108 : i32
      %mul3A_110 = arith.constant 40 : i32
      %mul3A_111 = arith.muli %add3A_109, %mul3A_110 : i32
      %dma_wait3A_112 = tpu.memref_slice %arg7[%mul3A_111] : memref<10000xi32, #tpu.memory_space<vmem>> -> memref<40xi32, #tpu.memory_space<vmem>>
      %dma_wait3A_113 = arith.constant 0 : i32
      %dma_wait3A_114 = arith.constant 0 : i32
      %dma_wait3A_115 = tpu.memref_slice %arg2[%dma_wait3A_113, %dma_wait3A_114] : memref<10000x128xf32, #tpu.memory_space<hbm>> -> memref<10000x128xf32, #tpu.memory_space<hbm>>
      tpu.wait_indirect_dma semaphore(%arg16 : memref<!tpu.dma_semaphore, #tpu.memory_space<semaphore_mem>>) src(%dma_wait3A_115 : memref<10000x128xf32, #tpu.memory_space<hbm>>) dst(%arg11 : memref<40x128xf32, #tpu.memory_space<vmem>>)
      %mul3A_116 = arith.constant 40 : i32
      %mul3A_117 = arith.muli %add3A_109, %mul3A_116 : i32
      %dma_start3A_118 = tpu.memref_slice %arg8[%mul3A_117] : memref<10000xi32, #tpu.memory_space<vmem>> -> memref<40xi32, #tpu.memory_space<vmem>>
      %dma_start3A_119 = arith.constant 0 : i32
      %dma_start3A_120 = arith.constant 0 : i32
      %dma_start3A_121 = tpu.memref_slice %arg6[%dma_start3A_119, %dma_start3A_120] : memref<10240x128xf32, #tpu.memory_space<vmem_shared>> -> memref<10240x128xf32, #tpu.memory_space<vmem_shared>>
      tpu.enqueue_indirect_dma source(%arg11 : memref<40x128xf32, #tpu.memory_space<vmem>>) target(%dma_start3A_121 : memref<10240x128xf32, #tpu.memory_space<vmem_shared>>) offsets(%dma_start3A_118 : memref<40xi32, #tpu.memory_space<vmem>>) semaphore(%arg21 : memref<!tpu.dma_semaphore, #tpu.memory_space<semaphore_mem>>) {add = true}
      %add3A_122 = arith.constant 5 : i32
      %add3A_123 = arith.addi %add3A_109, %add3A_122 : i32
      %lt3A_124 = arith.constant 250 : i32
      %lt3A_125 = arith.cmpi slt, %add3A_123, %lt3A_124 : i32
      %convert_element_type3A_126 = arith.extui %lt3A_125 : i1 to i32
      %cond3A_127 = arith.constant 0 : i32
      %cond3A_128 = arith.cmpi ne, %convert_element_type3A_126, %cond3A_127 : i32
      scf.if %cond3A_128 {
        %mul3A_171 = arith.constant 40 : i32
        %mul3A_172 = arith.muli %add3A_109, %mul3A_171 : i32
        %dma_wait3A_173 = tpu.memref_slice %arg8[%mul3A_172] : memref<10000xi32, #tpu.memory_space<vmem>> -> memref<40xi32, #tpu.memory_space<vmem>>
        %dma_wait3A_174 = arith.constant 0 : i32
        %dma_wait3A_175 = arith.constant 0 : i32
        %dma_wait3A_176 = tpu.memref_slice %arg6[%dma_wait3A_174, %dma_wait3A_175] : memref<10240x128xf32, #tpu.memory_space<vmem_shared>> -> memref<10240x128xf32, #tpu.memory_space<vmem_shared>>
        tpu.wait_indirect_dma semaphore(%arg21 : memref<!tpu.dma_semaphore, #tpu.memory_space<semaphore_mem>>) src(%arg11 : memref<40x128xf32, #tpu.memory_space<vmem>>) dst(%dma_wait3A_176 : memref<10240x128xf32, #tpu.memory_space<vmem_shared>>)
        %add3A_177 = arith.constant 5 : i32
        %add3A_178 = arith.addi %add3A_109, %add3A_177 : i32
        %mul3A_179 = arith.constant 40 : i32
        %mul3A_180 = arith.muli %add3A_178, %mul3A_179 : i32
        %dma_start3A_181 = tpu.memref_slice %arg7[%mul3A_180] : memref<10000xi32, #tpu.memory_space<vmem>> -> memref<40xi32, #tpu.memory_space<vmem>>
        %dma_start3A_182 = arith.constant 0 : i32
        %dma_start3A_183 = arith.constant 0 : i32
        %dma_start3A_184 = tpu.memref_slice %arg2[%dma_start3A_182, %dma_start3A_183] : memref<10000x128xf32, #tpu.memory_space<hbm>> -> memref<10000x128xf32, #tpu.memory_space<hbm>>
        tpu.enqueue_indirect_dma source(%dma_start3A_184 : memref<10000x128xf32, #tpu.memory_space<hbm>>) target(%arg11 : memref<40x128xf32, #tpu.memory_space<vmem>>) offsets(%dma_start3A_181 : memref<40xi32, #tpu.memory_space<vmem>>) semaphore(%arg16 : memref<!tpu.dma_semaphore, #tpu.memory_space<semaphore_mem>>)
      } else {
      }
      %add3A_129 = arith.constant 3 : i32
      %add3A_130 = arith.addi %mul3A_68, %add3A_129 : i32
      %mul3A_131 = arith.constant 40 : i32
      %mul3A_132 = arith.muli %add3A_130, %mul3A_131 : i32
      %dma_wait3A_133 = tpu.memref_slice %arg7[%mul3A_132] : memref<10000xi32, #tpu.memory_space<vmem>> -> memref<40xi32, #tpu.memory_space<vmem>>
      %dma_wait3A_134 = arith.constant 0 : i32
      %dma_wait3A_135 = arith.constant 0 : i32
      %dma_wait3A_136 = tpu.memref_slice %arg2[%dma_wait3A_134, %dma_wait3A_135] : memref<10000x128xf32, #tpu.memory_space<hbm>> -> memref<10000x128xf32, #tpu.memory_space<hbm>>
      tpu.wait_indirect_dma semaphore(%arg17 : memref<!tpu.dma_semaphore, #tpu.memory_space<semaphore_mem>>) src(%dma_wait3A_136 : memref<10000x128xf32, #tpu.memory_space<hbm>>) dst(%arg12 : memref<40x128xf32, #tpu.memory_space<vmem>>)
      %mul3A_137 = arith.constant 40 : i32
      %mul3A_138 = arith.muli %add3A_130, %mul3A_137 : i32
      %dma_start3A_139 = tpu.memref_slice %arg8[%mul3A_138] : memref<10000xi32, #tpu.memory_space<vmem>> -> memref<40xi32, #tpu.memory_space<vmem>>
      %dma_start3A_140 = arith.constant 0 : i32
      %dma_start3A_141 = arith.constant 0 : i32
      %dma_start3A_142 = tpu.memref_slice %arg6[%dma_start3A_140, %dma_start3A_141] : memref<10240x128xf32, #tpu.memory_space<vmem_shared>> -> memref<10240x128xf32, #tpu.memory_space<vmem_shared>>
      tpu.enqueue_indirect_dma source(%arg12 : memref<40x128xf32, #tpu.memory_space<vmem>>) target(%dma_start3A_142 : memref<10240x128xf32, #tpu.memory_space<vmem_shared>>) offsets(%dma_start3A_139 : memref<40xi32, #tpu.memory_space<vmem>>) semaphore(%arg22 : memref<!tpu.dma_semaphore, #tpu.memory_space<semaphore_mem>>) {add = true}
      %add3A_143 = arith.constant 5 : i32
      %add3A_144 = arith.addi %add3A_130, %add3A_143 : i32
      %lt3A_145 = arith.constant 250 : i32
      %lt3A_146 = arith.cmpi slt, %add3A_144, %lt3A_145 : i32
      %convert_element_type3A_147 = arith.extui %lt3A_146 : i1 to i32
      %cond3A_148 = arith.constant 0 : i32
      %cond3A_149 = arith.cmpi ne, %convert_element_type3A_147, %cond3A_148 : i32
      scf.if %cond3A_149 {
        %mul3A_171 = arith.constant 40 : i32
        %mul3A_172 = arith.muli %add3A_130, %mul3A_171 : i32
        %dma_wait3A_173 = tpu.memref_slice %arg8[%mul3A_172] : memref<10000xi32, #tpu.memory_space<vmem>> -> memref<40xi32, #tpu.memory_space<vmem>>
        %dma_wait3A_174 = arith.constant 0 : i32
        %dma_wait3A_175 = arith.constant 0 : i32
        %dma_wait3A_176 = tpu.memref_slice %arg6[%dma_wait3A_174, %dma_wait3A_175] : memref<10240x128xf32, #tpu.memory_space<vmem_shared>> -> memref<10240x128xf32, #tpu.memory_space<vmem_shared>>
        tpu.wait_indirect_dma semaphore(%arg22 : memref<!tpu.dma_semaphore, #tpu.memory_space<semaphore_mem>>) src(%arg12 : memref<40x128xf32, #tpu.memory_space<vmem>>) dst(%dma_wait3A_176 : memref<10240x128xf32, #tpu.memory_space<vmem_shared>>)
        %add3A_177 = arith.constant 5 : i32
        %add3A_178 = arith.addi %add3A_130, %add3A_177 : i32
        %mul3A_179 = arith.constant 40 : i32
        %mul3A_180 = arith.muli %add3A_178, %mul3A_179 : i32
        %dma_start3A_181 = tpu.memref_slice %arg7[%mul3A_180] : memref<10000xi32, #tpu.memory_space<vmem>> -> memref<40xi32, #tpu.memory_space<vmem>>
        %dma_start3A_182 = arith.constant 0 : i32
        %dma_start3A_183 = arith.constant 0 : i32
        %dma_start3A_184 = tpu.memref_slice %arg2[%dma_start3A_182, %dma_start3A_183] : memref<10000x128xf32, #tpu.memory_space<hbm>> -> memref<10000x128xf32, #tpu.memory_space<hbm>>
        tpu.enqueue_indirect_dma source(%dma_start3A_184 : memref<10000x128xf32, #tpu.memory_space<hbm>>) target(%arg12 : memref<40x128xf32, #tpu.memory_space<vmem>>) offsets(%dma_start3A_181 : memref<40xi32, #tpu.memory_space<vmem>>) semaphore(%arg17 : memref<!tpu.dma_semaphore, #tpu.memory_space<semaphore_mem>>)
      } else {
      }
      %add3A_150 = arith.constant 4 : i32
      %add3A_151 = arith.addi %mul3A_68, %add3A_150 : i32
      %mul3A_152 = arith.constant 40 : i32
      %mul3A_153 = arith.muli %add3A_151, %mul3A_152 : i32
      %dma_wait3A_154 = tpu.memref_slice %arg7[%mul3A_153] : memref<10000xi32, #tpu.memory_space<vmem>> -> memref<40xi32, #tpu.memory_space<vmem>>
      %dma_wait3A_155 = arith.constant 0 : i32
      %dma_wait3A_156 = arith.constant 0 : i32
      %dma_wait3A_157 = tpu.memref_slice %arg2[%dma_wait3A_155, %dma_wait3A_156] : memref<10000x128xf32, #tpu.memory_space<hbm>> -> memref<10000x128xf32, #tpu.memory_space<hbm>>
      tpu.wait_indirect_dma semaphore(%arg18 : memref<!tpu.dma_semaphore, #tpu.memory_space<semaphore_mem>>) src(%dma_wait3A_157 : memref<10000x128xf32, #tpu.memory_space<hbm>>) dst(%arg13 : memref<40x128xf32, #tpu.memory_space<vmem>>)
      %mul3A_158 = arith.constant 40 : i32
      %mul3A_159 = arith.muli %add3A_151, %mul3A_158 : i32
      %dma_start3A_160 = tpu.memref_slice %arg8[%mul3A_159] : memref<10000xi32, #tpu.memory_space<vmem>> -> memref<40xi32, #tpu.memory_space<vmem>>
      %dma_start3A_161 = arith.constant 0 : i32
      %dma_start3A_162 = arith.constant 0 : i32
      %dma_start3A_163 = tpu.memref_slice %arg6[%dma_start3A_161, %dma_start3A_162] : memref<10240x128xf32, #tpu.memory_space<vmem_shared>> -> memref<10240x128xf32, #tpu.memory_space<vmem_shared>>
      tpu.enqueue_indirect_dma source(%arg13 : memref<40x128xf32, #tpu.memory_space<vmem>>) target(%dma_start3A_163 : memref<10240x128xf32, #tpu.memory_space<vmem_shared>>) offsets(%dma_start3A_160 : memref<40xi32, #tpu.memory_space<vmem>>) semaphore(%arg23 : memref<!tpu.dma_semaphore, #tpu.memory_space<semaphore_mem>>) {add = true}
      %add3A_164 = arith.constant 5 : i32
      %add3A_165 = arith.addi %add3A_151, %add3A_164 : i32
      %lt3A_166 = arith.constant 250 : i32
      %lt3A_167 = arith.cmpi slt, %add3A_165, %lt3A_166 : i32
      %convert_element_type3A_168 = arith.extui %lt3A_167 : i1 to i32
      %cond3A_169 = arith.constant 0 : i32
      %cond3A_170 = arith.cmpi ne, %convert_element_type3A_168, %cond3A_169 : i32
      scf.if %cond3A_170 {
        %mul3A_171 = arith.constant 40 : i32
        %mul3A_172 = arith.muli %add3A_151, %mul3A_171 : i32
        %dma_wait3A_173 = tpu.memref_slice %arg8[%mul3A_172] : memref<10000xi32, #tpu.memory_space<vmem>> -> memref<40xi32, #tpu.memory_space<vmem>>
        %dma_wait3A_174 = arith.constant 0 : i32
        %dma_wait3A_175 = arith.constant 0 : i32
        %dma_wait3A_176 = tpu.memref_slice %arg6[%dma_wait3A_174, %dma_wait3A_175] : memref<10240x128xf32, #tpu.memory_space<vmem_shared>> -> memref<10240x128xf32, #tpu.memory_space<vmem_shared>>
        tpu.wait_indirect_dma semaphore(%arg23 : memref<!tpu.dma_semaphore, #tpu.memory_space<semaphore_mem>>) src(%arg13 : memref<40x128xf32, #tpu.memory_space<vmem>>) dst(%dma_wait3A_176 : memref<10240x128xf32, #tpu.memory_space<vmem_shared>>)
        %add3A_177 = arith.constant 5 : i32
        %add3A_178 = arith.addi %add3A_151, %add3A_177 : i32
        %mul3A_179 = arith.constant 40 : i32
        %mul3A_180 = arith.muli %add3A_178, %mul3A_179 : i32
        %dma_start3A_181 = tpu.memref_slice %arg7[%mul3A_180] : memref<10000xi32, #tpu.memory_space<vmem>> -> memref<40xi32, #tpu.memory_space<vmem>>
        %dma_start3A_182 = arith.constant 0 : i32
        %dma_start3A_183 = arith.constant 0 : i32
        %dma_start3A_184 = tpu.memref_slice %arg2[%dma_start3A_182, %dma_start3A_183] : memref<10000x128xf32, #tpu.memory_space<hbm>> -> memref<10000x128xf32, #tpu.memory_space<hbm>>
        tpu.enqueue_indirect_dma source(%dma_start3A_184 : memref<10000x128xf32, #tpu.memory_space<hbm>>) target(%arg13 : memref<40x128xf32, #tpu.memory_space<vmem>>) offsets(%dma_start3A_181 : memref<40xi32, #tpu.memory_space<vmem>>) semaphore(%arg18 : memref<!tpu.dma_semaphore, #tpu.memory_space<semaphore_mem>>)
      } else {
      }
    }
    %scan3A_36 = arith.constant 50 : i32
    %dma_wait3A = arith.constant 9800 : i32
    %dma_wait3A_37 = tpu.memref_slice %arg8[%dma_wait3A] : memref<10000xi32, #tpu.memory_space<vmem>> -> memref<40xi32, #tpu.memory_space<vmem>>
    %dma_wait3A_38 = arith.constant 0 : i32
    %dma_wait3A_39 = arith.constant 0 : i32
    %dma_wait3A_40 = tpu.memref_slice %arg6[%dma_wait3A_38, %dma_wait3A_39] : memref<10240x128xf32, #tpu.memory_space<vmem_shared>> -> memref<10240x128xf32, #tpu.memory_space<vmem_shared>>
    tpu.wait_indirect_dma semaphore(%arg19 : memref<!tpu.dma_semaphore, #tpu.memory_space<semaphore_mem>>) src(%arg9 : memref<40x128xf32, #tpu.memory_space<vmem>>) dst(%dma_wait3A_40 : memref<10240x128xf32, #tpu.memory_space<vmem_shared>>)
    %dma_wait3A_41 = arith.constant 9840 : i32
    %dma_wait3A_42 = tpu.memref_slice %arg8[%dma_wait3A_41] : memref<10000xi32, #tpu.memory_space<vmem>> -> memref<40xi32, #tpu.memory_space<vmem>>
    %dma_wait3A_43 = arith.constant 0 : i32
    %dma_wait3A_44 = arith.constant 0 : i32
    %dma_wait3A_45 = tpu.memref_slice %arg6[%dma_wait3A_43, %dma_wait3A_44] : memref<10240x128xf32, #tpu.memory_space<vmem_shared>> -> memref<10240x128xf32, #tpu.memory_space<vmem_shared>>
    tpu.wait_indirect_dma semaphore(%arg20 : memref<!tpu.dma_semaphore, #tpu.memory_space<semaphore_mem>>) src(%arg10 : memref<40x128xf32, #tpu.memory_space<vmem>>) dst(%dma_wait3A_45 : memref<10240x128xf32, #tpu.memory_space<vmem_shared>>)
    %dma_wait3A_46 = arith.constant 9880 : i32
    %dma_wait3A_47 = tpu.memref_slice %arg8[%dma_wait3A_46] : memref<10000xi32, #tpu.memory_space<vmem>> -> memref<40xi32, #tpu.memory_space<vmem>>
    %dma_wait3A_48 = arith.constant 0 : i32
    %dma_wait3A_49 = arith.constant 0 : i32
    %dma_wait3A_50 = tpu.memref_slice %arg6[%dma_wait3A_48, %dma_wait3A_49] : memref<10240x128xf32, #tpu.memory_space<vmem_shared>> -> memref<10240x128xf32, #tpu.memory_space<vmem_shared>>
    tpu.wait_indirect_dma semaphore(%arg21 : memref<!tpu.dma_semaphore, #tpu.memory_space<semaphore_mem>>) src(%arg11 : memref<40x128xf32, #tpu.memory_space<vmem>>) dst(%dma_wait3A_50 : memref<10240x128xf32, #tpu.memory_space<vmem_shared>>)
    %dma_wait3A_51 = arith.constant 9920 : i32
    %dma_wait3A_52 = tpu.memref_slice %arg8[%dma_wait3A_51] : memref<10000xi32, #tpu.memory_space<vmem>> -> memref<40xi32, #tpu.memory_space<vmem>>
    %dma_wait3A_53 = arith.constant 0 : i32
    %dma_wait3A_54 = arith.constant 0 : i32
    %dma_wait3A_55 = tpu.memref_slice %arg6[%dma_wait3A_53, %dma_wait3A_54] : memref<10240x128xf32, #tpu.memory_space<vmem_shared>> -> memref<10240x128xf32, #tpu.memory_space<vmem_shared>>
    tpu.wait_indirect_dma semaphore(%arg22 : memref<!tpu.dma_semaphore, #tpu.memory_space<semaphore_mem>>) src(%arg12 : memref<40x128xf32, #tpu.memory_space<vmem>>) dst(%dma_wait3A_55 : memref<10240x128xf32, #tpu.memory_space<vmem_shared>>)
    %dma_wait3A_56 = arith.constant 9960 : i32
    %dma_wait3A_57 = tpu.memref_slice %arg8[%dma_wait3A_56] : memref<10000xi32, #tpu.memory_space<vmem>> -> memref<40xi32, #tpu.memory_space<vmem>>
    %dma_wait3A_58 = arith.constant 0 : i32
    %dma_wait3A_59 = arith.constant 0 : i32
    %dma_wait3A_60 = tpu.memref_slice %arg6[%dma_wait3A_58, %dma_wait3A_59] : memref<10240x128xf32, #tpu.memory_space<vmem_shared>> -> memref<10240x128xf32, #tpu.memory_space<vmem_shared>>
    tpu.wait_indirect_dma semaphore(%arg23 : memref<!tpu.dma_semaphore, #tpu.memory_space<semaphore_mem>>) src(%arg13 : memref<40x128xf32, #tpu.memory_space<vmem>>) dst(%dma_wait3A_60 : memref<10240x128xf32, #tpu.memory_space<vmem_shared>>)
    %barrier3A_61 = arith.constant 0 : index
    tpu.barrier barrier_id(%barrier3A_61)
    %mul3A_62 = arith.constant 640 : i32
    %mul3A_63 = arith.muli %arg1, %mul3A_62 : i32
    %mul3A_64 = arith.constant 640 : i32
    %mul3A_65 = arith.muli %arg1, %mul3A_64 : i32
    "tpu.region"() ({
      %run_scoped3A_66 = tpu.sem_alloc : memref<!tpu.dma_semaphore, #tpu.memory_space<semaphore_mem>>
      %dma_start3A_67 = arith.constant 0 : i32
      %dma_start3A_68 = tpu.memref_slice %arg5[%arg0, %mul3A_65, %dma_start3A_67] : memref<2x10240x128xf32, #tpu.memory_space<hbm>> -> memref<1x640x128xf32, #tpu.memory_space<hbm>>
      %dma_start3A_69 = tpu.memref_squeeze %dma_start3A_68 : memref<1x640x128xf32, #tpu.memory_space<hbm>> -> memref<640x128xf32, #tpu.memory_space<hbm>>
      %dma_start3A_70 = arith.constant 0 : i32
      %dma_start3A_71 = tpu.memref_slice %arg6[%mul3A_63, %dma_start3A_70] : memref<10240x128xf32, #tpu.memory_space<vmem_shared>> -> memref<640x128xf32, #tpu.memory_space<vmem_shared>>
      tpu.enqueue_dma source(%dma_start3A_71 : memref<640x128xf32, #tpu.memory_space<vmem_shared>>) target(%dma_start3A_69 : memref<640x128xf32, #tpu.memory_space<hbm>>) target_semaphore(%run_scoped3A_66 : memref<!tpu.dma_semaphore, #tpu.memory_space<semaphore_mem>>)
      %dma_wait3A_72 = arith.constant 0 : i32
      %dma_wait3A_73 = tpu.memref_slice %arg5[%arg0, %mul3A_65, %dma_wait3A_72] : memref<2x10240x128xf32, #tpu.memory_space<hbm>> -> memref<1x640x128xf32, #tpu.memory_space<hbm>>
      %dma_wait3A_74 = tpu.memref_squeeze %dma_wait3A_73 : memref<1x640x128xf32, #tpu.memory_space<hbm>> -> memref<640x128xf32, #tpu.memory_space<hbm>>
      %dma_wait3A_75 = arith.constant 0 : i32
      %dma_wait3A_76 = tpu.memref_slice %arg6[%mul3A_63, %dma_wait3A_75] : memref<10240x128xf32, #tpu.memory_space<vmem_shared>> -> memref<640x128xf32, #tpu.memory_space<vmem_shared>>
      tpu.wait_dma2 semaphore(%run_scoped3A_66 : memref<!tpu.dma_semaphore, #tpu.memory_space<semaphore_mem>>) src(%dma_wait3A_76 : memref<640x128xf32, #tpu.memory_space<vmem_shared>>) dst(%dma_wait3A_74 : memref<640x128xf32, #tpu.memory_space<hbm>>)
      tpu.yield
    }) : () -> ()
    return
  }
}

#map = affine_map<(d0, d1) -> (0, 0)>
#map1 = affine_map<(d0, d1) -> (0, 0, 0)>
module attributes {stable_mosaic.version = 14 : i64} {
  func.func @_edge_body(%arg0: i32, %arg1: i32, %arg2: memref<10000x128xf32, #tpu.memory_space<hbm>>, %arg3: memref<2x320000xi32, #tpu.memory_space<hbm>>, %arg4: memref<640x128xf32, #tpu.memory_space<hbm>>, %arg5: memref<2x10240x128xf32, #tpu.memory_space<hbm>>, %arg6: memref<10240x128xf32, #tpu.memory_space<vmem_shared>>, %arg7: memref<10000xi32, #tpu.memory_space<vmem>>, %arg8: memref<10000xi32, #tpu.memory_space<vmem>>, %arg9: memref<40x128xf32, #tpu.memory_space<vmem>>, %arg10: memref<40x128xf32, #tpu.memory_space<vmem>>, %arg11: memref<40x128xf32, #tpu.memory_space<vmem>>, %arg12: memref<40x128xf32, #tpu.memory_space<vmem>>, %arg13: memref<40x128xf32, #tpu.memory_space<vmem>>, %arg14: memref<!tpu.dma_semaphore, #tpu.memory_space<semaphore_mem>>, %arg15: memref<!tpu.dma_semaphore, #tpu.memory_space<semaphore_mem>>, %arg16: memref<!tpu.dma_semaphore, #tpu.memory_space<semaphore_mem>>, %arg17: memref<!tpu.dma_semaphore, #tpu.memory_space<semaphore_mem>>, %arg18: memref<!tpu.dma_semaphore, #tpu.memory_space<semaphore_mem>>, %arg19: memref<!tpu.dma_semaphore, #tpu.memory_space<semaphore_mem>>, %arg20: memref<!tpu.dma_semaphore, #tpu.memory_space<semaphore_mem>>, %arg21: memref<!tpu.dma_semaphore, #tpu.memory_space<semaphore_mem>>, %arg22: memref<!tpu.dma_semaphore, #tpu.memory_space<semaphore_mem>>, %arg23: memref<!tpu.dma_semaphore, #tpu.memory_space<semaphore_mem>>) attributes {dimension_semantics = [#tpu.dimension_semantics<core_parallel>, #tpu.dimension_semantics<subcore_parallel>], iteration_bounds = array<i64: 2, 16>, scalar_prefetch = 0 : i64, scratch_operands = 18 : i64, tpu.core_type = #tpu.core_type<sc_vector_subcore>, window_params = [{transform_indices = #map}, {transform_indices = #map}, {transform_indices = #map}, {transform_indices = #map1}]} {
    %mul3A = arith.constant 16 : i32
    %mul3A_0 = arith.muli %arg0, %mul3A : i32
    %add3A = arith.addi %mul3A_0, %arg1 : i32
    %mul3A_1 = arith.constant 640 : i32
    %mul3A_2 = arith.muli %arg1, %mul3A_1 : i32
    "tpu.region"() ({
      %run_scoped3A_66 = tpu.sem_alloc : memref<!tpu.dma_semaphore, #tpu.memory_space<semaphore_mem>>
      %dma_start3A_67 = arith.constant 0 : i32
      %dma_start3A_68 = tpu.memref_slice %arg6[%mul3A_2, %dma_start3A_67] : memref<10240x128xf32, #tpu.memory_space<vmem_shared>> -> memref<640x128xf32, #tpu.memory_space<vmem_shared>>
      tpu.enqueue_dma source(%arg4 : memref<640x128xf32, #tpu.memory_space<hbm>>) target(%dma_start3A_68 : memref<640x128xf32, #tpu.memory_space<vmem_shared>>) target_semaphore(%run_scoped3A_66 : memref<!tpu.dma_semaphore, #tpu.memory_space<semaphore_mem>>)
      %dma_wait3A_69 = arith.constant 0 : i32
      %dma_wait3A_70 = tpu.memref_slice %arg6[%mul3A_2, %dma_wait3A_69] : memref<10240x128xf32, #tpu.memory_space<vmem_shared>> -> memref<640x128xf32, #tpu.memory_space<vmem_shared>>
      tpu.wait_dma2 semaphore(%run_scoped3A_66 : memref<!tpu.dma_semaphore, #tpu.memory_space<semaphore_mem>>) src(%arg4 : memref<640x128xf32, #tpu.memory_space<hbm>>) dst(%dma_wait3A_70 : memref<640x128xf32, #tpu.memory_space<vmem_shared>>)
      tpu.yield
    }) : () -> ()
    %mul3A_3 = arith.constant 10000 : i32
    %mul3A_4 = arith.muli %add3A, %mul3A_3 : i32
    %run_scoped3A = arith.constant 0 : i32
    "tpu.region"() ({
      %run_scoped3A_66 = tpu.sem_alloc : memref<!tpu.dma_semaphore, #tpu.memory_space<semaphore_mem>>
      %dma_start3A_67 = tpu.memref_slice %arg3[%run_scoped3A, %mul3A_4] : memref<2x320000xi32, #tpu.memory_space<hbm>> -> memref<1x10000xi32, #tpu.memory_space<hbm>>
      %dma_start3A_68 = tpu.memref_squeeze %dma_start3A_67 : memref<1x10000xi32, #tpu.memory_space<hbm>> -> memref<10000xi32, #tpu.memory_space<hbm>>
      %dma_start3A_69 = tpu.memref_slice %arg3[%run_scoped3A, %mul3A_4] : memref<2x320000xi32, #tpu.memory_space<hbm>> -> memref<1x10000xi32, #tpu.memory_space<hbm>>
      %dma_start3A_70 = tpu.memref_squeeze %dma_start3A_69 : memref<1x10000xi32, #tpu.memory_space<hbm>> -> memref<10000xi32, #tpu.memory_space<hbm>>
      tpu.enqueue_dma source(%dma_start3A_70 : memref<10000xi32, #tpu.memory_space<hbm>>) target(%arg7 : memref<10000xi32, #tpu.memory_space<vmem>>) target_semaphore(%run_scoped3A_66 : memref<!tpu.dma_semaphore, #tpu.memory_space<semaphore_mem>>)
      %dma_wait3A_71 = tpu.memref_slice %arg3[%run_scoped3A, %mul3A_4] : memref<2x320000xi32, #tpu.memory_space<hbm>> -> memref<1x10000xi32, #tpu.memory_space<hbm>>
      %dma_wait3A_72 = tpu.memref_squeeze %dma_wait3A_71 : memref<1x10000xi32, #tpu.memory_space<hbm>> -> memref<10000xi32, #tpu.memory_space<hbm>>
      %dma_wait3A_73 = tpu.memref_slice %arg3[%run_scoped3A, %mul3A_4] : memref<2x320000xi32, #tpu.memory_space<hbm>> -> memref<1x10000xi32, #tpu.memory_space<hbm>>
      %dma_wait3A_74 = tpu.memref_squeeze %dma_wait3A_73 : memref<1x10000xi32, #tpu.memory_space<hbm>> -> memref<10000xi32, #tpu.memory_space<hbm>>
      tpu.wait_dma2 semaphore(%run_scoped3A_66 : memref<!tpu.dma_semaphore, #tpu.memory_space<semaphore_mem>>) src(%dma_wait3A_74 : memref<10000xi32, #tpu.memory_space<hbm>>) dst(%arg7 : memref<10000xi32, #tpu.memory_space<vmem>>)
      tpu.yield
    }) : () -> ()
    %mul3A_5 = arith.constant 10000 : i32
    %mul3A_6 = arith.muli %add3A, %mul3A_5 : i32
    %run_scoped3A_7 = arith.constant 1 : i32
    "tpu.region"() ({
      %run_scoped3A_66 = tpu.sem_alloc : memref<!tpu.dma_semaphore, #tpu.memory_space<semaphore_mem>>
      %dma_start3A_67 = tpu.memref_slice %arg3[%run_scoped3A_7, %mul3A_6] : memref<2x320000xi32, #tpu.memory_space<hbm>> -> memref<1x10000xi32, #tpu.memory_space<hbm>>
      %dma_start3A_68 = tpu.memref_squeeze %dma_start3A_67 : memref<1x10000xi32, #tpu.memory_space<hbm>> -> memref<10000xi32, #tpu.memory_space<hbm>>
      %dma_start3A_69 = tpu.memref_slice %arg3[%run_scoped3A_7, %mul3A_6] : memref<2x320000xi32, #tpu.memory_space<hbm>> -> memref<1x10000xi32, #tpu.memory_space<hbm>>
      %dma_start3A_70 = tpu.memref_squeeze %dma_start3A_69 : memref<1x10000xi32, #tpu.memory_space<hbm>> -> memref<10000xi32, #tpu.memory_space<hbm>>
      tpu.enqueue_dma source(%dma_start3A_70 : memref<10000xi32, #tpu.memory_space<hbm>>) target(%arg8 : memref<10000xi32, #tpu.memory_space<vmem>>) target_semaphore(%run_scoped3A_66 : memref<!tpu.dma_semaphore, #tpu.memory_space<semaphore_mem>>)
      %dma_wait3A_71 = tpu.memref_slice %arg3[%run_scoped3A_7, %mul3A_6] : memref<2x320000xi32, #tpu.memory_space<hbm>> -> memref<1x10000xi32, #tpu.memory_space<hbm>>
      %dma_wait3A_72 = tpu.memref_squeeze %dma_wait3A_71 : memref<1x10000xi32, #tpu.memory_space<hbm>> -> memref<10000xi32, #tpu.memory_space<hbm>>
      %dma_wait3A_73 = tpu.memref_slice %arg3[%run_scoped3A_7, %mul3A_6] : memref<2x320000xi32, #tpu.memory_space<hbm>> -> memref<1x10000xi32, #tpu.memory_space<hbm>>
      %dma_wait3A_74 = tpu.memref_squeeze %dma_wait3A_73 : memref<1x10000xi32, #tpu.memory_space<hbm>> -> memref<10000xi32, #tpu.memory_space<hbm>>
      tpu.wait_dma2 semaphore(%run_scoped3A_66 : memref<!tpu.dma_semaphore, #tpu.memory_space<semaphore_mem>>) src(%dma_wait3A_74 : memref<10000xi32, #tpu.memory_space<hbm>>) dst(%arg8 : memref<10000xi32, #tpu.memory_space<vmem>>)
      tpu.yield
    }) : () -> ()
    %barrier3A = arith.constant 0 : index
    tpu.barrier barrier_id(%barrier3A)
    %dma_start3A = arith.constant 0 : i32
    %dma_start3A_8 = tpu.memref_slice %arg7[%dma_start3A] : memref<10000xi32, #tpu.memory_space<vmem>> -> memref<40xi32, #tpu.memory_space<vmem>>
    %dma_start3A_9 = arith.constant 0 : i32
    %dma_start3A_10 = arith.constant 0 : i32
    %dma_start3A_11 = tpu.memref_slice %arg2[%dma_start3A_9, %dma_start3A_10] : memref<10000x128xf32, #tpu.memory_space<hbm>> -> memref<10000x128xf32, #tpu.memory_space<hbm>>
    tpu.enqueue_indirect_dma source(%dma_start3A_11 : memref<10000x128xf32, #tpu.memory_space<hbm>>) target(%arg9 : memref<40x128xf32, #tpu.memory_space<vmem>>) offsets(%dma_start3A_8 : memref<40xi32, #tpu.memory_space<vmem>>) semaphore(%arg14 : memref<!tpu.dma_semaphore, #tpu.memory_space<semaphore_mem>>)
    %dma_start3A_12 = arith.constant 40 : i32
    %dma_start3A_13 = tpu.memref_slice %arg7[%dma_start3A_12] : memref<10000xi32, #tpu.memory_space<vmem>> -> memref<40xi32, #tpu.memory_space<vmem>>
    %dma_start3A_14 = arith.constant 0 : i32
    %dma_start3A_15 = arith.constant 0 : i32
    %dma_start3A_16 = tpu.memref_slice %arg2[%dma_start3A_14, %dma_start3A_15] : memref<10000x128xf32, #tpu.memory_space<hbm>> -> memref<10000x128xf32, #tpu.memory_space<hbm>>
    tpu.enqueue_indirect_dma source(%dma_start3A_16 : memref<10000x128xf32, #tpu.memory_space<hbm>>) target(%arg10 : memref<40x128xf32, #tpu.memory_space<vmem>>) offsets(%dma_start3A_13 : memref<40xi32, #tpu.memory_space<vmem>>) semaphore(%arg15 : memref<!tpu.dma_semaphore, #tpu.memory_space<semaphore_mem>>)
    %dma_start3A_17 = arith.constant 80 : i32
    %dma_start3A_18 = tpu.memref_slice %arg7[%dma_start3A_17] : memref<10000xi32, #tpu.memory_space<vmem>> -> memref<40xi32, #tpu.memory_space<vmem>>
    %dma_start3A_19 = arith.constant 0 : i32
    %dma_start3A_20 = arith.constant 0 : i32
    %dma_start3A_21 = tpu.memref_slice %arg2[%dma_start3A_19, %dma_start3A_20] : memref<10000x128xf32, #tpu.memory_space<hbm>> -> memref<10000x128xf32, #tpu.memory_space<hbm>>
    tpu.enqueue_indirect_dma source(%dma_start3A_21 : memref<10000x128xf32, #tpu.memory_space<hbm>>) target(%arg11 : memref<40x128xf32, #tpu.memory_space<vmem>>) offsets(%dma_start3A_18 : memref<40xi32, #tpu.memory_space<vmem>>) semaphore(%arg16 : memref<!tpu.dma_semaphore, #tpu.memory_space<semaphore_mem>>)
    %dma_start3A_22 = arith.constant 120 : i32
    %dma_start3A_23 = tpu.memref_slice %arg7[%dma_start3A_22] : memref<10000xi32, #tpu.memory_space<vmem>> -> memref<40xi32, #tpu.memory_space<vmem>>
    %dma_start3A_24 = arith.constant 0 : i32
    %dma_start3A_25 = arith.constant 0 : i32
    %dma_start3A_26 = tpu.memref_slice %arg2[%dma_start3A_24, %dma_start3A_25] : memref<10000x128xf32, #tpu.memory_space<hbm>> -> memref<10000x128xf32, #tpu.memory_space<hbm>>
    tpu.enqueue_indirect_dma source(%dma_start3A_26 : memref<10000x128xf32, #tpu.memory_space<hbm>>) target(%arg12 : memref<40x128xf32, #tpu.memory_space<vmem>>) offsets(%dma_start3A_23 : memref<40xi32, #tpu.memory_space<vmem>>) semaphore(%arg17 : memref<!tpu.dma_semaphore, #tpu.memory_space<semaphore_mem>>)
    %dma_start3A_27 = arith.constant 160 : i32
    %dma_start3A_28 = tpu.memref_slice %arg7[%dma_start3A_27] : memref<10000xi32, #tpu.memory_space<vmem>> -> memref<40xi32, #tpu.memory_space<vmem>>
    %dma_start3A_29 = arith.constant 0 : i32
    %dma_start3A_30 = arith.constant 0 : i32
    %dma_start3A_31 = tpu.memref_slice %arg2[%dma_start3A_29, %dma_start3A_30] : memref<10000x128xf32, #tpu.memory_space<hbm>> -> memref<10000x128xf32, #tpu.memory_space<hbm>>
    tpu.enqueue_indirect_dma source(%dma_start3A_31 : memref<10000x128xf32, #tpu.memory_space<hbm>>) target(%arg13 : memref<40x128xf32, #tpu.memory_space<vmem>>) offsets(%dma_start3A_28 : memref<40xi32, #tpu.memory_space<vmem>>) semaphore(%arg18 : memref<!tpu.dma_semaphore, #tpu.memory_space<semaphore_mem>>)
    %scan3A = arith.constant 0 : i32
    %scan3A_32 = arith.constant 0 : i32
    %scan3A_33 = arith.constant 50 : i32
    %scan3A_34 = arith.addi %scan3A_32, %scan3A_33 : i32
    %scan3A_35 = arith.constant 1 : i32
    scf.for %scan3A_66 = %scan3A_32 to %scan3A_34 step %scan3A_35  : i32 {
      %mul3A_67 = arith.constant 5 : i32
      %mul3A_68 = arith.muli %scan3A_66, %mul3A_67 : i32
      %add3A_69 = arith.constant 0 : i32
      %add3A_70 = arith.addi %mul3A_68, %add3A_69 : i32
      %mul3A_71 = arith.constant 40 : i32
      %mul3A_72 = arith.muli %add3A_70, %mul3A_71 : i32
      %dma_wait3A_73 = tpu.memref_slice %arg7[%mul3A_72] : memref<10000xi32, #tpu.memory_space<vmem>> -> memref<40xi32, #tpu.memory_space<vmem>>
      %dma_wait3A_74 = arith.constant 0 : i32
      %dma_wait3A_75 = arith.constant 0 : i32
      %dma_wait3A_76 = tpu.memref_slice %arg2[%dma_wait3A_74, %dma_wait3A_75] : memref<10000x128xf32, #tpu.memory_space<hbm>> -> memref<10000x128xf32, #tpu.memory_space<hbm>>
      tpu.wait_indirect_dma semaphore(%arg14 : memref<!tpu.dma_semaphore, #tpu.memory_space<semaphore_mem>>) src(%dma_wait3A_76 : memref<10000x128xf32, #tpu.memory_space<hbm>>) dst(%arg9 : memref<40x128xf32, #tpu.memory_space<vmem>>)
      %mul3A_77 = arith.constant 40 : i32
      %mul3A_78 = arith.muli %add3A_70, %mul3A_77 : i32
      %dma_start3A_79 = tpu.memref_slice %arg8[%mul3A_78] : memref<10000xi32, #tpu.memory_space<vmem>> -> memref<40xi32, #tpu.memory_space<vmem>>
      %dma_start3A_80 = arith.constant 0 : i32
      %dma_start3A_81 = arith.constant 0 : i32
      %dma_start3A_82 = tpu.memref_slice %arg6[%dma_start3A_80, %dma_start3A_81] : memref<10240x128xf32, #tpu.memory_space<vmem_shared>> -> memref<10240x128xf32, #tpu.memory_space<vmem_shared>>
      tpu.enqueue_indirect_dma source(%arg9 : memref<40x128xf32, #tpu.memory_space<vmem>>) target(%dma_start3A_82 : memref<10240x128xf32, #tpu.memory_space<vmem_shared>>) offsets(%dma_start3A_79 : memref<40xi32, #tpu.memory_space<vmem>>) semaphore(%arg19 : memref<!tpu.dma_semaphore, #tpu.memory_space<semaphore_mem>>) {add = true}
      %add3A_83 = arith.constant 5 : i32
      %add3A_84 = arith.addi %add3A_70, %add3A_83 : i32
      %lt3A = arith.constant 250 : i32
      %lt3A_85 = arith.cmpi slt, %add3A_84, %lt3A : i32
      %convert_element_type3A = arith.extui %lt3A_85 : i1 to i32
      %cond3A = arith.constant 0 : i32
      %cond3A_86 = arith.cmpi ne, %convert_element_type3A, %cond3A : i32
      scf.if %cond3A_86 {
        %mul3A_171 = arith.constant 40 : i32
        %mul3A_172 = arith.muli %add3A_70, %mul3A_171 : i32
        %dma_wait3A_173 = tpu.memref_slice %arg8[%mul3A_172] : memref<10000xi32, #tpu.memory_space<vmem>> -> memref<40xi32, #tpu.memory_space<vmem>>
        %dma_wait3A_174 = arith.constant 0 : i32
        %dma_wait3A_175 = arith.constant 0 : i32
        %dma_wait3A_176 = tpu.memref_slice %arg6[%dma_wait3A_174, %dma_wait3A_175] : memref<10240x128xf32, #tpu.memory_space<vmem_shared>> -> memref<10240x128xf32, #tpu.memory_space<vmem_shared>>
        tpu.wait_indirect_dma semaphore(%arg19 : memref<!tpu.dma_semaphore, #tpu.memory_space<semaphore_mem>>) src(%arg9 : memref<40x128xf32, #tpu.memory_space<vmem>>) dst(%dma_wait3A_176 : memref<10240x128xf32, #tpu.memory_space<vmem_shared>>)
        %add3A_177 = arith.constant 5 : i32
        %add3A_178 = arith.addi %add3A_70, %add3A_177 : i32
        %mul3A_179 = arith.constant 40 : i32
        %mul3A_180 = arith.muli %add3A_178, %mul3A_179 : i32
        %dma_start3A_181 = tpu.memref_slice %arg7[%mul3A_180] : memref<10000xi32, #tpu.memory_space<vmem>> -> memref<40xi32, #tpu.memory_space<vmem>>
        %dma_start3A_182 = arith.constant 0 : i32
        %dma_start3A_183 = arith.constant 0 : i32
        %dma_start3A_184 = tpu.memref_slice %arg2[%dma_start3A_182, %dma_start3A_183] : memref<10000x128xf32, #tpu.memory_space<hbm>> -> memref<10000x128xf32, #tpu.memory_space<hbm>>
        tpu.enqueue_indirect_dma source(%dma_start3A_184 : memref<10000x128xf32, #tpu.memory_space<hbm>>) target(%arg9 : memref<40x128xf32, #tpu.memory_space<vmem>>) offsets(%dma_start3A_181 : memref<40xi32, #tpu.memory_space<vmem>>) semaphore(%arg14 : memref<!tpu.dma_semaphore, #tpu.memory_space<semaphore_mem>>)
      } else {
      }
      %add3A_87 = arith.constant 1 : i32
      %add3A_88 = arith.addi %mul3A_68, %add3A_87 : i32
      %mul3A_89 = arith.constant 40 : i32
      %mul3A_90 = arith.muli %add3A_88, %mul3A_89 : i32
      %dma_wait3A_91 = tpu.memref_slice %arg7[%mul3A_90] : memref<10000xi32, #tpu.memory_space<vmem>> -> memref<40xi32, #tpu.memory_space<vmem>>
      %dma_wait3A_92 = arith.constant 0 : i32
      %dma_wait3A_93 = arith.constant 0 : i32
      %dma_wait3A_94 = tpu.memref_slice %arg2[%dma_wait3A_92, %dma_wait3A_93] : memref<10000x128xf32, #tpu.memory_space<hbm>> -> memref<10000x128xf32, #tpu.memory_space<hbm>>
      tpu.wait_indirect_dma semaphore(%arg15 : memref<!tpu.dma_semaphore, #tpu.memory_space<semaphore_mem>>) src(%dma_wait3A_94 : memref<10000x128xf32, #tpu.memory_space<hbm>>) dst(%arg10 : memref<40x128xf32, #tpu.memory_space<vmem>>)
      %mul3A_95 = arith.constant 40 : i32
      %mul3A_96 = arith.muli %add3A_88, %mul3A_95 : i32
      %dma_start3A_97 = tpu.memref_slice %arg8[%mul3A_96] : memref<10000xi32, #tpu.memory_space<vmem>> -> memref<40xi32, #tpu.memory_space<vmem>>
      %dma_start3A_98 = arith.constant 0 : i32
      %dma_start3A_99 = arith.constant 0 : i32
      %dma_start3A_100 = tpu.memref_slice %arg6[%dma_start3A_98, %dma_start3A_99] : memref<10240x128xf32, #tpu.memory_space<vmem_shared>> -> memref<10240x128xf32, #tpu.memory_space<vmem_shared>>
      tpu.enqueue_indirect_dma source(%arg10 : memref<40x128xf32, #tpu.memory_space<vmem>>) target(%dma_start3A_100 : memref<10240x128xf32, #tpu.memory_space<vmem_shared>>) offsets(%dma_start3A_97 : memref<40xi32, #tpu.memory_space<vmem>>) semaphore(%arg20 : memref<!tpu.dma_semaphore, #tpu.memory_space<semaphore_mem>>) {add = true}
      %add3A_101 = arith.constant 5 : i32
      %add3A_102 = arith.addi %add3A_88, %add3A_101 : i32
      %lt3A_103 = arith.constant 250 : i32
      %lt3A_104 = arith.cmpi slt, %add3A_102, %lt3A_103 : i32
      %convert_element_type3A_105 = arith.extui %lt3A_104 : i1 to i32
      %cond3A_106 = arith.constant 0 : i32
      %cond3A_107 = arith.cmpi ne, %convert_element_type3A_105, %cond3A_106 : i32
      scf.if %cond3A_107 {
        %mul3A_171 = arith.constant 40 : i32
        %mul3A_172 = arith.muli %add3A_88, %mul3A_171 : i32
        %dma_wait3A_173 = tpu.memref_slice %arg8[%mul3A_172] : memref<10000xi32, #tpu.memory_space<vmem>> -> memref<40xi32, #tpu.memory_space<vmem>>
        %dma_wait3A_174 = arith.constant 0 : i32
        %dma_wait3A_175 = arith.constant 0 : i32
        %dma_wait3A_176 = tpu.memref_slice %arg6[%dma_wait3A_174, %dma_wait3A_175] : memref<10240x128xf32, #tpu.memory_space<vmem_shared>> -> memref<10240x128xf32, #tpu.memory_space<vmem_shared>>
        tpu.wait_indirect_dma semaphore(%arg20 : memref<!tpu.dma_semaphore, #tpu.memory_space<semaphore_mem>>) src(%arg10 : memref<40x128xf32, #tpu.memory_space<vmem>>) dst(%dma_wait3A_176 : memref<10240x128xf32, #tpu.memory_space<vmem_shared>>)
        %add3A_177 = arith.constant 5 : i32
        %add3A_178 = arith.addi %add3A_88, %add3A_177 : i32
        %mul3A_179 = arith.constant 40 : i32
        %mul3A_180 = arith.muli %add3A_178, %mul3A_179 : i32
        %dma_start3A_181 = tpu.memref_slice %arg7[%mul3A_180] : memref<10000xi32, #tpu.memory_space<vmem>> -> memref<40xi32, #tpu.memory_space<vmem>>
        %dma_start3A_182 = arith.constant 0 : i32
        %dma_start3A_183 = arith.constant 0 : i32
        %dma_start3A_184 = tpu.memref_slice %arg2[%dma_start3A_182, %dma_start3A_183] : memref<10000x128xf32, #tpu.memory_space<hbm>> -> memref<10000x128xf32, #tpu.memory_space<hbm>>
        tpu.enqueue_indirect_dma source(%dma_start3A_184 : memref<10000x128xf32, #tpu.memory_space<hbm>>) target(%arg10 : memref<40x128xf32, #tpu.memory_space<vmem>>) offsets(%dma_start3A_181 : memref<40xi32, #tpu.memory_space<vmem>>) semaphore(%arg15 : memref<!tpu.dma_semaphore, #tpu.memory_space<semaphore_mem>>)
      } else {
      }
      %add3A_108 = arith.constant 2 : i32
      %add3A_109 = arith.addi %mul3A_68, %add3A_108 : i32
      %mul3A_110 = arith.constant 40 : i32
      %mul3A_111 = arith.muli %add3A_109, %mul3A_110 : i32
      %dma_wait3A_112 = tpu.memref_slice %arg7[%mul3A_111] : memref<10000xi32, #tpu.memory_space<vmem>> -> memref<40xi32, #tpu.memory_space<vmem>>
      %dma_wait3A_113 = arith.constant 0 : i32
      %dma_wait3A_114 = arith.constant 0 : i32
      %dma_wait3A_115 = tpu.memref_slice %arg2[%dma_wait3A_113, %dma_wait3A_114] : memref<10000x128xf32, #tpu.memory_space<hbm>> -> memref<10000x128xf32, #tpu.memory_space<hbm>>
      tpu.wait_indirect_dma semaphore(%arg16 : memref<!tpu.dma_semaphore, #tpu.memory_space<semaphore_mem>>) src(%dma_wait3A_115 : memref<10000x128xf32, #tpu.memory_space<hbm>>) dst(%arg11 : memref<40x128xf32, #tpu.memory_space<vmem>>)
      %mul3A_116 = arith.constant 40 : i32
      %mul3A_117 = arith.muli %add3A_109, %mul3A_116 : i32
      %dma_start3A_118 = tpu.memref_slice %arg8[%mul3A_117] : memref<10000xi32, #tpu.memory_space<vmem>> -> memref<40xi32, #tpu.memory_space<vmem>>
      %dma_start3A_119 = arith.constant 0 : i32
      %dma_start3A_120 = arith.constant 0 : i32
      %dma_start3A_121 = tpu.memref_slice %arg6[%dma_start3A_119, %dma_start3A_120] : memref<10240x128xf32, #tpu.memory_space<vmem_shared>> -> memref<10240x128xf32, #tpu.memory_space<vmem_shared>>
      tpu.enqueue_indirect_dma source(%arg11 : memref<40x128xf32, #tpu.memory_space<vmem>>) target(%dma_start3A_121 : memref<10240x128xf32, #tpu.memory_space<vmem_shared>>) offsets(%dma_start3A_118 : memref<40xi32, #tpu.memory_space<vmem>>) semaphore(%arg21 : memref<!tpu.dma_semaphore, #tpu.memory_space<semaphore_mem>>) {add = true}
      %add3A_122 = arith.constant 5 : i32
      %add3A_123 = arith.addi %add3A_109, %add3A_122 : i32
      %lt3A_124 = arith.constant 250 : i32
      %lt3A_125 = arith.cmpi slt, %add3A_123, %lt3A_124 : i32
      %convert_element_type3A_126 = arith.extui %lt3A_125 : i1 to i32
      %cond3A_127 = arith.constant 0 : i32
      %cond3A_128 = arith.cmpi ne, %convert_element_type3A_126, %cond3A_127 : i32
      scf.if %cond3A_128 {
        %mul3A_171 = arith.constant 40 : i32
        %mul3A_172 = arith.muli %add3A_109, %mul3A_171 : i32
        %dma_wait3A_173 = tpu.memref_slice %arg8[%mul3A_172] : memref<10000xi32, #tpu.memory_space<vmem>> -> memref<40xi32, #tpu.memory_space<vmem>>
        %dma_wait3A_174 = arith.constant 0 : i32
        %dma_wait3A_175 = arith.constant 0 : i32
        %dma_wait3A_176 = tpu.memref_slice %arg6[%dma_wait3A_174, %dma_wait3A_175] : memref<10240x128xf32, #tpu.memory_space<vmem_shared>> -> memref<10240x128xf32, #tpu.memory_space<vmem_shared>>
        tpu.wait_indirect_dma semaphore(%arg21 : memref<!tpu.dma_semaphore, #tpu.memory_space<semaphore_mem>>) src(%arg11 : memref<40x128xf32, #tpu.memory_space<vmem>>) dst(%dma_wait3A_176 : memref<10240x128xf32, #tpu.memory_space<vmem_shared>>)
        %add3A_177 = arith.constant 5 : i32
        %add3A_178 = arith.addi %add3A_109, %add3A_177 : i32
        %mul3A_179 = arith.constant 40 : i32
        %mul3A_180 = arith.muli %add3A_178, %mul3A_179 : i32
        %dma_start3A_181 = tpu.memref_slice %arg7[%mul3A_180] : memref<10000xi32, #tpu.memory_space<vmem>> -> memref<40xi32, #tpu.memory_space<vmem>>
        %dma_start3A_182 = arith.constant 0 : i32
        %dma_start3A_183 = arith.constant 0 : i32
        %dma_start3A_184 = tpu.memref_slice %arg2[%dma_start3A_182, %dma_start3A_183] : memref<10000x128xf32, #tpu.memory_space<hbm>> -> memref<10000x128xf32, #tpu.memory_space<hbm>>
        tpu.enqueue_indirect_dma source(%dma_start3A_184 : memref<10000x128xf32, #tpu.memory_space<hbm>>) target(%arg11 : memref<40x128xf32, #tpu.memory_space<vmem>>) offsets(%dma_start3A_181 : memref<40xi32, #tpu.memory_space<vmem>>) semaphore(%arg16 : memref<!tpu.dma_semaphore, #tpu.memory_space<semaphore_mem>>)
      } else {
      }
      %add3A_129 = arith.constant 3 : i32
      %add3A_130 = arith.addi %mul3A_68, %add3A_129 : i32
      %mul3A_131 = arith.constant 40 : i32
      %mul3A_132 = arith.muli %add3A_130, %mul3A_131 : i32
      %dma_wait3A_133 = tpu.memref_slice %arg7[%mul3A_132] : memref<10000xi32, #tpu.memory_space<vmem>> -> memref<40xi32, #tpu.memory_space<vmem>>
      %dma_wait3A_134 = arith.constant 0 : i32
      %dma_wait3A_135 = arith.constant 0 : i32
      %dma_wait3A_136 = tpu.memref_slice %arg2[%dma_wait3A_134, %dma_wait3A_135] : memref<10000x128xf32, #tpu.memory_space<hbm>> -> memref<10000x128xf32, #tpu.memory_space<hbm>>
      tpu.wait_indirect_dma semaphore(%arg17 : memref<!tpu.dma_semaphore, #tpu.memory_space<semaphore_mem>>) src(%dma_wait3A_136 : memref<10000x128xf32, #tpu.memory_space<hbm>>) dst(%arg12 : memref<40x128xf32, #tpu.memory_space<vmem>>)
      %mul3A_137 = arith.constant 40 : i32
      %mul3A_138 = arith.muli %add3A_130, %mul3A_137 : i32
      %dma_start3A_139 = tpu.memref_slice %arg8[%mul3A_138] : memref<10000xi32, #tpu.memory_space<vmem>> -> memref<40xi32, #tpu.memory_space<vmem>>
      %dma_start3A_140 = arith.constant 0 : i32
      %dma_start3A_141 = arith.constant 0 : i32
      %dma_start3A_142 = tpu.memref_slice %arg6[%dma_start3A_140, %dma_start3A_141] : memref<10240x128xf32, #tpu.memory_space<vmem_shared>> -> memref<10240x128xf32, #tpu.memory_space<vmem_shared>>
      tpu.enqueue_indirect_dma source(%arg12 : memref<40x128xf32, #tpu.memory_space<vmem>>) target(%dma_start3A_142 : memref<10240x128xf32, #tpu.memory_space<vmem_shared>>) offsets(%dma_start3A_139 : memref<40xi32, #tpu.memory_space<vmem>>) semaphore(%arg22 : memref<!tpu.dma_semaphore, #tpu.memory_space<semaphore_mem>>) {add = true}
      %add3A_143 = arith.constant 5 : i32
      %add3A_144 = arith.addi %add3A_130, %add3A_143 : i32
      %lt3A_145 = arith.constant 250 : i32
      %lt3A_146 = arith.cmpi slt, %add3A_144, %lt3A_145 : i32
      %convert_element_type3A_147 = arith.extui %lt3A_146 : i1 to i32
      %cond3A_148 = arith.constant 0 : i32
      %cond3A_149 = arith.cmpi ne, %convert_element_type3A_147, %cond3A_148 : i32
      scf.if %cond3A_149 {
        %mul3A_171 = arith.constant 40 : i32
        %mul3A_172 = arith.muli %add3A_130, %mul3A_171 : i32
        %dma_wait3A_173 = tpu.memref_slice %arg8[%mul3A_172] : memref<10000xi32, #tpu.memory_space<vmem>> -> memref<40xi32, #tpu.memory_space<vmem>>
        %dma_wait3A_174 = arith.constant 0 : i32
        %dma_wait3A_175 = arith.constant 0 : i32
        %dma_wait3A_176 = tpu.memref_slice %arg6[%dma_wait3A_174, %dma_wait3A_175] : memref<10240x128xf32, #tpu.memory_space<vmem_shared>> -> memref<10240x128xf32, #tpu.memory_space<vmem_shared>>
        tpu.wait_indirect_dma semaphore(%arg22 : memref<!tpu.dma_semaphore, #tpu.memory_space<semaphore_mem>>) src(%arg12 : memref<40x128xf32, #tpu.memory_space<vmem>>) dst(%dma_wait3A_176 : memref<10240x128xf32, #tpu.memory_space<vmem_shared>>)
        %add3A_177 = arith.constant 5 : i32
        %add3A_178 = arith.addi %add3A_130, %add3A_177 : i32
        %mul3A_179 = arith.constant 40 : i32
        %mul3A_180 = arith.muli %add3A_178, %mul3A_179 : i32
        %dma_start3A_181 = tpu.memref_slice %arg7[%mul3A_180] : memref<10000xi32, #tpu.memory_space<vmem>> -> memref<40xi32, #tpu.memory_space<vmem>>
        %dma_start3A_182 = arith.constant 0 : i32
        %dma_start3A_183 = arith.constant 0 : i32
        %dma_start3A_184 = tpu.memref_slice %arg2[%dma_start3A_182, %dma_start3A_183] : memref<10000x128xf32, #tpu.memory_space<hbm>> -> memref<10000x128xf32, #tpu.memory_space<hbm>>
        tpu.enqueue_indirect_dma source(%dma_start3A_184 : memref<10000x128xf32, #tpu.memory_space<hbm>>) target(%arg12 : memref<40x128xf32, #tpu.memory_space<vmem>>) offsets(%dma_start3A_181 : memref<40xi32, #tpu.memory_space<vmem>>) semaphore(%arg17 : memref<!tpu.dma_semaphore, #tpu.memory_space<semaphore_mem>>)
      } else {
      }
      %add3A_150 = arith.constant 4 : i32
      %add3A_151 = arith.addi %mul3A_68, %add3A_150 : i32
      %mul3A_152 = arith.constant 40 : i32
      %mul3A_153 = arith.muli %add3A_151, %mul3A_152 : i32
      %dma_wait3A_154 = tpu.memref_slice %arg7[%mul3A_153] : memref<10000xi32, #tpu.memory_space<vmem>> -> memref<40xi32, #tpu.memory_space<vmem>>
      %dma_wait3A_155 = arith.constant 0 : i32
      %dma_wait3A_156 = arith.constant 0 : i32
      %dma_wait3A_157 = tpu.memref_slice %arg2[%dma_wait3A_155, %dma_wait3A_156] : memref<10000x128xf32, #tpu.memory_space<hbm>> -> memref<10000x128xf32, #tpu.memory_space<hbm>>
      tpu.wait_indirect_dma semaphore(%arg18 : memref<!tpu.dma_semaphore, #tpu.memory_space<semaphore_mem>>) src(%dma_wait3A_157 : memref<10000x128xf32, #tpu.memory_space<hbm>>) dst(%arg13 : memref<40x128xf32, #tpu.memory_space<vmem>>)
      %mul3A_158 = arith.constant 40 : i32
      %mul3A_159 = arith.muli %add3A_151, %mul3A_158 : i32
      %dma_start3A_160 = tpu.memref_slice %arg8[%mul3A_159] : memref<10000xi32, #tpu.memory_space<vmem>> -> memref<40xi32, #tpu.memory_space<vmem>>
      %dma_start3A_161 = arith.constant 0 : i32
      %dma_start3A_162 = arith.constant 0 : i32
      %dma_start3A_163 = tpu.memref_slice %arg6[%dma_start3A_161, %dma_start3A_162] : memref<10240x128xf32, #tpu.memory_space<vmem_shared>> -> memref<10240x128xf32, #tpu.memory_space<vmem_shared>>
      tpu.enqueue_indirect_dma source(%arg13 : memref<40x128xf32, #tpu.memory_space<vmem>>) target(%dma_start3A_163 : memref<10240x128xf32, #tpu.memory_space<vmem_shared>>) offsets(%dma_start3A_160 : memref<40xi32, #tpu.memory_space<vmem>>) semaphore(%arg23 : memref<!tpu.dma_semaphore, #tpu.memory_space<semaphore_mem>>) {add = true}
      %add3A_164 = arith.constant 5 : i32
      %add3A_165 = arith.addi %add3A_151, %add3A_164 : i32
      %lt3A_166 = arith.constant 250 : i32
      %lt3A_167 = arith.cmpi slt, %add3A_165, %lt3A_166 : i32
      %convert_element_type3A_168 = arith.extui %lt3A_167 : i1 to i32
      %cond3A_169 = arith.constant 0 : i32
      %cond3A_170 = arith.cmpi ne, %convert_element_type3A_168, %cond3A_169 : i32
      scf.if %cond3A_170 {
        %mul3A_171 = arith.constant 40 : i32
        %mul3A_172 = arith.muli %add3A_151, %mul3A_171 : i32
        %dma_wait3A_173 = tpu.memref_slice %arg8[%mul3A_172] : memref<10000xi32, #tpu.memory_space<vmem>> -> memref<40xi32, #tpu.memory_space<vmem>>
        %dma_wait3A_174 = arith.constant 0 : i32
        %dma_wait3A_175 = arith.constant 0 : i32
        %dma_wait3A_176 = tpu.memref_slice %arg6[%dma_wait3A_174, %dma_wait3A_175] : memref<10240x128xf32, #tpu.memory_space<vmem_shared>> -> memref<10240x128xf32, #tpu.memory_space<vmem_shared>>
        tpu.wait_indirect_dma semaphore(%arg23 : memref<!tpu.dma_semaphore, #tpu.memory_space<semaphore_mem>>) src(%arg13 : memref<40x128xf32, #tpu.memory_space<vmem>>) dst(%dma_wait3A_176 : memref<10240x128xf32, #tpu.memory_space<vmem_shared>>)
        %add3A_177 = arith.constant 5 : i32
        %add3A_178 = arith.addi %add3A_151, %add3A_177 : i32
        %mul3A_179 = arith.constant 40 : i32
        %mul3A_180 = arith.muli %add3A_178, %mul3A_179 : i32
        %dma_start3A_181 = tpu.memref_slice %arg7[%mul3A_180] : memref<10000xi32, #tpu.memory_space<vmem>> -> memref<40xi32, #tpu.memory_space<vmem>>
        %dma_start3A_182 = arith.constant 0 : i32
        %dma_start3A_183 = arith.constant 0 : i32
        %dma_start3A_184 = tpu.memref_slice %arg2[%dma_start3A_182, %dma_start3A_183] : memref<10000x128xf32, #tpu.memory_space<hbm>> -> memref<10000x128xf32, #tpu.memory_space<hbm>>
        tpu.enqueue_indirect_dma source(%dma_start3A_184 : memref<10000x128xf32, #tpu.memory_space<hbm>>) target(%arg13 : memref<40x128xf32, #tpu.memory_space<vmem>>) offsets(%dma_start3A_181 : memref<40xi32, #tpu.memory_space<vmem>>) semaphore(%arg18 : memref<!tpu.dma_semaphore, #tpu.memory_space<semaphore_mem>>)
      } else {
      }
    }
    %scan3A_36 = arith.constant 50 : i32
    %dma_wait3A = arith.constant 9800 : i32
    %dma_wait3A_37 = tpu.memref_slice %arg8[%dma_wait3A] : memref<10000xi32, #tpu.memory_space<vmem>> -> memref<40xi32, #tpu.memory_space<vmem>>
    %dma_wait3A_38 = arith.constant 0 : i32
    %dma_wait3A_39 = arith.constant 0 : i32
    %dma_wait3A_40 = tpu.memref_slice %arg6[%dma_wait3A_38, %dma_wait3A_39] : memref<10240x128xf32, #tpu.memory_space<vmem_shared>> -> memref<10240x128xf32, #tpu.memory_space<vmem_shared>>
    tpu.wait_indirect_dma semaphore(%arg19 : memref<!tpu.dma_semaphore, #tpu.memory_space<semaphore_mem>>) src(%arg9 : memref<40x128xf32, #tpu.memory_space<vmem>>) dst(%dma_wait3A_40 : memref<10240x128xf32, #tpu.memory_space<vmem_shared>>)
    %dma_wait3A_41 = arith.constant 9840 : i32
    %dma_wait3A_42 = tpu.memref_slice %arg8[%dma_wait3A_41] : memref<10000xi32, #tpu.memory_space<vmem>> -> memref<40xi32, #tpu.memory_space<vmem>>
    %dma_wait3A_43 = arith.constant 0 : i32
    %dma_wait3A_44 = arith.constant 0 : i32
    %dma_wait3A_45 = tpu.memref_slice %arg6[%dma_wait3A_43, %dma_wait3A_44] : memref<10240x128xf32, #tpu.memory_space<vmem_shared>> -> memref<10240x128xf32, #tpu.memory_space<vmem_shared>>
    tpu.wait_indirect_dma semaphore(%arg20 : memref<!tpu.dma_semaphore, #tpu.memory_space<semaphore_mem>>) src(%arg10 : memref<40x128xf32, #tpu.memory_space<vmem>>) dst(%dma_wait3A_45 : memref<10240x128xf32, #tpu.memory_space<vmem_shared>>)
    %dma_wait3A_46 = arith.constant 9880 : i32
    %dma_wait3A_47 = tpu.memref_slice %arg8[%dma_wait3A_46] : memref<10000xi32, #tpu.memory_space<vmem>> -> memref<40xi32, #tpu.memory_space<vmem>>
    %dma_wait3A_48 = arith.constant 0 : i32
    %dma_wait3A_49 = arith.constant 0 : i32
    %dma_wait3A_50 = tpu.memref_slice %arg6[%dma_wait3A_48, %dma_wait3A_49] : memref<10240x128xf32, #tpu.memory_space<vmem_shared>> -> memref<10240x128xf32, #tpu.memory_space<vmem_shared>>
    tpu.wait_indirect_dma semaphore(%arg21 : memref<!tpu.dma_semaphore, #tpu.memory_space<semaphore_mem>>) src(%arg11 : memref<40x128xf32, #tpu.memory_space<vmem>>) dst(%dma_wait3A_50 : memref<10240x128xf32, #tpu.memory_space<vmem_shared>>)
    %dma_wait3A_51 = arith.constant 9920 : i32
    %dma_wait3A_52 = tpu.memref_slice %arg8[%dma_wait3A_51] : memref<10000xi32, #tpu.memory_space<vmem>> -> memref<40xi32, #tpu.memory_space<vmem>>
    %dma_wait3A_53 = arith.constant 0 : i32
    %dma_wait3A_54 = arith.constant 0 : i32
    %dma_wait3A_55 = tpu.memref_slice %arg6[%dma_wait3A_53, %dma_wait3A_54] : memref<10240x128xf32, #tpu.memory_space<vmem_shared>> -> memref<10240x128xf32, #tpu.memory_space<vmem_shared>>
    tpu.wait_indirect_dma semaphore(%arg22 : memref<!tpu.dma_semaphore, #tpu.memory_space<semaphore_mem>>) src(%arg12 : memref<40x128xf32, #tpu.memory_space<vmem>>) dst(%dma_wait3A_55 : memref<10240x128xf32, #tpu.memory_space<vmem_shared>>)
    %dma_wait3A_56 = arith.constant 9960 : i32
    %dma_wait3A_57 = tpu.memref_slice %arg8[%dma_wait3A_56] : memref<10000xi32, #tpu.memory_space<vmem>> -> memref<40xi32, #tpu.memory_space<vmem>>
    %dma_wait3A_58 = arith.constant 0 : i32
    %dma_wait3A_59 = arith.constant 0 : i32
    %dma_wait3A_60 = tpu.memref_slice %arg6[%dma_wait3A_58, %dma_wait3A_59] : memref<10240x128xf32, #tpu.memory_space<vmem_shared>> -> memref<10240x128xf32, #tpu.memory_space<vmem_shared>>
    tpu.wait_indirect_dma semaphore(%arg23 : memref<!tpu.dma_semaphore, #tpu.memory_space<semaphore_mem>>) src(%arg13 : memref<40x128xf32, #tpu.memory_space<vmem>>) dst(%dma_wait3A_60 : memref<10240x128xf32, #tpu.memory_space<vmem_shared>>)
    %barrier3A_61 = arith.constant 0 : index
    tpu.barrier barrier_id(%barrier3A_61)
    %mul3A_62 = arith.constant 640 : i32
    %mul3A_63 = arith.muli %arg1, %mul3A_62 : i32
    %mul3A_64 = arith.constant 640 : i32
    %mul3A_65 = arith.muli %arg1, %mul3A_64 : i32
    "tpu.region"() ({
      %run_scoped3A_66 = tpu.sem_alloc : memref<!tpu.dma_semaphore, #tpu.memory_space<semaphore_mem>>
      %dma_start3A_67 = arith.constant 0 : i32
      %dma_start3A_68 = tpu.memref_slice %arg5[%arg0, %mul3A_65, %dma_start3A_67] : memref<2x10240x128xf32, #tpu.memory_space<hbm>> -> memref<1x640x128xf32, #tpu.memory_space<hbm>>
      %dma_start3A_69 = tpu.memref_squeeze %dma_start3A_68 : memref<1x640x128xf32, #tpu.memory_space<hbm>> -> memref<640x128xf32, #tpu.memory_space<hbm>>
      %dma_start3A_70 = arith.constant 0 : i32
      %dma_start3A_71 = tpu.memref_slice %arg6[%mul3A_63, %dma_start3A_70] : memref<10240x128xf32, #tpu.memory_space<vmem_shared>> -> memref<640x128xf32, #tpu.memory_space<vmem_shared>>
      tpu.enqueue_dma source(%dma_start3A_71 : memref<640x128xf32, #tpu.memory_space<vmem_shared>>) target(%dma_start3A_69 : memref<640x128xf32, #tpu.memory_space<hbm>>) target_semaphore(%run_scoped3A_66 : memref<!tpu.dma_semaphore, #tpu.memory_space<semaphore_mem>>)
      %dma_wait3A_72 = arith.constant 0 : i32
      %dma_wait3A_73 = tpu.memref_slice %arg5[%arg0, %mul3A_65, %dma_wait3A_72] : memref<2x10240x128xf32, #tpu.memory_space<hbm>> -> memref<1x640x128xf32, #tpu.memory_space<hbm>>
      %dma_wait3A_74 = tpu.memref_squeeze %dma_wait3A_73 : memref<1x640x128xf32, #tpu.memory_space<hbm>> -> memref<640x128xf32, #tpu.memory_space<hbm>>
      %dma_wait3A_75 = arith.constant 0 : i32
      %dma_wait3A_76 = tpu.memref_slice %arg6[%mul3A_63, %dma_wait3A_75] : memref<10240x128xf32, #tpu.memory_space<vmem_shared>> -> memref<640x128xf32, #tpu.memory_space<vmem_shared>>
      tpu.wait_dma2 semaphore(%run_scoped3A_66 : memref<!tpu.dma_semaphore, #tpu.memory_space<semaphore_mem>>) src(%dma_wait3A_76 : memref<640x128xf32, #tpu.memory_space<vmem_shared>>) dst(%dma_wait3A_74 : memref<640x128xf32, #tpu.memory_space<hbm>>)
      tpu.yield
    }) : () -> ()
    return
  }
}

module attributes {stable_mosaic.version = 14 : i64} {
  func.func @_k1_body(%arg0: i32, %arg1: memref<2x2000x16xf32, #tpu.memory_space<vmem>>, %arg2: memref<2000x128xf32, #tpu.memory_space<vmem>>, %arg3: memref<128x128xf32, #tpu.memory_space<vmem>>, %arg4: memref<2000x128xf32, #tpu.memory_space<vmem>>) attributes {dimension_semantics = [#tpu.dimension_semantics<arbitrary>], iteration_bounds = array<i64: 5>, scalar_prefetch = 0 : i64, scratch_operands = 0 : i64, tpu.core_type = #tpu.core_type<tc>, window_params = [{transform_indices = @transform_0, window_bounds = array<i64: 2, 2000, 16>}, {transform_indices = @transform_1, window_bounds = array<i64: 2000, 128>}, {pipeline_mode = #tpu.pipeline_mode<synchronous>, transform_indices = @transform_2, window_bounds = array<i64: 128, 128>}, {transform_indices = @transform_3, window_bounds = array<i64: 2000, 128>}]} {
    %get3A = arith.constant 0 : index
    %get3A_0 = arith.constant 0 : index
    %get3A_1 = arith.constant 0 : index
    %get3A_2 = vector.load %arg1[%get3A, %get3A_0, %get3A_1] : memref<2x2000x16xf32, #tpu.memory_space<vmem>>, vector<1x2000x1xf32>
    %get3A_3 = vector.shape_cast %get3A_2 : vector<1x2000x1xf32> to vector<2000x1xf32>
    %get3A_4 = arith.constant 1 : index
    %get3A_5 = arith.constant 0 : index
    %get3A_6 = arith.constant 0 : index
    %get3A_7 = vector.load %arg1[%get3A_4, %get3A_5, %get3A_6] : memref<2x2000x16xf32, #tpu.memory_space<vmem>>, vector<1x2000x1xf32>
    %get3A_8 = vector.shape_cast %get3A_7 : vector<1x2000x1xf32> to vector<2000x1xf32>
    %add3A = arith.addf %get3A_3, %get3A_8 : vector<2000x1xf32>
    %add3A_9 = arith.constant 1.000000e+00 : f32
    %add3A_10 = vector.broadcast %add3A_9 : f32 to vector<2000x1xf32>
    %add3A_11 = arith.addf %add3A, %add3A_10 : vector<2000x1xf32>
    %rsqrt3A = math.rsqrt %add3A_11 : vector<2000x1xf32>
    %get3A_12 = arith.constant 0 : index
    %get3A_13 = arith.constant 0 : index
    %get3A_14 = vector.load %arg2[%get3A_12, %get3A_13] : memref<2000x128xf32, #tpu.memory_space<vmem>>, vector<2000x128xf32>
    %get3A_15 = arith.constant 0 : index
    %get3A_16 = arith.constant 0 : index
    %get3A_17 = vector.load %arg3[%get3A_15, %get3A_16] : memref<128x128xf32, #tpu.memory_space<vmem>>, vector<128x128xf32>
    %dot_general3A = arith.constant dense<0.000000e+00> : vector<2000x128xf32>
    %dot_general3A_18 = tpu.matmul %get3A_14, %get3A_17, %dot_general3A {dimension_numbers = #tpu.dot_dimension_numbers<[1], [0], [0], [1], [0, 0, 1, 1], [], []>, transpose_lhs_hint = false} : vector<2000x128xf32>, vector<128x128xf32>, vector<2000x128xf32> -> vector<2000x128xf32>
    %mul3A = vector.broadcast %rsqrt3A : vector<2000x1xf32> to vector<2000x128xf32>
    %mul3A_19 = arith.mulf %mul3A, %dot_general3A_18 : vector<2000x128xf32>
    %swap3A = arith.constant 0 : index
    %swap3A_20 = arith.constant 0 : index
    %swap3A_21 = vector.load %arg4[%swap3A, %swap3A_20] : memref<2000x128xf32, #tpu.memory_space<vmem>>, vector<2000x128xf32>
    tpu.vector_store %arg4[%swap3A, %swap3A_20], %mul3A_19 {strides = array<i32>} : memref<2000x128xf32, #tpu.memory_space<vmem>>, vector<2000x128xf32>,
    return
  }
  func.func @transform_0(%arg0: i32) -> (i32, i32, i32) {
    %c0_i32 = arith.constant 0 : i32
    %c0_i32_0 = arith.constant 0 : i32
    %c0_i32_1 = arith.constant 0 : i32
    return %c0_i32, %arg0, %c0_i32_0 : i32, i32, i32
  }
  func.func @transform_1(%arg0: i32) -> (i32, i32) {
    %c0_i32 = arith.constant 0 : i32
    %c0_i32_0 = arith.constant 0 : i32
    return %arg0, %c0_i32 : i32, i32
  }
  func.func @transform_2(%arg0: i32) -> (i32, i32) {
    %c0_i32 = arith.constant 0 : i32
    %c0_i32_0 = arith.constant 0 : i32
    %c0_i32_1 = arith.constant 0 : i32
    return %c0_i32, %c0_i32_0 : i32, i32
  }
  func.func @transform_3(%arg0: i32) -> (i32, i32) {
    %c0_i32 = arith.constant 0 : i32
    %c0_i32_0 = arith.constant 0 : i32
    return %arg0, %c0_i32 : i32, i32
  }
}

module attributes {stable_mosaic.version = 14 : i64} {
  func.func @_k2_body(%arg0: i32, %arg1: memref<2x2000x16xf32, #tpu.memory_space<vmem>>, %arg2: memref<2x2000x128xf32, #tpu.memory_space<vmem>>, %arg3: memref<2000x128xf32, #tpu.memory_space<vmem>>, %arg4: memref<1x128xf32, #tpu.memory_space<vmem>>, %arg5: memref<128x128xf32, #tpu.memory_space<vmem>>, %arg6: memref<2000x128xf32, #tpu.memory_space<vmem>>) attributes {dimension_semantics = [#tpu.dimension_semantics<arbitrary>], iteration_bounds = array<i64: 5>, scalar_prefetch = 0 : i64, scratch_operands = 0 : i64, tpu.core_type = #tpu.core_type<tc>, window_params = [{transform_indices = @transform_0, window_bounds = array<i64: 2, 2000, 16>}, {transform_indices = @transform_1, window_bounds = array<i64: 2, 2000, 128>}, {transform_indices = @transform_2, window_bounds = array<i64: 2000, 128>}, {pipeline_mode = #tpu.pipeline_mode<synchronous>, transform_indices = @transform_3, window_bounds = array<i64: 1, 128>}, {pipeline_mode = #tpu.pipeline_mode<synchronous>, transform_indices = @transform_4, window_bounds = array<i64: 128, 128>}, {transform_indices = @transform_5, window_bounds = array<i64: 2000, 128>}]} {
    %get3A = arith.constant 0 : index
    %get3A_0 = arith.constant 0 : index
    %get3A_1 = arith.constant 0 : index
    %get3A_2 = vector.load %arg1[%get3A, %get3A_0, %get3A_1] : memref<2x2000x16xf32, #tpu.memory_space<vmem>>, vector<1x2000x1xf32>
    %get3A_3 = vector.shape_cast %get3A_2 : vector<1x2000x1xf32> to vector<2000x1xf32>
    %get3A_4 = arith.constant 1 : index
    %get3A_5 = arith.constant 0 : index
    %get3A_6 = arith.constant 0 : index
    %get3A_7 = vector.load %arg1[%get3A_4, %get3A_5, %get3A_6] : memref<2x2000x16xf32, #tpu.memory_space<vmem>>, vector<1x2000x1xf32>
    %get3A_8 = vector.shape_cast %get3A_7 : vector<1x2000x1xf32> to vector<2000x1xf32>
    %add3A = arith.addf %get3A_3, %get3A_8 : vector<2000x1xf32>
    %add3A_9 = arith.constant 1.000000e+00 : f32
    %add3A_10 = vector.broadcast %add3A_9 : f32 to vector<2000x1xf32>
    %add3A_11 = arith.addf %add3A, %add3A_10 : vector<2000x1xf32>
    %rsqrt3A = math.rsqrt %add3A_11 : vector<2000x1xf32>
    %get3A_12 = arith.constant 0 : index
    %get3A_13 = arith.constant 0 : index
    %get3A_14 = arith.constant 0 : index
    %get3A_15 = vector.load %arg2[%get3A_12, %get3A_13, %get3A_14] : memref<2x2000x128xf32, #tpu.memory_space<vmem>>, vector<1x2000x128xf32>
    %get3A_16 = vector.shape_cast %get3A_15 : vector<1x2000x128xf32> to vector<2000x128xf32>
    %get3A_17 = arith.constant 1 : index
    %get3A_18 = arith.constant 0 : index
    %get3A_19 = arith.constant 0 : index
    %get3A_20 = vector.load %arg2[%get3A_17, %get3A_18, %get3A_19] : memref<2x2000x128xf32, #tpu.memory_space<vmem>>, vector<1x2000x128xf32>
    %get3A_21 = vector.shape_cast %get3A_20 : vector<1x2000x128xf32> to vector<2000x128xf32>
    %add3A_22 = arith.addf %get3A_16, %get3A_21 : vector<2000x128xf32>
    %get3A_23 = arith.constant 0 : index
    %get3A_24 = arith.constant 0 : index
    %get3A_25 = vector.load %arg3[%get3A_23, %get3A_24] : memref<2000x128xf32, #tpu.memory_space<vmem>>, vector<2000x128xf32>
    %add3A_26 = arith.addf %add3A_22, %get3A_25 : vector<2000x128xf32>
    %mul3A = vector.broadcast %rsqrt3A : vector<2000x1xf32> to vector<2000x128xf32>
    %mul3A_27 = arith.mulf %mul3A, %add3A_26 : vector<2000x128xf32>
    %get3A_28 = arith.constant 0 : index
    %get3A_29 = arith.constant 0 : index
    %get3A_30 = vector.load %arg4[%get3A_28, %get3A_29] : memref<1x128xf32, #tpu.memory_space<vmem>>, vector<1x128xf32>
    %add3A_31 = vector.broadcast %get3A_30 : vector<1x128xf32> to vector<2000x128xf32>
    %add3A_32 = arith.addf %mul3A_27, %add3A_31 : vector<2000x128xf32>
    %max3A = arith.constant 0.000000e+00 : f32
    %max3A_33 = vector.broadcast %max3A : f32 to vector<2000x128xf32>
    %max3A_34 = arith.maximumf %add3A_32, %max3A_33 : vector<2000x128xf32>
    %get3A_35 = arith.constant 0 : index
    %get3A_36 = arith.constant 0 : index
    %get3A_37 = vector.load %arg5[%get3A_35, %get3A_36] : memref<128x128xf32, #tpu.memory_space<vmem>>, vector<128x128xf32>
    %dot_general3A = arith.constant dense<0.000000e+00> : vector<2000x128xf32>
    %dot_general3A_38 = tpu.matmul %max3A_34, %get3A_37, %dot_general3A {dimension_numbers = #tpu.dot_dimension_numbers<[1], [0], [0], [1], [0, 0, 1, 1], [], []>, transpose_lhs_hint = false} : vector<2000x128xf32>, vector<128x128xf32>, vector<2000x128xf32> -> vector<2000x128xf32>
    %mul3A_39 = vector.broadcast %rsqrt3A : vector<2000x1xf32> to vector<2000x128xf32>
    %mul3A_40 = arith.mulf %mul3A_39, %dot_general3A_38 : vector<2000x128xf32>
    %swap3A = arith.constant 0 : index
    %swap3A_41 = arith.constant 0 : index
    %swap3A_42 = vector.load %arg6[%swap3A, %swap3A_41] : memref<2000x128xf32, #tpu.memory_space<vmem>>, vector<2000x128xf32>
    tpu.vector_store %arg6[%swap3A, %swap3A_41], %mul3A_40 {strides = array<i32>} : memref<2000x128xf32, #tpu.memory_space<vmem>>, vector<2000x128xf32>,
    return
  }
  func.func @transform_0(%arg0: i32) -> (i32, i32, i32) {
    %c0_i32 = arith.constant 0 : i32
    %c0_i32_0 = arith.constant 0 : i32
    %c0_i32_1 = arith.constant 0 : i32
    return %c0_i32, %arg0, %c0_i32_0 : i32, i32, i32
  }
  func.func @transform_1(%arg0: i32) -> (i32, i32, i32) {
    %c0_i32 = arith.constant 0 : i32
    %c0_i32_0 = arith.constant 0 : i32
    %c0_i32_1 = arith.constant 0 : i32
    return %c0_i32, %arg0, %c0_i32_0 : i32, i32, i32
  }
  func.func @transform_2(%arg0: i32) -> (i32, i32) {
    %c0_i32 = arith.constant 0 : i32
    %c0_i32_0 = arith.constant 0 : i32
    return %arg0, %c0_i32 : i32, i32
  }
  func.func @transform_3(%arg0: i32) -> (i32, i32) {
    %c0_i32 = arith.constant 0 : i32
    %c0_i32_0 = arith.constant 0 : i32
    %c0_i32_1 = arith.constant 0 : i32
    return %c0_i32, %c0_i32_0 : i32, i32
  }
  func.func @transform_4(%arg0: i32) -> (i32, i32) {
    %c0_i32 = arith.constant 0 : i32
    %c0_i32_0 = arith.constant 0 : i32
    %c0_i32_1 = arith.constant 0 : i32
    return %c0_i32, %c0_i32_0 : i32, i32
  }
  func.func @transform_5(%arg0: i32) -> (i32, i32) {
    %c0_i32 = arith.constant 0 : i32
    %c0_i32_0 = arith.constant 0 : i32
    return %arg0, %c0_i32 : i32, i32
  }
}

module attributes {stable_mosaic.version = 14 : i64} {
  func.func @_k3_body(%arg0: i32, %arg1: memref<2x2000x16xf32, #tpu.memory_space<vmem>>, %arg2: memref<2x2000x128xf32, #tpu.memory_space<vmem>>, %arg3: memref<2000x128xf32, #tpu.memory_space<vmem>>, %arg4: memref<1x128xf32, #tpu.memory_space<vmem>>, %arg5: memref<2000x128xf32, #tpu.memory_space<vmem>>) attributes {dimension_semantics = [#tpu.dimension_semantics<arbitrary>], iteration_bounds = array<i64: 5>, scalar_prefetch = 0 : i64, scratch_operands = 0 : i64, tpu.core_type = #tpu.core_type<tc>, window_params = [{transform_indices = @transform_0, window_bounds = array<i64: 2, 2000, 16>}, {transform_indices = @transform_1, window_bounds = array<i64: 2, 2000, 128>}, {transform_indices = @transform_2, window_bounds = array<i64: 2000, 128>}, {pipeline_mode = #tpu.pipeline_mode<synchronous>, transform_indices = @transform_3, window_bounds = array<i64: 1, 128>}, {transform_indices = @transform_4, window_bounds = array<i64: 2000, 128>}]} {
    %get3A = arith.constant 0 : index
    %get3A_0 = arith.constant 0 : index
    %get3A_1 = arith.constant 0 : index
    %get3A_2 = vector.load %arg1[%get3A, %get3A_0, %get3A_1] : memref<2x2000x16xf32, #tpu.memory_space<vmem>>, vector<1x2000x1xf32>
    %get3A_3 = vector.shape_cast %get3A_2 : vector<1x2000x1xf32> to vector<2000x1xf32>
    %get3A_4 = arith.constant 1 : index
    %get3A_5 = arith.constant 0 : index
    %get3A_6 = arith.constant 0 : index
    %get3A_7 = vector.load %arg1[%get3A_4, %get3A_5, %get3A_6] : memref<2x2000x16xf32, #tpu.memory_space<vmem>>, vector<1x2000x1xf32>
    %get3A_8 = vector.shape_cast %get3A_7 : vector<1x2000x1xf32> to vector<2000x1xf32>
    %add3A = arith.addf %get3A_3, %get3A_8 : vector<2000x1xf32>
    %add3A_9 = arith.constant 1.000000e+00 : f32
    %add3A_10 = vector.broadcast %add3A_9 : f32 to vector<2000x1xf32>
    %add3A_11 = arith.addf %add3A, %add3A_10 : vector<2000x1xf32>
    %rsqrt3A = math.rsqrt %add3A_11 : vector<2000x1xf32>
    %get3A_12 = arith.constant 0 : index
    %get3A_13 = arith.constant 0 : index
    %get3A_14 = arith.constant 0 : index
    %get3A_15 = vector.load %arg2[%get3A_12, %get3A_13, %get3A_14] : memref<2x2000x128xf32, #tpu.memory_space<vmem>>, vector<1x2000x128xf32>
    %get3A_16 = vector.shape_cast %get3A_15 : vector<1x2000x128xf32> to vector<2000x128xf32>
    %get3A_17 = arith.constant 1 : index
    %get3A_18 = arith.constant 0 : index
    %get3A_19 = arith.constant 0 : index
    %get3A_20 = vector.load %arg2[%get3A_17, %get3A_18, %get3A_19] : memref<2x2000x128xf32, #tpu.memory_space<vmem>>, vector<1x2000x128xf32>
    %get3A_21 = vector.shape_cast %get3A_20 : vector<1x2000x128xf32> to vector<2000x128xf32>
    %add3A_22 = arith.addf %get3A_16, %get3A_21 : vector<2000x128xf32>
    %get3A_23 = arith.constant 0 : index
    %get3A_24 = arith.constant 0 : index
    %get3A_25 = vector.load %arg3[%get3A_23, %get3A_24] : memref<2000x128xf32, #tpu.memory_space<vmem>>, vector<2000x128xf32>
    %add3A_26 = arith.addf %add3A_22, %get3A_25 : vector<2000x128xf32>
    %mul3A = vector.broadcast %rsqrt3A : vector<2000x1xf32> to vector<2000x128xf32>
    %mul3A_27 = arith.mulf %mul3A, %add3A_26 : vector<2000x128xf32>
    %get3A_28 = arith.constant 0 : index
    %get3A_29 = arith.constant 0 : index
    %get3A_30 = vector.load %arg4[%get3A_28, %get3A_29] : memref<1x128xf32, #tpu.memory_space<vmem>>, vector<1x128xf32>
    %add3A_31 = vector.broadcast %get3A_30 : vector<1x128xf32> to vector<2000x128xf32>
    %add3A_32 = arith.addf %mul3A_27, %add3A_31 : vector<2000x128xf32>
    %swap3A = arith.constant 0 : index
    %swap3A_33 = arith.constant 0 : index
    %swap3A_34 = vector.load %arg5[%swap3A, %swap3A_33] : memref<2000x128xf32, #tpu.memory_space<vmem>>, vector<2000x128xf32>
    tpu.vector_store %arg5[%swap3A, %swap3A_33], %add3A_32 {strides = array<i32>} : memref<2000x128xf32, #tpu.memory_space<vmem>>, vector<2000x128xf32>,
    return
  }
  func.func @transform_0(%arg0: i32) -> (i32, i32, i32) {
    %c0_i32 = arith.constant 0 : i32
    %c0_i32_0 = arith.constant 0 : i32
    %c0_i32_1 = arith.constant 0 : i32
    return %c0_i32, %arg0, %c0_i32_0 : i32, i32, i32
  }
  func.func @transform_1(%arg0: i32) -> (i32, i32, i32) {
    %c0_i32 = arith.constant 0 : i32
    %c0_i32_0 = arith.constant 0 : i32
    %c0_i32_1 = arith.constant 0 : i32
    return %c0_i32, %arg0, %c0_i32_0 : i32, i32, i32
  }
  func.func @transform_2(%arg0: i32) -> (i32, i32) {
    %c0_i32 = arith.constant 0 : i32
    %c0_i32_0 = arith.constant 0 : i32
    return %arg0, %c0_i32 : i32, i32
  }
  func.func @transform_3(%arg0: i32) -> (i32, i32) {
    %c0_i32 = arith.constant 0 : i32
    %c0_i32_0 = arith.constant 0 : i32
    %c0_i32_1 = arith.constant 0 : i32
    return %c0_i32, %c0_i32_0 : i32, i32
  }
  func.func @transform_4(%arg0: i32) -> (i32, i32) {
    %c0_i32 = arith.constant 0 : i32
    %c0_i32_0 = arith.constant 0 : i32
    return %arg0, %c0_i32 : i32, i32
  }
}

</mosaic_0001>

<sc_bundles>
// kernel: kernel.11.cloned.1.call-start
scs
__scs_entry_jumppad:
0x0: {  	(pc) =	sbr.rel $0x88, $3  }
0x1: {  	(tag) =	ssettag $0x0;
	lr =	simm.s32 $0x1  }
0x2: {  	[smem:$0x3F9B] =	sst lr;
	_ =	strace $0xD0000000  }
0x3: {  	_ = 	snop  }
0x4: {  	_ = 	snop  }
0x5: {  	_ = 	snop  }
0x6: {  	_ = 	snop  }
0x7: {  	_ = 	snop  }
__scs_overlays_trampoline_lowered:
0x8: {  	[smem:$0x3FAA] =	sst s0  }
0x9: {  	[smem:$0x3FAB] =	sst s1  }
0xa: {  	[smem:$0x3FAC] =	sst s2  }
0xb: {  	[smem:$0x3FAD] =	sst s3  }
0xc: {  	[smem:$0x3FAE] =	sst s4  }
0xd: {  	[smem:$0x3FAF] =	sst s5  }
0xe: {  	[smem:$0x3FB0] =	sst s6  }
0xf: {  	[smem:$0x3FB1] =	sst s7  }
0x10: {  	[smem:$0x3FB2] =	sst s8  }
0x11: {  	[smem:$0x3FB3] =	sst s9;
	s0 =	simm.s32 @!p0 $0x0  }
0x12: {  	s1 =	sld [smem:$0x3F99];
	s0 =	simm.s32 @p0 $0x1  }
0x13: {  	[smem:$0x3FB4] =	sst s0;
	s0 =	simm.s32 @!p1 $0x0  }
0x14: {  	s2 =	sld [smem:$0x3F98];
	s0 =	simm.s32 @p1 $0x1  }
0x15: {  	[smem:$0x3FB5] =	sst s0;
	s0 =	simm.s32 @!p2 $0x0  }
0x16: {  	s3 =	sld [smem:$0x3FDB];
	s0 =	simm.s32 @p2 $0x1  }
0x17: {  	s4 =	simm.s32 $0x1BF5;
	[smem:$0x3FB7] =	sst s0  }
0x18: {  	s0 =	sld [smem:$0x3F9A];
	_ =	swait.ge [sflag:s4], $0x0  }
0x19: {  	s7 =	sld [smem:$0x3F9B]  }
0x1a: {  	s8 =	sadd.s32 $0xFFFFE003, lr  }
0x1b: {  	s9 =	sadd.s32 $0xFFFFFEF7, lr;
	s5 =	simm.s32 $0xFFFFFFFF;
	p2 =	slt.u32 s8, $0xFFFFF086  }
0x1c: {  	p1 =	slt.u32 s9, $0xF7A;
	s5 =	simm.s32 @!p2 $0x0  }
0x1d: {  	s5 =	simm.s32 @p1 $0x1;
	p0 =	seq.s32 s7, s2  }
0x1e: {  	s7 =	smul.u32 @!p0 $0xF7A, s2;
	p2 =	seq.s32 @!p0 s5, $0x0  }
0x1f: {  	s9 =	smul.u32 $0xF7A, s1;
	s8 =	simm.s32 @!p0 $0x1BF5;
	p2 =	por !p2, p0  }
0x20: {  	[sflag:s8] =	ssyncset.s32 @!p0 $0xFFFFF086;
	s6 =	sadd.s32 @!p0 s3, s7;
	s7 =	simm.s32 @!p0 $0x108  }
0x21: {  	s3 =	sadd.s32 s3, s9;
	s6 =	sadd.s32 @!p0 $0x88, s6;
	s7 =	simm.s32 @p2 $0x1082  }
0x22: {  	[simem:s7], [sflag:s8] =	dma.local @!p0 [hbm:s6], $0xF7A  }
0x23: {  	s9 =	sor.u32 $0xD0000000, s2;
	s6 =	simm.s32 $0x108;
	_ =	swait.ge @!p0 [sflag:s8], $0x0  }
0x24: {  	s3 =	sadd.s32 $0x88, s3;
	s6 =	simm.s32 @!p1 $0x1082;
	[sflag:s4] =	ssyncset.s32 $0xFFFFF086  }
0x25: {  	[simem:s6], [sflag:s4] =	dma.local [hbm:s3], $0xF7A  }
0x26: {  	[smem:$0x3F9B] =	sst s1;
	(tag) =	ssettag s2;
	_ =	strace s9  }
0x27: {  	s1 =	sld [smem:$0x3FAB]  }
0x28: {  	s2 =	sld [smem:$0x3FAC]  }
0x29: {  	s4 =	sld [smem:$0x3FAE]  }
0x2a: {  	p0 =	seq.s32 s5, $0x0;
	s5 =	sld [smem:$0x3FAF]  }
0x2b: {  	s6 =	sld [smem:$0x3FB0]  }
0x2c: {  	s7 =	sld [smem:$0x3FB1]  }
0x2d: {  	s3 =	simm.s32 $0x108;
	s8 =	sld [smem:$0x3FB2]  }
0x2e: {  	s3 =	simm.s32 @!p0 $0x1082;
	s9 =	sld [smem:$0x3FB3]  }
0x2f: {  	lr =	sadd.s32 s0, s3;
	s0 =	sld [smem:$0x3FAA]  }
0x30: {  	s3 =	sld [smem:$0x3FAD]  }
0x31: {  	[smem:$0x3FB6] =	sst s10  }
0x32: {  	s10 =	sld [smem:$0x3FB4];
	_ =	sdelay $0x3  }
0x33: {  	p0 =	seq.s32 s10, $0x1;
	s10 =	sld [smem:$0x3FB6];
	_ =	sdelay $0x3  }
0x34: {  	[smem:$0x3FB6] =	sst s10  }
0x35: {  	s10 =	sld [smem:$0x3FB5];
	_ =	sdelay $0x3  }
0x36: {  	p1 =	seq.s32 s10, $0x1;
	s10 =	sld [smem:$0x3FB6];
	_ =	sdelay $0x3  }
0x37: {  	[smem:$0x3FB6] =	sst s10  }
0x38: {  	s10 =	sld [smem:$0x3FB7]  }
0x39: {  	_ = 	snop;
	(pc) =	sbr.ind lr, $3  }
0x3a: {  	_ = 	snop  }
0x3b: {  	_ = 	snop  }
0x3c: {  	p2 =	seq.s32 s10, $0x1;
	s10 =	sld [smem:$0x3FB6]  }
0x3d: {  	_ =	shalt  }
0x3e: {  	_ =	shalt  }
0x3f: {  	_ =	shalt  }
0x40: {  	_ =	shalt  }
0x41: {  	_ =	shalt  }
0x42: {  	_ =	shalt  }
0x43: {  	_ =	shalt  }
0x44: {  	_ =	shalt  }
0x45: {  	_ =	shalt  }
0x46: {  	_ =	shalt  }
0x47: {  	_ =	shalt  }
0x48: {  	_ =	shalt  }
0x49: {  	_ =	shalt  }
0x4a: {  	_ =	shalt  }
0x4b: {  	_ =	shalt  }
0x4c: {  	_ =	shalt  }
0x4d: {  	_ =	shalt  }
0x4e: {  	_ =	shalt  }
0x4f: {  	_ =	shalt  }
0x50: {  	_ =	shalt  }
0x51: {  	_ =	shalt  }
0x52: {  	_ =	shalt  }
0x53: {  	_ =	shalt  }
0x54: {  	_ =	shalt  }
0x55: {  	_ =	shalt  }
0x56: {  	_ =	shalt  }
0x57: {  	_ =	shalt  }
0x58: {  	_ =	shalt  }
0x59: {  	_ =	shalt  }
0x5a: {  	_ =	shalt  }
0x5b: {  	_ =	shalt  }
0x5c: {  	_ =	shalt  }
0x5d: {  	_ =	shalt  }
0x5e: {  	_ =	shalt  }
0x5f: {  	_ =	shalt  }
0x60: {  	_ =	shalt  }
0x61: {  	_ =	shalt  }
0x62: {  	_ =	shalt  }
0x63: {  	_ =	shalt  }
0x64: {  	_ =	shalt  }
0x65: {  	_ =	shalt  }
0x66: {  	_ =	shalt  }
0x67: {  	_ =	shalt  }
0x68: {  	_ =	shalt  }
0x69: {  	_ =	shalt  }
0x6a: {  	_ =	shalt  }
0x6b: {  	_ =	shalt  }
0x6c: {  	_ =	shalt  }
0x6d: {  	_ =	shalt  }
0x6e: {  	_ =	shalt  }
0x6f: {  	_ =	shalt  }
0x70: {  	_ =	shalt  }
0x71: {  	_ =	shalt  }
0x72: {  	_ =	shalt  }
0x73: {  	_ =	shalt  }
0x74: {  	_ =	shalt  }
0x75: {  	_ =	shalt  }
0x76: {  	_ =	shalt  }
0x77: {  	_ =	shalt  }
0x78: {  	_ =	shalt  }
0x79: {  	_ =	shalt  }
0x7a: {  	_ =	shalt  }
0x7b: {  	_ =	shalt  }
0x7c: {  	_ =	shalt  }
0x7d: {  	_ =	shalt  }
0x7e: {  	_ =	shalt  }
0x7f: {  	_ =	shalt  }
0x80: {  	_ =	shalt  }
0x81: {  	_ =	shalt  }
0x82: {  	_ =	shalt  }
0x83: {  	_ =	shalt  }
0x84: {  	_ =	shalt  }
0x85: {  	_ =	shalt  }
0x86: {  	_ =	shalt  }
0x87: {  	_ =	shalt  }
.Lfunc_end0:
.L_simem_size_0:
called_computation.1_lowered:
.L_overlay_start_0:
0x88: {  	s2 =	sld [smem:$0x3FD9]  }
0x89: {  	s3 =	sld [smem:$0x3FFE];
	_ =	sdelay $0x1  }
0x8a: {  	s1 =	srdreg.scid  }
0x8b: {  	s0 =	sand.u32 $0x1, s1  }
0x8c: {  	s17 =	sshll.u32 s0, $0xA;
	s2 =	sadd.s32 s3, s2  }
0x8d: {  	s2 =	sadd.s32 s2, s17  }
0x8e: {  	[smem:$0x3FC2] =	sst s2  }
0x8f: {  	_ = 	snop  }
0x90: {  	s2 =	sld [smem:$0x3FD0];
	(tm) =	ssettm $0x1  }
0x91: {  	s18 =	sld [smem:$0x3FFB];
	_ =	sdelay $0x3  }
0x92: {  	_ =	strace s18  }
0x93: {  	s3 =	sld [smem:$0x3FFC];
	_ =	sdelay $0x3  }
0x94: {  	_ =	strace s3  }
0x95: {  	s3 =	sld [smem:$0x3FFD];
	_ =	sdelay $0x3  }
0x96: {  	_ =	strace s3  }
0x97: {  	_ =	strace $0x8FFFFFFF  }
0x98: {  	s19 =	sld [smem:$0x3FDB];
	_ =	sdelay $0x1  }
0x99: {  	s4 =	simm.s32 $_scs_section_size  }
0x9a: {  	s5 =	simm.s32 $_size__tile_overlayer_lowered;
	s6 =	simm.s32 $_tile_overlayer_lowered  }
0x9b: {  	s22 =	simm.s32 $0x1BFF;
	s21 =	sshll.u32 s6, $0x1;
	s3 =	sadd.s32 s4, s19  }
0x9c: {  	s7 =	simm.s32 $0x0;
	s20 =	sshll.u32 s5, $0x1;
	s5 =	sadd.s32 s21, s3  }
0x9d: {  	[timem:s7], [sflag:s22] =	dma.local [hbm:s5], s20  }
0x9e: {  	_ =	swait.ge [sflag:s22], s20  }
0x9f: {  	s4 =	ssub.s32 $0x0, s20;
	[sflag:s22] =	ssyncset.done $0x0  }
0xa0: {  	[sflag:s22] =	ssyncadd.s32 s4;
	_ =	sdelay $0x1  }
0xa1: {  	s23 =	simm.s32 $0x1B8B  }
0xa2: {  	_ =	swait.ge [sflag:s23], $0x1  }
0xa3: {  	[sflag:s23] =	ssyncset.done $0x0  }
0xa4: {  	s25 =	simm.s32 $0x1B8E;
	s24 =	sld [smem:$0x3FFE];
	[sflag:s23] =	ssyncadd.s32 $0xFFFFFFFF  }
0xa5: {  	s26 =	simm.s32 $execute0_lowered;
	[smem:$0x3FD2] =	sst s25  }
0xa6: {  	s5 =	sshll.u32 s26, $0x1;
	_ =	strace $0x80000049;
	[dreg:$0x1] =	wrdreg $0xFFFFFFFF  }
0xa7: {  	s28 =	simm.s32 $_size_execute0_lowered;
	s3 =	sadd.s32 s3, s5;
	[dreg:$0x0] =	wrdreg $0x0  }
0xa8: {  	s5 =	sshll.u32 s28, $0x1;
	[dreg:$0x2] =	wrdreg s3  }
0xa9: {  	[dreg:$0x3] =	wrdreg s5  }
0xaa: {  	[dreg:$0x4] =	wrdreg $0xC0  }
0xab: {  	_ =	task [dreg:s7], $0x5FFFF  }
0xac: {  	[dreg:$0x1] =	wrdreg $0xFFFFFFFF  }
0xad: {  	[dreg:$0x0] =	wrdreg $0x60  }
0xae: {  	[dreg:$0x2] =	wrdreg s2  }
0xaf: {  	[dreg:$0x3] =	wrdreg s24  }
0xb0: {  	[dreg:$0x4] =	wrdreg $0x0  }
0xb1: {  	[dreg:$0x5] =	wrdreg $0x9  }
0xb2: {  	_ =	task.clear_ibuf [dreg:s7], $0x6FFFF;
	_ =	strace $0x90000049  }
0xb3: {  	s29 =	simm.s32 $0x9;
	_ =	strace $0x8000004B  }
0xb4: {  	_ =	swait.ge [sflag:s29], $0x1  }
0xb5: {  	[sflag:s29] =	ssyncadd.s32 $0xFFFFFFFF  }
0xb6: {  	_ =	strace $0x9000004B  }
0xb7: {  	_ =	sfence  }
0xb8: {  	s30 =	sld [smem:$0x0];
	_ =	sdelay $0x2  }
0xb9: {  	s31 =	sshll.u32 s1, $0xD;
	s1 =	sshrl.u32 s1, $0x2  }
0xba: {  	s3 =	sand.u32 $0x4000, s31;
	s1 =	sadd.s32 s1, s30  }
0xbb: {  	s0 =	sor.u32 s3, s0;
	s1 =	sshll.u32 s1, $0x11  }
0xbc: {  	s0 =	sor.u32 s1, s0  }
0xbd: {  	s0 =	sadd.s32 $0x8F2B, s0  }
0xbe: {  	[sflag:s0] =	ssyncadd.remote.s32 $0x1  }
0xbf: {  	_ =	sfence.sel $0xFFFF  }
0xc0: {  	[dreg:$0x0] =	wrdreg $0xFFFFFFFF;
	(pc) =	sbr.abs _section_cstart, $3  }
0xc1: {  	[dreg:$0x1] =	wrdreg $0xFFFFFFFF  }
0xc2: {  	_ =	task.clear_ibuf [dreg:s7], $0x2FFFF;
	_ =	strace $0x9FFFFFFF  }
0xc3: {  	(tm) =	ssettm $0x7FFFFFFF  }
tec
execute0_lowered:
.L_overlay_start_1:
0x0: {  	(tag) =	ssettag $0x1  }
0x1: {  	s1 =	rddreg [dreg:$0x0]  }
0x2: {  	s0 =	srdreg.scid;
	s6 =	rddreg [dreg:$0x1]  }
0x3: {  	s4 =	stileid.u32;
	s3 =	rddreg [dreg:$0x2]  }
0x4: {  	s5 =	simm.s32 $0x0;
	s12 =	simm.s32 $0xB;
	s13 =	simm.s32 $0x14000  }
0x5: {  	s15 =	simm.s32 $0x28;
	s16 =	simm.s32 $0x18E20;
	s18 =	simm.s32 $0x1A220  }
0x6: {  	s20 =	simm.s32 $0x1B620;
	s22 =	simm.s32 $0x1CA20;
	s24 =	simm.s32 $0x1DE20  }
0x7: {  	s28 =	simm.s32 $0x2;
	s29 =	simm.s32 $0x7;
	s30 =	simm.s32 $0x3  }
0x8: {  	s31 =	simm.s32 $0x8;
	s14 =	simm.s32 $0x5;
	s17 =	simm.s32 $0xA  }
0x9: {  	s23 =	simm.s32 $0x0;
	s0 =	sand.u32 $0x1, s0;
	s7 =	smul.u32 $0x14000, s4  }
0xa: {  	[smem:$0x7FF] =	sst s5;
	s5 =	sadd.s32 $0x15E00, s6;
	s26 =	sshll.u32 s4, $0x6  }
0xb: {  	s2 =	sshll.u32 s0, $0x4;
	s25 =	smul.u32 $0x140000, s0;
	s0 =	ssub.s32 $0x2, s0  }
0xc: {  	_ =	strace $0x8000004A;
	s2 =	sor.u32 s4, s2;
	s9 =	sshrl.u32 s0, $0x1  }
0xd: {  	s11 =	sadd.s32 s7, s3;
	s2 =	smul.u32 $0x2710, s2;
	s8 =	sadd.s32 s7, s25  }
0xe: {  	s0 =	ssub.s32 s0, s9;
	s11 =	sshrl.u32 s11, $0x3;
	s8 =	sshrl.u32 s8, $0x3  }
0xf: {  	s25 =	simm.s32 $0x1;
	s2 =	sshrl.u32 s2, $0x3;
	s10 =	sadd.s32 s8, s6  }
0x10: {  	s2 =	sadd.s32 s2, s6;
	s6 =	sor.u32 $0x1C0B, s26;
	s9 =	sadd.s32 $0x18600, s10  }
0x11: {  	s10 =	smax.u32 s0, $0x1;
	s26 =	simm.s32 $0x6;
	s0 =	simm.s32 $0x9  }
0x12: {  	s7 =	sadd.s32 $0x2400, s2;
	s8 =	sadd.s32 $0xC040, s2;
	s2 =	simm.s32 $0x4  }
.LBB2_1:
0x13: {  	[spmem:s11], [sflag:s6] =	dma.local [hbm:s5], $0x2800  }
0x14: {  	_ =	swait.ge [sflag:s12], $0x2800  }
0x15: {  	[sflag:s12] =	ssyncset.done $0x0  }
0x16: {  	s4 =	simm.s32 $0x0;
	[sflag:s12] =	ssyncadd.s32 $0xFFFFD800  }
0x17: {  	[tilespmem:s13], [sflag:$0xB] =	stream.linear.gather [hbm4b:s7+s4], $0x2710, $0x38;
	[tilespmem:$0x1F220] =	vst v63  }
0x18: {  	_ =	swait.ge [sflag:s12], $0x2710  }
0x19: {  	[sflag:s12] =	ssyncset.done $0x0  }
0x1a: {  	s19 =	simm.s32 $0x16710;
	[sflag:s12] =	ssyncadd.s32 $0xFFFFD8F0  }
0x1b: {  	[tilespmem:s19], [sflag:$0xB] =	stream.linear.gather [hbm4b:s8+s4], $0x2710, $0x38;
	[tilespmem:$0x1F220] =	vst v63  }
0x1c: {  	_ =	swait.ge [sflag:s12], $0x2710  }
0x1d: {  	[sflag:s12] =	ssyncset.done $0x0  }
0x1e: {  	[sflag:s12] =	ssyncadd.s32 $0xFFFFD8F0  }
0x1f: {  	[bflag:$0x0] =	sbarrier.arrive $0xFFFF  }
0x20: {  	[tilespmem:s16], [sflag:$0x1] =	stream.indirect.gather [hbm4b:s1+s15], $0x80, s13, s15, $0xb8;
	[tilespmem:$0x1F220] =	vst v63  }
0x21: {  	s21 =	simm.s32 $0x14028  }
0x22: {  	[tilespmem:s18], [sflag:$0x2] =	stream.indirect.gather [hbm4b:s1+s15], $0x80, s21, s15, $0xb8;
	[tilespmem:$0x1F220] =	vst v63  }
0x23: {  	s19 =	simm.s32 $0x14050  }
0x24: {  	[tilespmem:s20], [sflag:$0x3] =	stream.indirect.gather [hbm4b:s1+s15], $0x80, s19, s15, $0xb8;
	[tilespmem:$0x1F220] =	vst v63  }
0x25: {  	s21 =	simm.s32 $0x14078  }
0x26: {  	[tilespmem:s22], [sflag:$0x4] =	stream.indirect.gather [hbm4b:s1+s15], $0x80, s21, s15, $0xb8;
	[tilespmem:$0x1F220] =	vst v63  }
0x27: {  	s19 =	simm.s32 $0x140A0  }
0x28: {  	[tilespmem:s24], [sflag:$0x5] =	stream.indirect.gather [hbm4b:s1+s15], $0x80, s19, s15, $0xb8;
	[tilespmem:$0x1F220] =	vst v63  }
0x29: {  	_ =	swait.ge [sflag:s25], $0x1400  }
0x2a: {  	[sflag:s25] =	ssyncset.done $0x0  }
0x2b: {  	s21 =	simm.s32 $0x16710;
	[sflag:s25] =	ssyncadd.s32 $0xFFFFEC00  }
0x2c: {  	[spmem:s3] =	stream.indirect.scatter.add.f32 [tilespmem:s16], [sflag:$0x6], $0x80, s21, s15, $0xb8;
	[tilespmem:$0x1F220] =	vst v63  }
0x2d: {  	_ =	swait.ge [sflag:s26], $0x1400  }
0x2e: {  	[sflag:s26] =	ssyncset.done $0x0  }
0x2f: {  	s4 =	simm.s32 $0x140C8;
	[sflag:s26] =	ssyncadd.s32 $0xFFFFEC00  }
0x30: {  	[tilespmem:s16], [sflag:$0x1] =	stream.indirect.gather [hbm4b:s1+s15], $0x80, s4, s15, $0xb8;
	[tilespmem:$0x1F220] =	vst v63  }
0x31: {  	_ =	swait.ge [sflag:s28], $0x1400  }
0x32: {  	[sflag:s28] =	ssyncset.done $0x0  }
0x33: {  	s21 =	simm.s32 $0x16738;
	[sflag:s28] =	ssyncadd.s32 $0xFFFFEC00  }
0x34: {  	[spmem:s3] =	stream.indirect.scatter.add.f32 [tilespmem:s18], [sflag:$0x7], $0x80, s21, s15, $0xb8;
	[tilespmem:$0x1F220] =	vst v63  }
0x35: {  	_ =	swait.ge [sflag:s29], $0x1400  }
0x36: {  	[sflag:s29] =	ssyncset.done $0x0  }
0x37: {  	s4 =	simm.s32 $0x140F0;
	[sflag:s29] =	ssyncadd.s32 $0xFFFFEC00  }
0x38: {  	[tilespmem:s18], [sflag:$0x2] =	stream.indirect.gather [hbm4b:s1+s15], $0x80, s4, s15, $0xb8;
	[tilespmem:$0x1F220] =	vst v63  }
0x39: {  	_ =	swait.ge [sflag:s30], $0x1400  }
0x3a: {  	[sflag:s30] =	ssyncset.done $0x0  }
0x3b: {  	s21 =	simm.s32 $0x16760;
	[sflag:s30] =	ssyncadd.s32 $0xFFFFEC00  }
0x3c: {  	[spmem:s3] =	stream.indirect.scatter.add.f32 [tilespmem:s20], [sflag:$0x8], $0x80, s21, s15, $0xb8;
	[tilespmem:$0x1F220] =	vst v63  }
0x3d: {  	_ =	swait.ge [sflag:s31], $0x1400  }
0x3e: {  	[sflag:s31] =	ssyncset.done $0x0  }
0x3f: {  	s4 =	simm.s32 $0x14118;
	[sflag:s31] =	ssyncadd.s32 $0xFFFFEC00  }
0x40: {  	[tilespmem:s20], [sflag:$0x3] =	stream.indirect.gather [hbm4b:s1+s15], $0x80, s4, s15, $0xb8;
	[tilespmem:$0x1F220] =	vst v63  }
0x41: {  	_ =	swait.ge [sflag:s2], $0x1400  }
0x42: {  	[sflag:s2] =	ssyncset.done $0x0  }
0x43: {  	s21 =	simm.s32 $0x16788;
	[sflag:s2] =	ssyncadd.s32 $0xFFFFEC00  }
0x44: {  	[spmem:s3] =	stream.indirect.scatter.add.f32 [tilespmem:s22], [sflag:$0x9], $0x80, s21, s15, $0xb8;
	[tilespmem:$0x1F220] =	vst v63  }
0x45: {  	_ =	swait.ge [sflag:s0], $0x1400  }
0x46: {  	[sflag:s0] =	ssyncset.done $0x0  }
0x47: {  	s4 =	simm.s32 $0x14140;
	[sflag:s0] =	ssyncadd.s32 $0xFFFFEC00  }
0x48: {  	[tilespmem:s22], [sflag:$0x4] =	stream.indirect.gather [hbm4b:s1+s15], $0x80, s4, s15, $0xb8;
	[tilespmem:$0x1F220] =	vst v63  }
0x49: {  	_ =	swait.ge [sflag:s14], $0x1400  }
0x4a: {  	[sflag:s14] =	ssyncset.done $0x0  }
0x4b: {  	s21 =	simm.s32 $0x167B0;
	[sflag:s14] =	ssyncadd.s32 $0xFFFFEC00  }
0x4c: {  	[spmem:s3] =	stream.indirect.scatter.add.f32 [tilespmem:s24], [sflag:$0xA], $0x80, s21, s15, $0xb8;
	[tilespmem:$0x1F220] =	vst v63  }
0x4d: {  	_ =	swait.ge [sflag:s17], $0x1400  }
0x4e: {  	[sflag:s17] =	ssyncset.done $0x0  }
0x4f: {  	s19 =	simm.s32 $0x320;
	s21 =	simm.s32 $0x14168;
	[sflag:s17] =	ssyncadd.s32 $0xFFFFEC00  }
.LBB2_2:
0x50: {  	[tilespmem:s24], [sflag:$0x5] =	stream.indirect.gather [hbm4b:s1+s15], $0x80, s21, s15, $0xb8;
	[tilespmem:$0x1F220] =	vst v63  }
0x51: {  	s21 =	smov.u32 s19  }
0x52: {  	p0 =	sne.s32 s19, $0x9600;
	s19 =	sadd.s32 $0x320, s19;
	_ =	swait.ge [sflag:s25], $0x1400  }
0x53: {  	s21 =	sshra.s32 s21, $0x2;
	[sflag:s25] =	ssyncset.done $0x0  }
0x54: {  	s4 =	sadd.s32 $0x16710, s21;
	[sflag:s25] =	ssyncadd.s32 $0xFFFFEC00  }
0x55: {  	[spmem:s3] =	stream.indirect.scatter.add.f32 [tilespmem:s16], [sflag:$0x6], $0x80, s4, s15, $0xb8;
	[tilespmem:$0x1F220] =	vst v63  }
0x56: {  	_ =	swait.ge [sflag:s26], $0x1400  }
0x57: {  	[sflag:s26] =	ssyncset.done $0x0  }
0x58: {  	s4 =	sadd.s32 $0x140C8, s21;
	[sflag:s26] =	ssyncadd.s32 $0xFFFFEC00  }
0x59: {  	[tilespmem:s16], [sflag:$0x1] =	stream.indirect.gather [hbm4b:s1+s15], $0x80, s4, s15, $0xb8;
	[tilespmem:$0x1F220] =	vst v63  }
0x5a: {  	_ =	swait.ge [sflag:s28], $0x1400  }
0x5b: {  	[sflag:s28] =	ssyncset.done $0x0  }
0x5c: {  	s4 =	sadd.s32 $0x16738, s21;
	[sflag:s28] =	ssyncadd.s32 $0xFFFFEC00  }
0x5d: {  	[spmem:s3] =	stream.indirect.scatter.add.f32 [tilespmem:s18], [sflag:$0x7], $0x80, s4, s15, $0xb8;
	[tilespmem:$0x1F220] =	vst v63  }
0x5e: {  	_ =	swait.ge [sflag:s29], $0x1400  }
0x5f: {  	[sflag:s29] =	ssyncset.done $0x0  }
0x60: {  	s4 =	sadd.s32 $0x140F0, s21;
	[sflag:s29] =	ssyncadd.s32 $0xFFFFEC00  }
0x61: {  	[tilespmem:s18], [sflag:$0x2] =	stream.indirect.gather [hbm4b:s1+s15], $0x80, s4, s15, $0xb8;
	[tilespmem:$0x1F220] =	vst v63  }
0x62: {  	_ =	swait.ge [sflag:s30], $0x1400  }
0x63: {  	[sflag:s30] =	ssyncset.done $0x0  }
0x64: {  	s4 =	sadd.s32 $0x16760, s21;
	[sflag:s30] =	ssyncadd.s32 $0xFFFFEC00  }
0x65: {  	[spmem:s3] =	stream.indirect.scatter.add.f32 [tilespmem:s20], [sflag:$0x8], $0x80, s4, s15, $0xb8;
	[tilespmem:$0x1F220] =	vst v63  }
0x66: {  	_ =	swait.ge [sflag:s31], $0x1400  }
0x67: {  	[sflag:s31] =	ssyncset.done $0x0  }
0x68: {  	s4 =	sadd.s32 $0x14118, s21;
	[sflag:s31] =	ssyncadd.s32 $0xFFFFEC00  }
0x69: {  	[tilespmem:s20], [sflag:$0x3] =	stream.indirect.gather [hbm4b:s1+s15], $0x80, s4, s15, $0xb8;
	[tilespmem:$0x1F220] =	vst v63  }
0x6a: {  	_ =	swait.ge [sflag:s2], $0x1400  }
0x6b: {  	[sflag:s2] =	ssyncset.done $0x0  }
0x6c: {  	s4 =	sadd.s32 $0x16788, s21;
	[sflag:s2] =	ssyncadd.s32 $0xFFFFEC00  }
0x6d: {  	[spmem:s3] =	stream.indirect.scatter.add.f32 [tilespmem:s22], [sflag:$0x9], $0x80, s4, s15, $0xb8;
	[tilespmem:$0x1F220] =	vst v63  }
0x6e: {  	_ =	swait.ge [sflag:s0], $0x1400  }
0x6f: {  	[sflag:s0] =	ssyncset.done $0x0  }
0x70: {  	s4 =	sadd.s32 $0x14140, s21;
	[sflag:s0] =	ssyncadd.s32 $0xFFFFEC00  }
0x71: {  	[tilespmem:s22], [sflag:$0x4] =	stream.indirect.gather [hbm4b:s1+s15], $0x80, s4, s15, $0xb8;
	[tilespmem:$0x1F220] =	vst v63  }
0x72: {  	_ =	swait.ge [sflag:s14], $0x1400  }
0x73: {  	[sflag:s14] =	ssyncset.done $0x0  }
.Ltmp0:
0x74: {  	s4 =	sadd.s32 $0x167B0, s21;
	[sflag:s14] =	ssyncadd.s32 $0xFFFFEC00;
	(pc) =	sbr.rel @p0 .LBB2_2-.Ltmp0, $4  }
0x75: {  	[spmem:s3] =	stream.indirect.scatter.add.f32 [tilespmem:s24], [sflag:$0xA], $0x80, s4, s15, $0xb8;
	[tilespmem:$0x1F220] =	vst v63  }
0x76: {  	_ =	swait.ge [sflag:s17], $0x1400  }
0x77: {  	[sflag:s17] =	ssyncset.done $0x0  }
0x78: {  	s21 =	sadd.s32 $0x14168, s21;
	[sflag:s17] =	ssyncadd.s32 $0xFFFFEC00  }
0x79: {  	[tilespmem:s24], [sflag:$0x5] =	stream.indirect.gather [hbm4b:s1+s15], $0x80, s21, s15, $0xb8;
	[tilespmem:$0x1F220] =	vst v63  }
0x7a: {  	_ =	swait.ge [sflag:s25], $0x1400  }
0x7b: {  	[sflag:s25] =	ssyncset.done $0x0  }
0x7c: {  	s4 =	simm.s32 $0x18D58;
	[sflag:s25] =	ssyncadd.s32 $0xFFFFEC00  }
0x7d: {  	[spmem:s3] =	stream.indirect.scatter.add.f32 [tilespmem:s16], [sflag:$0x6], $0x80, s4, s15, $0xb8;
	[tilespmem:$0x1F220] =	vst v63  }
0x7e: {  	_ =	swait.ge [sflag:s28], $0x1400  }
0x7f: {  	[sflag:s28] =	ssyncset.done $0x0  }
0x80: {  	s19 =	simm.s32 $0x18D80;
	[sflag:s28] =	ssyncadd.s32 $0xFFFFEC00  }
0x81: {  	[spmem:s3] =	stream.indirect.scatter.add.f32 [tilespmem:s18], [sflag:$0x7], $0x80, s19, s15, $0xb8;
	[tilespmem:$0x1F220] =	vst v63  }
0x82: {  	_ =	swait.ge [sflag:s30], $0x1400  }
0x83: {  	[sflag:s30] =	ssyncset.done $0x0  }
0x84: {  	s21 =	simm.s32 $0x18DA8;
	[sflag:s30] =	ssyncadd.s32 $0xFFFFEC00  }
0x85: {  	[spmem:s3] =	stream.indirect.scatter.add.f32 [tilespmem:s20], [sflag:$0x8], $0x80, s21, s15, $0xb8;
	[tilespmem:$0x1F220] =	vst v63  }
0x86: {  	_ =	swait.ge [sflag:s2], $0x1400  }
0x87: {  	[sflag:s2] =	ssyncset.done $0x0  }
0x88: {  	s19 =	simm.s32 $0x18DD0;
	[sflag:s2] =	ssyncadd.s32 $0xFFFFEC00  }
0x89: {  	[spmem:s3] =	stream.indirect.scatter.add.f32 [tilespmem:s22], [sflag:$0x9], $0x80, s19, s15, $0xb8;
	[tilespmem:$0x1F220] =	vst v63  }
0x8a: {  	_ =	swait.ge [sflag:s14], $0x1400  }
0x8b: {  	[sflag:s14] =	ssyncset.done $0x0  }
0x8c: {  	s21 =	simm.s32 $0x18DF8;
	[sflag:s14] =	ssyncadd.s32 $0xFFFFEC00  }
0x8d: {  	[spmem:s3] =	stream.indirect.scatter.add.f32 [tilespmem:s24], [sflag:$0xA], $0x80, s21, s15, $0xb8;
	[tilespmem:$0x1F220] =	vst v63  }
0x8e: {  	_ =	swait.ge [sflag:s26], $0x1400  }
0x8f: {  	[sflag:s26] =	ssyncset.done $0x0  }
0x90: {  	[sflag:s26] =	ssyncadd.s32 $0xFFFFEC00  }
0x91: {  	_ =	swait.ge [sflag:s29], $0x1400  }
0x92: {  	[sflag:s29] =	ssyncset.done $0x0  }
0x93: {  	[sflag:s29] =	ssyncadd.s32 $0xFFFFEC00  }
0x94: {  	_ =	swait.ge [sflag:s31], $0x1400  }
0x95: {  	[sflag:s31] =	ssyncset.done $0x0  }
0x96: {  	[sflag:s31] =	ssyncadd.s32 $0xFFFFEC00  }
0x97: {  	_ =	swait.ge [sflag:s0], $0x1400  }
0x98: {  	[sflag:s0] =	ssyncset.done $0x0  }
0x99: {  	[sflag:s0] =	ssyncadd.s32 $0xFFFFEC00  }
0x9a: {  	_ =	swait.ge [sflag:s17], $0x1400  }
0x9b: {  	s23 =	sadd.s32 $0x1, s23;
	[sflag:s17] =	ssyncset.done $0x0  }
0x9c: {  	p0 =	sne.s32 s23, s10;
	[sflag:s17] =	ssyncadd.s32 $0xFFFFEC00  }
.Ltmp1:
0x9d: {  	[bflag:$0x0] =	sbarrier.arrive $0xFFFF;
	(pc) =	sbr.rel @p0 .LBB2_1-.Ltmp1, $4  }
0x9e: {  	[hbm:s9], [sflag:s6] =	dma.local [spmem:s11], $0x2800  }
0x9f: {  	_ =	swait.ge [sflag:s12], $0x2800  }
0xa0: {  	[sflag:s12] =	ssyncset.done $0x0  }
0xa1: {  	[sflag:s12] =	ssyncadd.s32 $0xFFFFD800  }
0xa2: {  	_ =	sfence.sel $0x180000  }
0xa3: {  	[bflag:$0x0] =	sbarrier.arrive $0xFFFF  }
0xa4: {  	_ =	strace $0x9000004A  }
0xa5: {  	s0 =	stileid.u32;
	[bflag:$0x2] =	sbarrier.arrive $0xFFFF  }
0xa6: {  	p0 =	sne.s32 s0, $0x0;
	s0 =	rddreg [dreg:$0x3]  }
0xa7: {  	s0 =	sadd.s32 @!p0 $0x100000, s0  }
0xa8: {  	[sflag:s0] =	ssyncadd.tile.s32 @!p0 $0x1;
	_ =	shalt  }
.Lfunc_end2:
_tile_overlayer_lowered:
.L_overlay_start_2:
0xa9: {  	(tag) =	ssettag $0x2  }
0xaa: {  	s0 =	rddreg [dreg:$0x0];
	s2 =	stileid.u32  }
0xab: {  	s1 =	rddreg [dreg:$0x1];
	p0 =	sne.s32 s2, $0x0  }
0xac: {  	s3 =	rddreg [dreg:$0x2];
	[bflag:$0x3] =	sbarrier.arrive $0xFFFF;
	s2 =	simm.s32 @!p0 $0x1C0B  }
0xad: {  	[timem:s3], [sflag:s2] =	dma.local @!p0 [hbm:s0], s1  }
0xae: {  	s0 =	simm.s32 @!p0 $0xB  }
0xaf: {  	_ =	swait.ge @!p0 [sflag:s0], s1  }
0xb0: {  	s1 =	ssub.s32 @!p0 $0x0, s1;
	[sflag:s0] =	ssyncset.done @!p0 $0x0  }
0xb1: {  	[sflag:s0] =	ssyncadd.s32 @!p0 s1  }
0xb2: {  	[bflag:$0x3] =	sbarrier.arrive $0xFFFF  }
0xb3: {  	_ =	shalt  }

// kernel: kernel.14.cloned.1.call-start
scs
__scs_entry_jumppad:
0x0: {  	(pc) =	sbr.rel $0x88, $3  }
0x1: {  	(tag) =	ssettag $0x0;
	lr =	simm.s32 $0x1  }
0x2: {  	[smem:$0x3F9B] =	sst lr;
	_ =	strace $0xD0000000  }
0x3: {  	_ = 	snop  }
0x4: {  	_ = 	snop  }
0x5: {  	_ = 	snop  }
0x6: {  	_ = 	snop  }
0x7: {  	_ = 	snop  }
__scs_overlays_trampoline_lowered:
0x8: {  	[smem:$0x3FAA] =	sst s0  }
0x9: {  	[smem:$0x3FAB] =	sst s1  }
0xa: {  	[smem:$0x3FAC] =	sst s2  }
0xb: {  	[smem:$0x3FAD] =	sst s3  }
0xc: {  	[smem:$0x3FAE] =	sst s4  }
0xd: {  	[smem:$0x3FAF] =	sst s5  }
0xe: {  	[smem:$0x3FB0] =	sst s6  }
0xf: {  	[smem:$0x3FB1] =	sst s7  }
0x10: {  	[smem:$0x3FB2] =	sst s8  }
0x11: {  	[smem:$0x3FB3] =	sst s9;
	s0 =	simm.s32 @!p0 $0x0  }
0x12: {  	s1 =	sld [smem:$0x3F99];
	s0 =	simm.s32 @p0 $0x1  }
0x13: {  	[smem:$0x3FB4] =	sst s0;
	s0 =	simm.s32 @!p1 $0x0  }
0x14: {  	s2 =	sld [smem:$0x3F98];
	s0 =	simm.s32 @p1 $0x1  }
0x15: {  	[smem:$0x3FB5] =	sst s0;
	s0 =	simm.s32 @!p2 $0x0  }
0x16: {  	s3 =	sld [smem:$0x3FDB];
	s0 =	simm.s32 @p2 $0x1  }
0x17: {  	s4 =	simm.s32 $0x1BF5;
	[smem:$0x3FB7] =	sst s0  }
0x18: {  	s0 =	sld [smem:$0x3F9A];
	_ =	swait.ge [sflag:s4], $0x0  }
0x19: {  	s7 =	sld [smem:$0x3F9B]  }
0x1a: {  	s8 =	sadd.s32 $0xFFFFE003, lr  }
0x1b: {  	s9 =	sadd.s32 $0xFFFFFEF7, lr;
	s5 =	simm.s32 $0xFFFFFFFF;
	p2 =	slt.u32 s8, $0xFFFFF086  }
0x1c: {  	p1 =	slt.u32 s9, $0xF7A;
	s5 =	simm.s32 @!p2 $0x0  }
0x1d: {  	s5 =	simm.s32 @p1 $0x1;
	p0 =	seq.s32 s7, s2  }
0x1e: {  	s7 =	smul.u32 @!p0 $0xF7A, s2;
	p2 =	seq.s32 @!p0 s5, $0x0  }
0x1f: {  	s9 =	smul.u32 $0xF7A, s1;
	s8 =	simm.s32 @!p0 $0x1BF5;
	p2 =	por !p2, p0  }
0x20: {  	[sflag:s8] =	ssyncset.s32 @!p0 $0xFFFFF086;
	s6 =	sadd.s32 @!p0 s3, s7;
	s7 =	simm.s32 @!p0 $0x108  }
0x21: {  	s3 =	sadd.s32 s3, s9;
	s6 =	sadd.s32 @!p0 $0x88, s6;
	s7 =	simm.s32 @p2 $0x1082  }
0x22: {  	[simem:s7], [sflag:s8] =	dma.local @!p0 [hbm:s6], $0xF7A  }
0x23: {  	s9 =	sor.u32 $0xD0000000, s2;
	s6 =	simm.s32 $0x108;
	_ =	swait.ge @!p0 [sflag:s8], $0x0  }
0x24: {  	s3 =	sadd.s32 $0x88, s3;
	s6 =	simm.s32 @!p1 $0x1082;
	[sflag:s4] =	ssyncset.s32 $0xFFFFF086  }
0x25: {  	[simem:s6], [sflag:s4] =	dma.local [hbm:s3], $0xF7A  }
0x26: {  	[smem:$0x3F9B] =	sst s1;
	(tag) =	ssettag s2;
	_ =	strace s9  }
0x27: {  	s1 =	sld [smem:$0x3FAB]  }
0x28: {  	s2 =	sld [smem:$0x3FAC]  }
0x29: {  	s4 =	sld [smem:$0x3FAE]  }
0x2a: {  	p0 =	seq.s32 s5, $0x0;
	s5 =	sld [smem:$0x3FAF]  }
0x2b: {  	s6 =	sld [smem:$0x3FB0]  }
0x2c: {  	s7 =	sld [smem:$0x3FB1]  }
0x2d: {  	s3 =	simm.s32 $0x108;
	s8 =	sld [smem:$0x3FB2]  }
0x2e: {  	s3 =	simm.s32 @!p0 $0x1082;
	s9 =	sld [smem:$0x3FB3]  }
0x2f: {  	lr =	sadd.s32 s0, s3;
	s0 =	sld [smem:$0x3FAA]  }
0x30: {  	s3 =	sld [smem:$0x3FAD]  }
0x31: {  	[smem:$0x3FB6] =	sst s10  }
0x32: {  	s10 =	sld [smem:$0x3FB4];
	_ =	sdelay $0x3  }
0x33: {  	p0 =	seq.s32 s10, $0x1;
	s10 =	sld [smem:$0x3FB6];
	_ =	sdelay $0x3  }
0x34: {  	[smem:$0x3FB6] =	sst s10  }
0x35: {  	s10 =	sld [smem:$0x3FB5];
	_ =	sdelay $0x3  }
0x36: {  	p1 =	seq.s32 s10, $0x1;
	s10 =	sld [smem:$0x3FB6];
	_ =	sdelay $0x3  }
0x37: {  	[smem:$0x3FB6] =	sst s10  }
0x38: {  	s10 =	sld [smem:$0x3FB7]  }
0x39: {  	_ = 	snop;
	(pc) =	sbr.ind lr, $3  }
0x3a: {  	_ = 	snop  }
0x3b: {  	_ = 	snop  }
0x3c: {  	p2 =	seq.s32 s10, $0x1;
	s10 =	sld [smem:$0x3FB6]  }
0x3d: {  	_ =	shalt  }
0x3e: {  	_ =	shalt  }
0x3f: {  	_ =	shalt  }
0x40: {  	_ =	shalt  }
0x41: {  	_ =	shalt  }
0x42: {  	_ =	shalt  }
0x43: {  	_ =	shalt  }
0x44: {  	_ =	shalt  }
0x45: {  	_ =	shalt  }
0x46: {  	_ =	shalt  }
0x47: {  	_ =	shalt  }
0x48: {  	_ =	shalt  }
0x49: {  	_ =	shalt  }
0x4a: {  	_ =	shalt  }
0x4b: {  	_ =	shalt  }
0x4c: {  	_ =	shalt  }
0x4d: {  	_ =	shalt  }
0x4e: {  	_ =	shalt  }
0x4f: {  	_ =	shalt  }
0x50: {  	_ =	shalt  }
0x51: {  	_ =	shalt  }
0x52: {  	_ =	shalt  }
0x53: {  	_ =	shalt  }
0x54: {  	_ =	shalt  }
0x55: {  	_ =	shalt  }
0x56: {  	_ =	shalt  }
0x57: {  	_ =	shalt  }
0x58: {  	_ =	shalt  }
0x59: {  	_ =	shalt  }
0x5a: {  	_ =	shalt  }
0x5b: {  	_ =	shalt  }
0x5c: {  	_ =	shalt  }
0x5d: {  	_ =	shalt  }
0x5e: {  	_ =	shalt  }
0x5f: {  	_ =	shalt  }
0x60: {  	_ =	shalt  }
0x61: {  	_ =	shalt  }
0x62: {  	_ =	shalt  }
0x63: {  	_ =	shalt  }
0x64: {  	_ =	shalt  }
0x65: {  	_ =	shalt  }
0x66: {  	_ =	shalt  }
0x67: {  	_ =	shalt  }
0x68: {  	_ =	shalt  }
0x69: {  	_ =	shalt  }
0x6a: {  	_ =	shalt  }
0x6b: {  	_ =	shalt  }
0x6c: {  	_ =	shalt  }
0x6d: {  	_ =	shalt  }
0x6e: {  	_ =	shalt  }
0x6f: {  	_ =	shalt  }
0x70: {  	_ =	shalt  }
0x71: {  	_ =	shalt  }
0x72: {  	_ =	shalt  }
0x73: {  	_ =	shalt  }
0x74: {  	_ =	shalt  }
0x75: {  	_ =	shalt  }
0x76: {  	_ =	shalt  }
0x77: {  	_ =	shalt  }
0x78: {  	_ =	shalt  }
0x79: {  	_ =	shalt  }
0x7a: {  	_ =	shalt  }
0x7b: {  	_ =	shalt  }
0x7c: {  	_ =	shalt  }
0x7d: {  	_ =	shalt  }
0x7e: {  	_ =	shalt  }
0x7f: {  	_ =	shalt  }
0x80: {  	_ =	shalt  }
0x81: {  	_ =	shalt  }
0x82: {  	_ =	shalt  }
0x83: {  	_ =	shalt  }
0x84: {  	_ =	shalt  }
0x85: {  	_ =	shalt  }
0x86: {  	_ =	shalt  }
0x87: {  	_ =	shalt  }
.Lfunc_end0:
.L_simem_size_0:
called_computation.2_lowered:
.L_overlay_start_0:
0x88: {  	s2 =	sld [smem:$0x3FD9]  }
0x89: {  	s3 =	sld [smem:$0x3FFE];
	_ =	sdelay $0x1  }
0x8a: {  	s1 =	srdreg.scid  }
0x8b: {  	s0 =	sand.u32 $0x1, s1  }
0x8c: {  	s17 =	sshll.u32 s0, $0xA;
	s2 =	sadd.s32 s3, s2  }
0x8d: {  	s2 =	sadd.s32 s2, s17  }
0x8e: {  	[smem:$0x3FC2] =	sst s2  }
0x8f: {  	_ = 	snop  }
0x90: {  	s2 =	sld [smem:$0x3FD0];
	(tm) =	ssettm $0x1  }
0x91: {  	s18 =	sld [smem:$0x3FFB];
	_ =	sdelay $0x3  }
0x92: {  	_ =	strace s18  }
0x93: {  	s3 =	sld [smem:$0x3FFC];
	_ =	sdelay $0x3  }
0x94: {  	_ =	strace s3  }
0x95: {  	s3 =	sld [smem:$0x3FFD];
	_ =	sdelay $0x3  }
0x96: {  	_ =	strace s3  }
0x97: {  	_ =	strace $0x8FFFFFFF  }
0x98: {  	s19 =	sld [smem:$0x3FDB];
	_ =	sdelay $0x1  }
0x99: {  	s4 =	simm.s32 $_scs_section_size  }
0x9a: {  	s5 =	simm.s32 $_size__tile_overlayer_lowered;
	s6 =	simm.s32 $_tile_overlayer_lowered  }
0x9b: {  	s22 =	simm.s32 $0x1BFF;
	s21 =	sshll.u32 s6, $0x1;
	s3 =	sadd.s32 s4, s19  }
0x9c: {  	s7 =	simm.s32 $0x0;
	s20 =	sshll.u32 s5, $0x1;
	s5 =	sadd.s32 s21, s3  }
0x9d: {  	[timem:s7], [sflag:s22] =	dma.local [hbm:s5], s20  }
0x9e: {  	_ =	swait.ge [sflag:s22], s20  }
0x9f: {  	s4 =	ssub.s32 $0x0, s20;
	[sflag:s22] =	ssyncset.done $0x0  }
0xa0: {  	[sflag:s22] =	ssyncadd.s32 s4;
	_ =	sdelay $0x1  }
0xa1: {  	s23 =	simm.s32 $0x1B8B  }
0xa2: {  	_ =	swait.ge [sflag:s23], $0x1  }
0xa3: {  	[sflag:s23] =	ssyncset.done $0x0  }
0xa4: {  	s25 =	simm.s32 $0x1B8E;
	s24 =	sld [smem:$0x3FFE];
	[sflag:s23] =	ssyncadd.s32 $0xFFFFFFFF  }
0xa5: {  	s26 =	simm.s32 $execute0_lowered;
	[smem:$0x3FD2] =	sst s25  }
0xa6: {  	s5 =	sshll.u32 s26, $0x1;
	_ =	strace $0x8000004C;
	[dreg:$0x1] =	wrdreg $0xFFFFFFFF  }
0xa7: {  	s28 =	simm.s32 $_size_execute0_lowered;
	s3 =	sadd.s32 s3, s5;
	[dreg:$0x0] =	wrdreg $0x0  }
0xa8: {  	s5 =	sshll.u32 s28, $0x1;
	[dreg:$0x2] =	wrdreg s3  }
0xa9: {  	[dreg:$0x3] =	wrdreg s5  }
0xaa: {  	[dreg:$0x4] =	wrdreg $0xC0  }
0xab: {  	_ =	task [dreg:s7], $0x5FFFF  }
0xac: {  	[dreg:$0x1] =	wrdreg $0xFFFFFFFF  }
0xad: {  	[dreg:$0x0] =	wrdreg $0x60  }
0xae: {  	[dreg:$0x2] =	wrdreg s2  }
0xaf: {  	[dreg:$0x3] =	wrdreg s24  }
0xb0: {  	[dreg:$0x4] =	wrdreg $0x0  }
0xb1: {  	[dreg:$0x5] =	wrdreg $0x9  }
0xb2: {  	_ =	task.clear_ibuf [dreg:s7], $0x6FFFF;
	_ =	strace $0x9000004C  }
0xb3: {  	s29 =	simm.s32 $0x9;
	_ =	strace $0x8000004E  }
0xb4: {  	_ =	swait.ge [sflag:s29], $0x1  }
0xb5: {  	[sflag:s29] =	ssyncadd.s32 $0xFFFFFFFF  }
0xb6: {  	_ =	strace $0x9000004E  }
0xb7: {  	_ =	sfence  }
0xb8: {  	s30 =	sld [smem:$0x0];
	_ =	sdelay $0x2  }
0xb9: {  	s31 =	sshll.u32 s1, $0xD;
	s1 =	sshrl.u32 s1, $0x2  }
0xba: {  	s3 =	sand.u32 $0x4000, s31;
	s1 =	sadd.s32 s1, s30  }
0xbb: {  	s0 =	sor.u32 s3, s0;
	s1 =	sshll.u32 s1, $0x11  }
0xbc: {  	s0 =	sor.u32 s1, s0  }
0xbd: {  	s0 =	sadd.s32 $0x8F2B, s0  }
0xbe: {  	[sflag:s0] =	ssyncadd.remote.s32 $0x1  }
0xbf: {  	_ =	sfence.sel $0xFFFF  }
0xc0: {  	[dreg:$0x0] =	wrdreg $0xFFFFFFFF;
	(pc) =	sbr.abs _section_cstart, $3  }
0xc1: {  	[dreg:$0x1] =	wrdreg $0xFFFFFFFF  }
0xc2: {  	_ =	task.clear_ibuf [dreg:s7], $0x2FFFF;
	_ =	strace $0x9FFFFFFF  }
0xc3: {  	(tm) =	ssettm $0x7FFFFFFF  }
tec
execute0_lowered:
.L_overlay_start_1:
0x0: {  	(tag) =	ssettag $0x1  }
0x1: {  	s1 =	rddreg [dreg:$0x0]  }
0x2: {  	s0 =	srdreg.scid;
	s6 =	rddreg [dreg:$0x1]  }
0x3: {  	s4 =	stileid.u32;
	s3 =	rddreg [dreg:$0x2]  }
0x4: {  	s5 =	simm.s32 $0x0;
	s12 =	simm.s32 $0xB;
	s13 =	simm.s32 $0x14000  }
0x5: {  	s15 =	simm.s32 $0x28;
	s16 =	simm.s32 $0x18E20;
	s18 =	simm.s32 $0x1A220  }
0x6: {  	s20 =	simm.s32 $0x1B620;
	s22 =	simm.s32 $0x1CA20;
	s24 =	simm.s32 $0x1DE20  }
0x7: {  	s28 =	simm.s32 $0x2;
	s29 =	simm.s32 $0x7;
	s30 =	simm.s32 $0x3  }
0x8: {  	s31 =	simm.s32 $0x8;
	s14 =	simm.s32 $0x5;
	s17 =	simm.s32 $0xA  }
0x9: {  	s23 =	simm.s32 $0x0;
	s0 =	sand.u32 $0x1, s0;
	s7 =	smul.u32 $0x14000, s4  }
0xa: {  	[smem:$0x7FF] =	sst s5;
	s5 =	sadd.s32 $0x15E00, s6;
	s26 =	sshll.u32 s4, $0x6  }
0xb: {  	s2 =	sshll.u32 s0, $0x4;
	s25 =	smul.u32 $0x140000, s0;
	s0 =	ssub.s32 $0x2, s0  }
0xc: {  	_ =	strace $0x8000004D;
	s2 =	sor.u32 s4, s2;
	s9 =	sshrl.u32 s0, $0x1  }
0xd: {  	s11 =	sadd.s32 s7, s3;
	s2 =	smul.u32 $0x2710, s2;
	s8 =	sadd.s32 s7, s25  }
0xe: {  	s0 =	ssub.s32 s0, s9;
	s11 =	sshrl.u32 s11, $0x3;
	s8 =	sshrl.u32 s8, $0x3  }
0xf: {  	s25 =	simm.s32 $0x1;
	s2 =	sshrl.u32 s2, $0x3;
	s10 =	sadd.s32 s8, s6  }
0x10: {  	s2 =	sadd.s32 s2, s6;
	s6 =	sor.u32 $0x1C0B, s26;
	s9 =	sadd.s32 $0x18600, s10  }
0x11: {  	s10 =	smax.u32 s0, $0x1;
	s26 =	simm.s32 $0x6;
	s0 =	simm.s32 $0x9  }
0x12: {  	s7 =	sadd.s32 $0x2400, s2;
	s8 =	sadd.s32 $0xC040, s2;
	s2 =	simm.s32 $0x4  }
.LBB2_1:
0x13: {  	[spmem:s11], [sflag:s6] =	dma.local [hbm:s5], $0x2800  }
0x14: {  	_ =	swait.ge [sflag:s12], $0x2800  }
0x15: {  	[sflag:s12] =	ssyncset.done $0x0  }
0x16: {  	s4 =	simm.s32 $0x0;
	[sflag:s12] =	ssyncadd.s32 $0xFFFFD800  }
0x17: {  	[tilespmem:s13], [sflag:$0xB] =	stream.linear.gather [hbm4b:s7+s4], $0x2710, $0x38;
	[tilespmem:$0x1F220] =	vst v63  }
0x18: {  	_ =	swait.ge [sflag:s12], $0x2710  }
0x19: {  	[sflag:s12] =	ssyncset.done $0x0  }
0x1a: {  	s19 =	simm.s32 $0x16710;
	[sflag:s12] =	ssyncadd.s32 $0xFFFFD8F0  }
0x1b: {  	[tilespmem:s19], [sflag:$0xB] =	stream.linear.gather [hbm4b:s8+s4], $0x2710, $0x38;
	[tilespmem:$0x1F220] =	vst v63  }
0x1c: {  	_ =	swait.ge [sflag:s12], $0x2710  }
0x1d: {  	[sflag:s12] =	ssyncset.done $0x0  }
0x1e: {  	[sflag:s12] =	ssyncadd.s32 $0xFFFFD8F0  }
0x1f: {  	[bflag:$0x0] =	sbarrier.arrive $0xFFFF  }
0x20: {  	[tilespmem:s16], [sflag:$0x1] =	stream.indirect.gather [hbm4b:s1+s15], $0x80, s13, s15, $0xb8;
	[tilespmem:$0x1F220] =	vst v63  }
0x21: {  	s21 =	simm.s32 $0x14028  }
0x22: {  	[tilespmem:s18], [sflag:$0x2] =	stream.indirect.gather [hbm4b:s1+s15], $0x80, s21, s15, $0xb8;
	[tilespmem:$0x1F220] =	vst v63  }
0x23: {  	s19 =	simm.s32 $0x14050  }
0x24: {  	[tilespmem:s20], [sflag:$0x3] =	stream.indirect.gather [hbm4b:s1+s15], $0x80, s19, s15, $0xb8;
	[tilespmem:$0x1F220] =	vst v63  }
0x25: {  	s21 =	simm.s32 $0x14078  }
0x26: {  	[tilespmem:s22], [sflag:$0x4] =	stream.indirect.gather [hbm4b:s1+s15], $0x80, s21, s15, $0xb8;
	[tilespmem:$0x1F220] =	vst v63  }
0x27: {  	s19 =	simm.s32 $0x140A0  }
0x28: {  	[tilespmem:s24], [sflag:$0x5] =	stream.indirect.gather [hbm4b:s1+s15], $0x80, s19, s15, $0xb8;
	[tilespmem:$0x1F220] =	vst v63  }
0x29: {  	_ =	swait.ge [sflag:s25], $0x1400  }
0x2a: {  	[sflag:s25] =	ssyncset.done $0x0  }
0x2b: {  	s21 =	simm.s32 $0x16710;
	[sflag:s25] =	ssyncadd.s32 $0xFFFFEC00  }
0x2c: {  	[spmem:s3] =	stream.indirect.scatter.add.f32 [tilespmem:s16], [sflag:$0x6], $0x80, s21, s15, $0xb8;
	[tilespmem:$0x1F220] =	vst v63  }
0x2d: {  	_ =	swait.ge [sflag:s26], $0x1400  }
0x2e: {  	[sflag:s26] =	ssyncset.done $0x0  }
0x2f: {  	s4 =	simm.s32 $0x140C8;
	[sflag:s26] =	ssyncadd.s32 $0xFFFFEC00  }
0x30: {  	[tilespmem:s16], [sflag:$0x1] =	stream.indirect.gather [hbm4b:s1+s15], $0x80, s4, s15, $0xb8;
	[tilespmem:$0x1F220] =	vst v63  }
0x31: {  	_ =	swait.ge [sflag:s28], $0x1400  }
0x32: {  	[sflag:s28] =	ssyncset.done $0x0  }
0x33: {  	s21 =	simm.s32 $0x16738;
	[sflag:s28] =	ssyncadd.s32 $0xFFFFEC00  }
0x34: {  	[spmem:s3] =	stream.indirect.scatter.add.f32 [tilespmem:s18], [sflag:$0x7], $0x80, s21, s15, $0xb8;
	[tilespmem:$0x1F220] =	vst v63  }
0x35: {  	_ =	swait.ge [sflag:s29], $0x1400  }
0x36: {  	[sflag:s29] =	ssyncset.done $0x0  }
0x37: {  	s4 =	simm.s32 $0x140F0;
	[sflag:s29] =	ssyncadd.s32 $0xFFFFEC00  }
0x38: {  	[tilespmem:s18], [sflag:$0x2] =	stream.indirect.gather [hbm4b:s1+s15], $0x80, s4, s15, $0xb8;
	[tilespmem:$0x1F220] =	vst v63  }
0x39: {  	_ =	swait.ge [sflag:s30], $0x1400  }
0x3a: {  	[sflag:s30] =	ssyncset.done $0x0  }
0x3b: {  	s21 =	simm.s32 $0x16760;
	[sflag:s30] =	ssyncadd.s32 $0xFFFFEC00  }
0x3c: {  	[spmem:s3] =	stream.indirect.scatter.add.f32 [tilespmem:s20], [sflag:$0x8], $0x80, s21, s15, $0xb8;
	[tilespmem:$0x1F220] =	vst v63  }
0x3d: {  	_ =	swait.ge [sflag:s31], $0x1400  }
0x3e: {  	[sflag:s31] =	ssyncset.done $0x0  }
0x3f: {  	s4 =	simm.s32 $0x14118;
	[sflag:s31] =	ssyncadd.s32 $0xFFFFEC00  }
0x40: {  	[tilespmem:s20], [sflag:$0x3] =	stream.indirect.gather [hbm4b:s1+s15], $0x80, s4, s15, $0xb8;
	[tilespmem:$0x1F220] =	vst v63  }
0x41: {  	_ =	swait.ge [sflag:s2], $0x1400  }
0x42: {  	[sflag:s2] =	ssyncset.done $0x0  }
0x43: {  	s21 =	simm.s32 $0x16788;
	[sflag:s2] =	ssyncadd.s32 $0xFFFFEC00  }
0x44: {  	[spmem:s3] =	stream.indirect.scatter.add.f32 [tilespmem:s22], [sflag:$0x9], $0x80, s21, s15, $0xb8;
	[tilespmem:$0x1F220] =	vst v63  }
0x45: {  	_ =	swait.ge [sflag:s0], $0x1400  }
0x46: {  	[sflag:s0] =	ssyncset.done $0x0  }
0x47: {  	s4 =	simm.s32 $0x14140;
	[sflag:s0] =	ssyncadd.s32 $0xFFFFEC00  }
0x48: {  	[tilespmem:s22], [sflag:$0x4] =	stream.indirect.gather [hbm4b:s1+s15], $0x80, s4, s15, $0xb8;
	[tilespmem:$0x1F220] =	vst v63  }
0x49: {  	_ =	swait.ge [sflag:s14], $0x1400  }
0x4a: {  	[sflag:s14] =	ssyncset.done $0x0  }
0x4b: {  	s21 =	simm.s32 $0x167B0;
	[sflag:s14] =	ssyncadd.s32 $0xFFFFEC00  }
0x4c: {  	[spmem:s3] =	stream.indirect.scatter.add.f32 [tilespmem:s24], [sflag:$0xA], $0x80, s21, s15, $0xb8;
	[tilespmem:$0x1F220] =	vst v63  }
0x4d: {  	_ =	swait.ge [sflag:s17], $0x1400  }
0x4e: {  	[sflag:s17] =	ssyncset.done $0x0  }
0x4f: {  	s19 =	simm.s32 $0x320;
	s21 =	simm.s32 $0x14168;
	[sflag:s17] =	ssyncadd.s32 $0xFFFFEC00  }
.LBB2_2:
0x50: {  	[tilespmem:s24], [sflag:$0x5] =	stream.indirect.gather [hbm4b:s1+s15], $0x80, s21, s15, $0xb8;
	[tilespmem:$0x1F220] =	vst v63  }
0x51: {  	s21 =	smov.u32 s19  }
0x52: {  	p0 =	sne.s32 s19, $0x9600;
	s19 =	sadd.s32 $0x320, s19;
	_ =	swait.ge [sflag:s25], $0x1400  }
0x53: {  	s21 =	sshra.s32 s21, $0x2;
	[sflag:s25] =	ssyncset.done $0x0  }
0x54: {  	s4 =	sadd.s32 $0x16710, s21;
	[sflag:s25] =	ssyncadd.s32 $0xFFFFEC00  }
0x55: {  	[spmem:s3] =	stream.indirect.scatter.add.f32 [tilespmem:s16], [sflag:$0x6], $0x80, s4, s15, $0xb8;
	[tilespmem:$0x1F220] =	vst v63  }
0x56: {  	_ =	swait.ge [sflag:s26], $0x1400  }
0x57: {  	[sflag:s26] =	ssyncset.done $0x0  }
0x58: {  	s4 =	sadd.s32 $0x140C8, s21;
	[sflag:s26] =	ssyncadd.s32 $0xFFFFEC00  }
0x59: {  	[tilespmem:s16], [sflag:$0x1] =	stream.indirect.gather [hbm4b:s1+s15], $0x80, s4, s15, $0xb8;
	[tilespmem:$0x1F220] =	vst v63  }
0x5a: {  	_ =	swait.ge [sflag:s28], $0x1400  }
0x5b: {  	[sflag:s28] =	ssyncset.done $0x0  }
0x5c: {  	s4 =	sadd.s32 $0x16738, s21;
	[sflag:s28] =	ssyncadd.s32 $0xFFFFEC00  }
0x5d: {  	[spmem:s3] =	stream.indirect.scatter.add.f32 [tilespmem:s18], [sflag:$0x7], $0x80, s4, s15, $0xb8;
	[tilespmem:$0x1F220] =	vst v63  }
0x5e: {  	_ =	swait.ge [sflag:s29], $0x1400  }
0x5f: {  	[sflag:s29] =	ssyncset.done $0x0  }
0x60: {  	s4 =	sadd.s32 $0x140F0, s21;
	[sflag:s29] =	ssyncadd.s32 $0xFFFFEC00  }
0x61: {  	[tilespmem:s18], [sflag:$0x2] =	stream.indirect.gather [hbm4b:s1+s15], $0x80, s4, s15, $0xb8;
	[tilespmem:$0x1F220] =	vst v63  }
0x62: {  	_ =	swait.ge [sflag:s30], $0x1400  }
0x63: {  	[sflag:s30] =	ssyncset.done $0x0  }
0x64: {  	s4 =	sadd.s32 $0x16760, s21;
	[sflag:s30] =	ssyncadd.s32 $0xFFFFEC00  }
0x65: {  	[spmem:s3] =	stream.indirect.scatter.add.f32 [tilespmem:s20], [sflag:$0x8], $0x80, s4, s15, $0xb8;
	[tilespmem:$0x1F220] =	vst v63  }
0x66: {  	_ =	swait.ge [sflag:s31], $0x1400  }
0x67: {  	[sflag:s31] =	ssyncset.done $0x0  }
0x68: {  	s4 =	sadd.s32 $0x14118, s21;
	[sflag:s31] =	ssyncadd.s32 $0xFFFFEC00  }
0x69: {  	[tilespmem:s20], [sflag:$0x3] =	stream.indirect.gather [hbm4b:s1+s15], $0x80, s4, s15, $0xb8;
	[tilespmem:$0x1F220] =	vst v63  }
0x6a: {  	_ =	swait.ge [sflag:s2], $0x1400  }
0x6b: {  	[sflag:s2] =	ssyncset.done $0x0  }
0x6c: {  	s4 =	sadd.s32 $0x16788, s21;
	[sflag:s2] =	ssyncadd.s32 $0xFFFFEC00  }
0x6d: {  	[spmem:s3] =	stream.indirect.scatter.add.f32 [tilespmem:s22], [sflag:$0x9], $0x80, s4, s15, $0xb8;
	[tilespmem:$0x1F220] =	vst v63  }
0x6e: {  	_ =	swait.ge [sflag:s0], $0x1400  }
0x6f: {  	[sflag:s0] =	ssyncset.done $0x0  }
0x70: {  	s4 =	sadd.s32 $0x14140, s21;
	[sflag:s0] =	ssyncadd.s32 $0xFFFFEC00  }
0x71: {  	[tilespmem:s22], [sflag:$0x4] =	stream.indirect.gather [hbm4b:s1+s15], $0x80, s4, s15, $0xb8;
	[tilespmem:$0x1F220] =	vst v63  }
0x72: {  	_ =	swait.ge [sflag:s14], $0x1400  }
0x73: {  	[sflag:s14] =	ssyncset.done $0x0  }
.Ltmp0:
0x74: {  	s4 =	sadd.s32 $0x167B0, s21;
	[sflag:s14] =	ssyncadd.s32 $0xFFFFEC00;
	(pc) =	sbr.rel @p0 .LBB2_2-.Ltmp0, $4  }
0x75: {  	[spmem:s3] =	stream.indirect.scatter.add.f32 [tilespmem:s24], [sflag:$0xA], $0x80, s4, s15, $0xb8;
	[tilespmem:$0x1F220] =	vst v63  }
0x76: {  	_ =	swait.ge [sflag:s17], $0x1400  }
0x77: {  	[sflag:s17] =	ssyncset.done $0x0  }
0x78: {  	s21 =	sadd.s32 $0x14168, s21;
	[sflag:s17] =	ssyncadd.s32 $0xFFFFEC00  }
0x79: {  	[tilespmem:s24], [sflag:$0x5] =	stream.indirect.gather [hbm4b:s1+s15], $0x80, s21, s15, $0xb8;
	[tilespmem:$0x1F220] =	vst v63  }
0x7a: {  	_ =	swait.ge [sflag:s25], $0x1400  }
0x7b: {  	[sflag:s25] =	ssyncset.done $0x0  }
0x7c: {  	s4 =	simm.s32 $0x18D58;
	[sflag:s25] =	ssyncadd.s32 $0xFFFFEC00  }
0x7d: {  	[spmem:s3] =	stream.indirect.scatter.add.f32 [tilespmem:s16], [sflag:$0x6], $0x80, s4, s15, $0xb8;
	[tilespmem:$0x1F220] =	vst v63  }
0x7e: {  	_ =	swait.ge [sflag:s28], $0x1400  }
0x7f: {  	[sflag:s28] =	ssyncset.done $0x0  }
0x80: {  	s19 =	simm.s32 $0x18D80;
	[sflag:s28] =	ssyncadd.s32 $0xFFFFEC00  }
0x81: {  	[spmem:s3] =	stream.indirect.scatter.add.f32 [tilespmem:s18], [sflag:$0x7], $0x80, s19, s15, $0xb8;
	[tilespmem:$0x1F220] =	vst v63  }
0x82: {  	_ =	swait.ge [sflag:s30], $0x1400  }
0x83: {  	[sflag:s30] =	ssyncset.done $0x0  }
0x84: {  	s21 =	simm.s32 $0x18DA8;
	[sflag:s30] =	ssyncadd.s32 $0xFFFFEC00  }
0x85: {  	[spmem:s3] =	stream.indirect.scatter.add.f32 [tilespmem:s20], [sflag:$0x8], $0x80, s21, s15, $0xb8;
	[tilespmem:$0x1F220] =	vst v63  }
0x86: {  	_ =	swait.ge [sflag:s2], $0x1400  }
0x87: {  	[sflag:s2] =	ssyncset.done $0x0  }
0x88: {  	s19 =	simm.s32 $0x18DD0;
	[sflag:s2] =	ssyncadd.s32 $0xFFFFEC00  }
0x89: {  	[spmem:s3] =	stream.indirect.scatter.add.f32 [tilespmem:s22], [sflag:$0x9], $0x80, s19, s15, $0xb8;
	[tilespmem:$0x1F220] =	vst v63  }
0x8a: {  	_ =	swait.ge [sflag:s14], $0x1400  }
0x8b: {  	[sflag:s14] =	ssyncset.done $0x0  }
0x8c: {  	s21 =	simm.s32 $0x18DF8;
	[sflag:s14] =	ssyncadd.s32 $0xFFFFEC00  }
0x8d: {  	[spmem:s3] =	stream.indirect.scatter.add.f32 [tilespmem:s24], [sflag:$0xA], $0x80, s21, s15, $0xb8;
	[tilespmem:$0x1F220] =	vst v63  }
0x8e: {  	_ =	swait.ge [sflag:s26], $0x1400  }
0x8f: {  	[sflag:s26] =	ssyncset.done $0x0  }
0x90: {  	[sflag:s26] =	ssyncadd.s32 $0xFFFFEC00  }
0x91: {  	_ =	swait.ge [sflag:s29], $0x1400  }
0x92: {  	[sflag:s29] =	ssyncset.done $0x0  }
0x93: {  	[sflag:s29] =	ssyncadd.s32 $0xFFFFEC00  }
0x94: {  	_ =	swait.ge [sflag:s31], $0x1400  }
0x95: {  	[sflag:s31] =	ssyncset.done $0x0  }
0x96: {  	[sflag:s31] =	ssyncadd.s32 $0xFFFFEC00  }
0x97: {  	_ =	swait.ge [sflag:s0], $0x1400  }
0x98: {  	[sflag:s0] =	ssyncset.done $0x0  }
0x99: {  	[sflag:s0] =	ssyncadd.s32 $0xFFFFEC00  }
0x9a: {  	_ =	swait.ge [sflag:s17], $0x1400  }
0x9b: {  	s23 =	sadd.s32 $0x1, s23;
	[sflag:s17] =	ssyncset.done $0x0  }
0x9c: {  	p0 =	sne.s32 s23, s10;
	[sflag:s17] =	ssyncadd.s32 $0xFFFFEC00  }
.Ltmp1:
0x9d: {  	[bflag:$0x0] =	sbarrier.arrive $0xFFFF;
	(pc) =	sbr.rel @p0 .LBB2_1-.Ltmp1, $4  }
0x9e: {  	[hbm:s9], [sflag:s6] =	dma.local [spmem:s11], $0x2800  }
0x9f: {  	_ =	swait.ge [sflag:s12], $0x2800  }
0xa0: {  	[sflag:s12] =	ssyncset.done $0x0  }
0xa1: {  	[sflag:s12] =	ssyncadd.s32 $0xFFFFD800  }
0xa2: {  	_ =	sfence.sel $0x180000  }
0xa3: {  	[bflag:$0x0] =	sbarrier.arrive $0xFFFF  }
0xa4: {  	_ =	strace $0x9000004D  }
0xa5: {  	s0 =	stileid.u32;
	[bflag:$0x2] =	sbarrier.arrive $0xFFFF  }
0xa6: {  	p0 =	sne.s32 s0, $0x0;
	s0 =	rddreg [dreg:$0x3]  }
0xa7: {  	s0 =	sadd.s32 @!p0 $0x100000, s0  }
0xa8: {  	[sflag:s0] =	ssyncadd.tile.s32 @!p0 $0x1;
	_ =	shalt  }
.Lfunc_end2:
_tile_overlayer_lowered:
.L_overlay_start_2:
0xa9: {  	(tag) =	ssettag $0x2  }
0xaa: {  	s0 =	rddreg [dreg:$0x0];
	s2 =	stileid.u32  }
0xab: {  	s1 =	rddreg [dreg:$0x1];
	p0 =	sne.s32 s2, $0x0  }
0xac: {  	s3 =	rddreg [dreg:$0x2];
	[bflag:$0x3] =	sbarrier.arrive $0xFFFF;
	s2 =	simm.s32 @!p0 $0x1C0B  }
0xad: {  	[timem:s3], [sflag:s2] =	dma.local @!p0 [hbm:s0], s1  }
0xae: {  	s0 =	simm.s32 @!p0 $0xB  }
0xaf: {  	_ =	swait.ge @!p0 [sflag:s0], s1  }
0xb0: {  	s1 =	ssub.s32 @!p0 $0x0, s1;
	[sflag:s0] =	ssyncset.done @!p0 $0x0  }
0xb1: {  	[sflag:s0] =	ssyncadd.s32 @!p0 s1  }
0xb2: {  	[bflag:$0x3] =	sbarrier.arrive $0xFFFF  }
0xb3: {  	_ =	shalt  }

// kernel: kernel.8.cloned.1.call-start
scs
__scs_entry_jumppad:
0x0: {  	(pc) =	sbr.rel $0x88, $3  }
0x1: {  	(tag) =	ssettag $0x0;
	lr =	simm.s32 $0x1  }
0x2: {  	[smem:$0x3F9B] =	sst lr;
	_ =	strace $0xD0000000  }
0x3: {  	_ = 	snop  }
0x4: {  	_ = 	snop  }
0x5: {  	_ = 	snop  }
0x6: {  	_ = 	snop  }
0x7: {  	_ = 	snop  }
__scs_overlays_trampoline_lowered:
0x8: {  	[smem:$0x3FAA] =	sst s0  }
0x9: {  	[smem:$0x3FAB] =	sst s1  }
0xa: {  	[smem:$0x3FAC] =	sst s2  }
0xb: {  	[smem:$0x3FAD] =	sst s3  }
0xc: {  	[smem:$0x3FAE] =	sst s4  }
0xd: {  	[smem:$0x3FAF] =	sst s5  }
0xe: {  	[smem:$0x3FB0] =	sst s6  }
0xf: {  	[smem:$0x3FB1] =	sst s7  }
0x10: {  	[smem:$0x3FB2] =	sst s8  }
0x11: {  	[smem:$0x3FB3] =	sst s9;
	s0 =	simm.s32 @!p0 $0x0  }
0x12: {  	s1 =	sld [smem:$0x3F99];
	s0 =	simm.s32 @p0 $0x1  }
0x13: {  	[smem:$0x3FB4] =	sst s0;
	s0 =	simm.s32 @!p1 $0x0  }
0x14: {  	s2 =	sld [smem:$0x3F98];
	s0 =	simm.s32 @p1 $0x1  }
0x15: {  	[smem:$0x3FB5] =	sst s0;
	s0 =	simm.s32 @!p2 $0x0  }
0x16: {  	s3 =	sld [smem:$0x3FDB];
	s0 =	simm.s32 @p2 $0x1  }
0x17: {  	s4 =	simm.s32 $0x1BF5;
	[smem:$0x3FB7] =	sst s0  }
0x18: {  	s0 =	sld [smem:$0x3F9A];
	_ =	swait.ge [sflag:s4], $0x0  }
0x19: {  	s7 =	sld [smem:$0x3F9B]  }
0x1a: {  	s8 =	sadd.s32 $0xFFFFE003, lr  }
0x1b: {  	s9 =	sadd.s32 $0xFFFFFEF7, lr;
	s5 =	simm.s32 $0xFFFFFFFF;
	p2 =	slt.u32 s8, $0xFFFFF086  }
0x1c: {  	p1 =	slt.u32 s9, $0xF7A;
	s5 =	simm.s32 @!p2 $0x0  }
0x1d: {  	s5 =	simm.s32 @p1 $0x1;
	p0 =	seq.s32 s7, s2  }
0x1e: {  	s7 =	smul.u32 @!p0 $0xF7A, s2;
	p2 =	seq.s32 @!p0 s5, $0x0  }
0x1f: {  	s9 =	smul.u32 $0xF7A, s1;
	s8 =	simm.s32 @!p0 $0x1BF5;
	p2 =	por !p2, p0  }
0x20: {  	[sflag:s8] =	ssyncset.s32 @!p0 $0xFFFFF086;
	s6 =	sadd.s32 @!p0 s3, s7;
	s7 =	simm.s32 @!p0 $0x108  }
0x21: {  	s3 =	sadd.s32 s3, s9;
	s6 =	sadd.s32 @!p0 $0x88, s6;
	s7 =	simm.s32 @p2 $0x1082  }
0x22: {  	[simem:s7], [sflag:s8] =	dma.local @!p0 [hbm:s6], $0xF7A  }
0x23: {  	s9 =	sor.u32 $0xD0000000, s2;
	s6 =	simm.s32 $0x108;
	_ =	swait.ge @!p0 [sflag:s8], $0x0  }
0x24: {  	s3 =	sadd.s32 $0x88, s3;
	s6 =	simm.s32 @!p1 $0x1082;
	[sflag:s4] =	ssyncset.s32 $0xFFFFF086  }
0x25: {  	[simem:s6], [sflag:s4] =	dma.local [hbm:s3], $0xF7A  }
0x26: {  	[smem:$0x3F9B] =	sst s1;
	(tag) =	ssettag s2;
	_ =	strace s9  }
0x27: {  	s1 =	sld [smem:$0x3FAB]  }
0x28: {  	s2 =	sld [smem:$0x3FAC]  }
0x29: {  	s4 =	sld [smem:$0x3FAE]  }
0x2a: {  	p0 =	seq.s32 s5, $0x0;
	s5 =	sld [smem:$0x3FAF]  }
0x2b: {  	s6 =	sld [smem:$0x3FB0]  }
0x2c: {  	s7 =	sld [smem:$0x3FB1]  }
0x2d: {  	s3 =	simm.s32 $0x108;
	s8 =	sld [smem:$0x3FB2]  }
0x2e: {  	s3 =	simm.s32 @!p0 $0x1082;
	s9 =	sld [smem:$0x3FB3]  }
0x2f: {  	lr =	sadd.s32 s0, s3;
	s0 =	sld [smem:$0x3FAA]  }
0x30: {  	s3 =	sld [smem:$0x3FAD]  }
0x31: {  	[smem:$0x3FB6] =	sst s10  }
0x32: {  	s10 =	sld [smem:$0x3FB4];
	_ =	sdelay $0x3  }
0x33: {  	p0 =	seq.s32 s10, $0x1;
	s10 =	sld [smem:$0x3FB6];
	_ =	sdelay $0x3  }
0x34: {  	[smem:$0x3FB6] =	sst s10  }
0x35: {  	s10 =	sld [smem:$0x3FB5];
	_ =	sdelay $0x3  }
0x36: {  	p1 =	seq.s32 s10, $0x1;
	s10 =	sld [smem:$0x3FB6];
	_ =	sdelay $0x3  }
0x37: {  	[smem:$0x3FB6] =	sst s10  }
0x38: {  	s10 =	sld [smem:$0x3FB7]  }
0x39: {  	_ = 	snop;
	(pc) =	sbr.ind lr, $3  }
0x3a: {  	_ = 	snop  }
0x3b: {  	_ = 	snop  }
0x3c: {  	p2 =	seq.s32 s10, $0x1;
	s10 =	sld [smem:$0x3FB6]  }
0x3d: {  	_ =	shalt  }
0x3e: {  	_ =	shalt  }
0x3f: {  	_ =	shalt  }
0x40: {  	_ =	shalt  }
0x41: {  	_ =	shalt  }
0x42: {  	_ =	shalt  }
0x43: {  	_ =	shalt  }
0x44: {  	_ =	shalt  }
0x45: {  	_ =	shalt  }
0x46: {  	_ =	shalt  }
0x47: {  	_ =	shalt  }
0x48: {  	_ =	shalt  }
0x49: {  	_ =	shalt  }
0x4a: {  	_ =	shalt  }
0x4b: {  	_ =	shalt  }
0x4c: {  	_ =	shalt  }
0x4d: {  	_ =	shalt  }
0x4e: {  	_ =	shalt  }
0x4f: {  	_ =	shalt  }
0x50: {  	_ =	shalt  }
0x51: {  	_ =	shalt  }
0x52: {  	_ =	shalt  }
0x53: {  	_ =	shalt  }
0x54: {  	_ =	shalt  }
0x55: {  	_ =	shalt  }
0x56: {  	_ =	shalt  }
0x57: {  	_ =	shalt  }
0x58: {  	_ =	shalt  }
0x59: {  	_ =	shalt  }
0x5a: {  	_ =	shalt  }
0x5b: {  	_ =	shalt  }
0x5c: {  	_ =	shalt  }
0x5d: {  	_ =	shalt  }
0x5e: {  	_ =	shalt  }
0x5f: {  	_ =	shalt  }
0x60: {  	_ =	shalt  }
0x61: {  	_ =	shalt  }
0x62: {  	_ =	shalt  }
0x63: {  	_ =	shalt  }
0x64: {  	_ =	shalt  }
0x65: {  	_ =	shalt  }
0x66: {  	_ =	shalt  }
0x67: {  	_ =	shalt  }
0x68: {  	_ =	shalt  }
0x69: {  	_ =	shalt  }
0x6a: {  	_ =	shalt  }
0x6b: {  	_ =	shalt  }
0x6c: {  	_ =	shalt  }
0x6d: {  	_ =	shalt  }
0x6e: {  	_ =	shalt  }
0x6f: {  	_ =	shalt  }
0x70: {  	_ =	shalt  }
0x71: {  	_ =	shalt  }
0x72: {  	_ =	shalt  }
0x73: {  	_ =	shalt  }
0x74: {  	_ =	shalt  }
0x75: {  	_ =	shalt  }
0x76: {  	_ =	shalt  }
0x77: {  	_ =	shalt  }
0x78: {  	_ =	shalt  }
0x79: {  	_ =	shalt  }
0x7a: {  	_ =	shalt  }
0x7b: {  	_ =	shalt  }
0x7c: {  	_ =	shalt  }
0x7d: {  	_ =	shalt  }
0x7e: {  	_ =	shalt  }
0x7f: {  	_ =	shalt  }
0x80: {  	_ =	shalt  }
0x81: {  	_ =	shalt  }
0x82: {  	_ =	shalt  }
0x83: {  	_ =	shalt  }
0x84: {  	_ =	shalt  }
0x85: {  	_ =	shalt  }
0x86: {  	_ =	shalt  }
0x87: {  	_ =	shalt  }
.Lfunc_end0:
.L_simem_size_0:
called_computation_lowered:
.L_overlay_start_0:
0x88: {  	s2 =	sld [smem:$0x3FD9]  }
0x89: {  	s3 =	sld [smem:$0x3FFE];
	_ =	sdelay $0x1  }
0x8a: {  	s1 =	srdreg.scid  }
0x8b: {  	s0 =	sand.u32 $0x1, s1  }
0x8c: {  	s17 =	sshll.u32 s0, $0xA;
	s2 =	sadd.s32 s3, s2  }
0x8d: {  	s2 =	sadd.s32 s2, s17  }
0x8e: {  	[smem:$0x3FC2] =	sst s2  }
0x8f: {  	_ = 	snop  }
0x90: {  	s2 =	sld [smem:$0x3FD0];
	(tm) =	ssettm $0x1  }
0x91: {  	s18 =	sld [smem:$0x3FFB];
	_ =	sdelay $0x3  }
0x92: {  	_ =	strace s18  }
0x93: {  	s3 =	sld [smem:$0x3FFC];
	_ =	sdelay $0x3  }
0x94: {  	_ =	strace s3  }
0x95: {  	s3 =	sld [smem:$0x3FFD];
	_ =	sdelay $0x3  }
0x96: {  	_ =	strace s3  }
0x97: {  	_ =	strace $0x8FFFFFFF  }
0x98: {  	s19 =	sld [smem:$0x3FDB];
	_ =	sdelay $0x1  }
0x99: {  	s4 =	simm.s32 $_scs_section_size  }
0x9a: {  	s5 =	simm.s32 $_size__tile_overlayer_lowered;
	s6 =	simm.s32 $_tile_overlayer_lowered  }
0x9b: {  	s22 =	simm.s32 $0x1BFF;
	s21 =	sshll.u32 s6, $0x1;
	s3 =	sadd.s32 s4, s19  }
0x9c: {  	s7 =	simm.s32 $0x0;
	s20 =	sshll.u32 s5, $0x1;
	s5 =	sadd.s32 s21, s3  }
0x9d: {  	[timem:s7], [sflag:s22] =	dma.local [hbm:s5], s20  }
0x9e: {  	_ =	swait.ge [sflag:s22], s20  }
0x9f: {  	s4 =	ssub.s32 $0x0, s20;
	[sflag:s22] =	ssyncset.done $0x0  }
0xa0: {  	[sflag:s22] =	ssyncadd.s32 s4;
	_ =	sdelay $0x1  }
0xa1: {  	s23 =	simm.s32 $0x1B8B  }
0xa2: {  	_ =	swait.ge [sflag:s23], $0x1  }
0xa3: {  	[sflag:s23] =	ssyncset.done $0x0  }
0xa4: {  	s25 =	simm.s32 $0x1B8E;
	s24 =	sld [smem:$0x3FFE];
	[sflag:s23] =	ssyncadd.s32 $0xFFFFFFFF  }
0xa5: {  	s26 =	simm.s32 $execute0_lowered;
	[smem:$0x3FD2] =	sst s25  }
0xa6: {  	s5 =	sshll.u32 s26, $0x1;
	_ =	strace $0x80000046;
	[dreg:$0x1] =	wrdreg $0xFFFFFFFF  }
0xa7: {  	s28 =	simm.s32 $_size_execute0_lowered;
	s3 =	sadd.s32 s3, s5;
	[dreg:$0x0] =	wrdreg $0x0  }
0xa8: {  	s5 =	sshll.u32 s28, $0x1;
	[dreg:$0x2] =	wrdreg s3  }
0xa9: {  	[dreg:$0x3] =	wrdreg s5  }
0xaa: {  	[dreg:$0x4] =	wrdreg $0xC0  }
0xab: {  	_ =	task [dreg:s7], $0x5FFFF  }
0xac: {  	[dreg:$0x1] =	wrdreg $0xFFFFFFFF  }
0xad: {  	[dreg:$0x0] =	wrdreg $0x60  }
0xae: {  	[dreg:$0x2] =	wrdreg s24  }
0xaf: {  	[dreg:$0x3] =	wrdreg s2  }
0xb0: {  	[dreg:$0x4] =	wrdreg $0x0  }
0xb1: {  	[dreg:$0x5] =	wrdreg $0x9  }
0xb2: {  	_ =	task.clear_ibuf [dreg:s7], $0x6FFFF;
	_ =	strace $0x90000046  }
0xb3: {  	s29 =	simm.s32 $0x9;
	_ =	strace $0x80000048  }
0xb4: {  	_ =	swait.ge [sflag:s29], $0x1  }
0xb5: {  	[sflag:s29] =	ssyncadd.s32 $0xFFFFFFFF  }
0xb6: {  	_ =	strace $0x90000048  }
0xb7: {  	_ =	sfence  }
0xb8: {  	s30 =	sld [smem:$0x0];
	_ =	sdelay $0x2  }
0xb9: {  	s31 =	sshll.u32 s1, $0xD;
	s1 =	sshrl.u32 s1, $0x2  }
0xba: {  	s3 =	sand.u32 $0x4000, s31;
	s1 =	sadd.s32 s1, s30  }
0xbb: {  	s0 =	sor.u32 s3, s0;
	s1 =	sshll.u32 s1, $0x11  }
0xbc: {  	s0 =	sor.u32 s1, s0  }
0xbd: {  	s0 =	sadd.s32 $0x8F2B, s0  }
0xbe: {  	[sflag:s0] =	ssyncadd.remote.s32 $0x1  }
0xbf: {  	_ =	sfence.sel $0xFFFF  }
0xc0: {  	[dreg:$0x0] =	wrdreg $0xFFFFFFFF;
	(pc) =	sbr.abs _section_cstart, $3  }
0xc1: {  	[dreg:$0x1] =	wrdreg $0xFFFFFFFF  }
0xc2: {  	_ =	task.clear_ibuf [dreg:s7], $0x2FFFF;
	_ =	strace $0x9FFFFFFF  }
0xc3: {  	(tm) =	ssettm $0x7FFFFFFF  }
tec
execute0_lowered:
.L_overlay_start_1:
0x0: {  	(tag) =	ssettag $0x1  }
0x1: {  	s0 =	rddreg [dreg:$0x0]  }
0x2: {  	s1 =	rddreg [dreg:$0x1];
	s3 =	srdreg.scid  }
0x3: {  	s2 =	rddreg [dreg:$0x2];
	s12 =	stileid.u32  }
0x4: {  	s14 =	simm.s32 $0x28;
	s15 =	simm.s32 $0x1;
	s16 =	simm.s32 $0x2  }
0x5: {  	s17 =	simm.s32 $0x3;
	s18 =	simm.s32 $0x4;
	s19 =	simm.s32 $0x5  }
0x6: {  	s20 =	simm.s32 $0x6;
	s21 =	simm.s32 $0x7;
	s22 =	simm.s32 $0x8  }
0x7: {  	s23 =	simm.s32 $0x9;
	s24 =	simm.s32 $0xA;
	s13 =	simm.s32 $0x4EC0  }
0x8: {  	s25 =	simm.s32 $0x4EE8;
	s26 =	simm.s32 $0x0;
	s4 =	sand.u32 $0x1, s3  }
0x9: {  	s3 =	simm.s32 $0x0;
	s6 =	smul.u32 $0x2800, s12;
	s31 =	sshll.u32 s12, $0x6  }
0xa: {  	s5 =	sshll.u32 s4, $0x4;
	[smem:$0x7FF] =	sst s3;
	s7 =	ssub.s32 $0x2, s4  }
0xb: {  	s10 =	smul.u32 $0x28000, s4;
	s4 =	sadd.s32 $0x15E00, s0;
	s5 =	sor.u32 s12, s5  }
0xc: {  	_ =	strace $0x80000047;
	s9 =	sshrl.u32 s7, $0x1;
	s11 =	sadd.s32 s6, s2  }
0xd: {  	s12 =	simm.s32 $0x4F10;
	s8 =	smul.u32 $0x2710, s5;
	s6 =	sadd.s32 s6, s10  }
0xe: {  	s5 =	sadd.s32 $0x16000, s0;
	s9 =	ssub.s32 s7, s9;
	s10 =	sshrl.u32 s6, $0x3  }
0xf: {  	s6 =	sor.u32 $0x1C0B, s31;
	s9 =	smax.u32 s9, $0x1;
	s30 =	sshrl.u32 s8, $0x3  }
0x10: {  	s8 =	sadd.s32 s1, s10;
	s10 =	sshrl.u32 s11, $0x3;
	s0 =	sadd.s32 s0, s30  }
0x11: {  	s11 =	simm.s32 $0xB;
	s1 =	simm.s32 $0x4E98;
	s7 =	sadd.s32 $0xC040, s0  }
.LBB2_1:
0x12: {  	[spmem:s10], [sflag:s6] =	dma.local [hbm:s5], $0x500  }
0x13: {  	_ =	swait.ge [sflag:s11], $0x500  }
0x14: {  	[sflag:s11] =	ssyncset.done $0x0  }
0x15: {  	[sflag:s11] =	ssyncadd.s32 $0xFFFFFB00  }
0x16: {  	[tilespmem:s12], [sflag:$0xB] =	stream.linear.gather [hbm4b:s4+s3], $0x280, $0x38;
	[tilespmem:$0x5190] =	vst v63  }
0x17: {  	_ =	swait.ge [sflag:s11], $0x280  }
0x18: {  	[sflag:s11] =	ssyncset.done $0x0  }
0x19: {  	s0 =	simm.s32 $0x2800;
	[sflag:s11] =	ssyncadd.s32 $0xFFFFFD80  }
0x1a: {  	[tilespmem:s0], [sflag:$0xB] =	stream.linear.gather [hbm4b:s7+s3], $0x2710, $0x38;
	[tilespmem:$0x5190] =	vst v63  }
0x1b: {  	_ =	swait.ge [sflag:s11], $0x2710  }
0x1c: {  	[sflag:s11] =	ssyncset.done $0x0  }
0x1d: {  	[sflag:s11] =	ssyncadd.s32 $0xFFFFD8F0  }
0x1e: {  	s28 =	simm.s32 $0x2800;
	[bflag:$0x0] =	sbarrier.arrive $0xFFFF  }
0x1f: {  	[spmem:s2] =	stream.indirect.scatter.add.f32 [tilespmem:s12], [sflag:$0x1], $0x10, s28, s14, $0xb8;
	[tilespmem:$0x5190] =	vst v63  }
0x20: {  	_ =	swait.ge [sflag:s15], $0x280  }
0x21: {  	[sflag:s15] =	ssyncset.done $0x0  }
0x22: {  	s28 =	simm.s32 $0x2828;
	[sflag:s15] =	ssyncadd.s32 $0xFFFFFD80  }
0x23: {  	[spmem:s2] =	stream.indirect.scatter.add.f32 [tilespmem:s12], [sflag:$0x2], $0x10, s28, s14, $0xb8;
	[tilespmem:$0x5190] =	vst v63  }
0x24: {  	_ =	swait.ge [sflag:s16], $0x280  }
0x25: {  	[sflag:s16] =	ssyncset.done $0x0  }
0x26: {  	s28 =	simm.s32 $0x2850;
	[sflag:s16] =	ssyncadd.s32 $0xFFFFFD80  }
0x27: {  	[spmem:s2] =	stream.indirect.scatter.add.f32 [tilespmem:s12], [sflag:$0x3], $0x10, s28, s14, $0xb8;
	[tilespmem:$0x5190] =	vst v63  }
0x28: {  	_ =	swait.ge [sflag:s17], $0x280  }
0x29: {  	[sflag:s17] =	ssyncset.done $0x0  }
0x2a: {  	s28 =	simm.s32 $0x2878;
	[sflag:s17] =	ssyncadd.s32 $0xFFFFFD80  }
0x2b: {  	[spmem:s2] =	stream.indirect.scatter.add.f32 [tilespmem:s12], [sflag:$0x4], $0x10, s28, s14, $0xb8;
	[tilespmem:$0x5190] =	vst v63  }
0x2c: {  	_ =	swait.ge [sflag:s18], $0x280  }
0x2d: {  	[sflag:s18] =	ssyncset.done $0x0  }
0x2e: {  	s28 =	simm.s32 $0x28A0;
	[sflag:s18] =	ssyncadd.s32 $0xFFFFFD80  }
0x2f: {  	[spmem:s2] =	stream.indirect.scatter.add.f32 [tilespmem:s12], [sflag:$0x5], $0x10, s28, s14, $0xb8;
	[tilespmem:$0x5190] =	vst v63  }
0x30: {  	_ =	swait.ge [sflag:s19], $0x280  }
0x31: {  	[sflag:s19] =	ssyncset.done $0x0  }
0x32: {  	s28 =	simm.s32 $0x28C8;
	[sflag:s19] =	ssyncadd.s32 $0xFFFFFD80  }
0x33: {  	[spmem:s2] =	stream.indirect.scatter.add.f32 [tilespmem:s12], [sflag:$0x6], $0x10, s28, s14, $0xb8;
	[tilespmem:$0x5190] =	vst v63  }
0x34: {  	_ =	swait.ge [sflag:s20], $0x280  }
0x35: {  	[sflag:s20] =	ssyncset.done $0x0  }
0x36: {  	s28 =	simm.s32 $0x28F0;
	[sflag:s20] =	ssyncadd.s32 $0xFFFFFD80  }
0x37: {  	[spmem:s2] =	stream.indirect.scatter.add.f32 [tilespmem:s12], [sflag:$0x7], $0x10, s28, s14, $0xb8;
	[tilespmem:$0x5190] =	vst v63  }
0x38: {  	_ =	swait.ge [sflag:s21], $0x280  }
0x39: {  	[sflag:s21] =	ssyncset.done $0x0  }
0x3a: {  	s28 =	simm.s32 $0x2918;
	[sflag:s21] =	ssyncadd.s32 $0xFFFFFD80  }
0x3b: {  	[spmem:s2] =	stream.indirect.scatter.add.f32 [tilespmem:s12], [sflag:$0x8], $0x10, s28, s14, $0xb8;
	[tilespmem:$0x5190] =	vst v63  }
0x3c: {  	_ =	swait.ge [sflag:s22], $0x280  }
0x3d: {  	[sflag:s22] =	ssyncset.done $0x0  }
0x3e: {  	s28 =	simm.s32 $0x2940;
	[sflag:s22] =	ssyncadd.s32 $0xFFFFFD80  }
0x3f: {  	[spmem:s2] =	stream.indirect.scatter.add.f32 [tilespmem:s12], [sflag:$0x9], $0x10, s28, s14, $0xb8;
	[tilespmem:$0x5190] =	vst v63  }
0x40: {  	_ =	swait.ge [sflag:s23], $0x280  }
0x41: {  	[sflag:s23] =	ssyncset.done $0x0  }
0x42: {  	s28 =	simm.s32 $0x2968;
	[sflag:s23] =	ssyncadd.s32 $0xFFFFFD80  }
0x43: {  	[spmem:s2] =	stream.indirect.scatter.add.f32 [tilespmem:s12], [sflag:$0xA], $0x10, s28, s14, $0xb8;
	[tilespmem:$0x5190] =	vst v63  }
0x44: {  	_ =	swait.ge [sflag:s24], $0x280  }
0x45: {  	s29 =	simm.s32 $0xC80;
	s28 =	simm.s32 $0x190;
	[sflag:s24] =	ssyncset.done $0x0  }
.LBB2_2:
0x46: {  	s0 =	sadd.s32 $0x2800, s28  }
0x47: {  	[sflag:s24] =	ssyncadd.s32 $0xFFFFFD80;
	s30 =	smov.u32 s29;
	s31 =	sadd.s32 $0x640, s29  }
0x48: {  	[spmem:s2] =	stream.indirect.scatter.add.f32 [tilespmem:s12], [sflag:$0x1], $0x10, s0, s14, $0xb8;
	[tilespmem:$0x5190] =	vst v63  }
0x49: {  	p0 =	sne.s32 s29, $0x8FC0;
	_ =	swait.ge [sflag:s15], $0x280  }
0x4a: {  	[sflag:s15] =	ssyncset.done $0x0  }
0x4b: {  	s0 =	sadd.s32 $0x2828, s28;
	[sflag:s15] =	ssyncadd.s32 $0xFFFFFD80  }
0x4c: {  	[spmem:s2] =	stream.indirect.scatter.add.f32 [tilespmem:s12], [sflag:$0x2], $0x10, s0, s14, $0xb8;
	[tilespmem:$0x5190] =	vst v63  }
0x4d: {  	_ =	swait.ge [sflag:s16], $0x280  }
0x4e: {  	[sflag:s16] =	ssyncset.done $0x0  }
0x4f: {  	s0 =	sadd.s32 $0x2850, s28;
	[sflag:s16] =	ssyncadd.s32 $0xFFFFFD80  }
0x50: {  	[spmem:s2] =	stream.indirect.scatter.add.f32 [tilespmem:s12], [sflag:$0x3], $0x10, s0, s14, $0xb8;
	[tilespmem:$0x5190] =	vst v63  }
0x51: {  	_ =	swait.ge [sflag:s17], $0x280  }
0x52: {  	[sflag:s17] =	ssyncset.done $0x0  }
0x53: {  	s0 =	sadd.s32 $0x2878, s28;
	[sflag:s17] =	ssyncadd.s32 $0xFFFFFD80  }
0x54: {  	[spmem:s2] =	stream.indirect.scatter.add.f32 [tilespmem:s12], [sflag:$0x4], $0x10, s0, s14, $0xb8;
	[tilespmem:$0x5190] =	vst v63  }
0x55: {  	_ =	swait.ge [sflag:s18], $0x280  }
0x56: {  	[sflag:s18] =	ssyncset.done $0x0  }
0x57: {  	s0 =	sadd.s32 $0x28A0, s28;
	[sflag:s18] =	ssyncadd.s32 $0xFFFFFD80  }
0x58: {  	[spmem:s2] =	stream.indirect.scatter.add.f32 [tilespmem:s12], [sflag:$0x5], $0x10, s0, s14, $0xb8;
	[tilespmem:$0x5190] =	vst v63  }
0x59: {  	_ =	swait.ge [sflag:s19], $0x280  }
0x5a: {  	[sflag:s19] =	ssyncset.done $0x0  }
0x5b: {  	s0 =	sadd.s32 $0x28C8, s28;
	[sflag:s19] =	ssyncadd.s32 $0xFFFFFD80  }
0x5c: {  	[spmem:s2] =	stream.indirect.scatter.add.f32 [tilespmem:s12], [sflag:$0x6], $0x10, s0, s14, $0xb8;
	[tilespmem:$0x5190] =	vst v63  }
0x5d: {  	_ =	swait.ge [sflag:s20], $0x280  }
0x5e: {  	[sflag:s20] =	ssyncset.done $0x0  }
0x5f: {  	s0 =	sadd.s32 $0x28F0, s28;
	[sflag:s20] =	ssyncadd.s32 $0xFFFFFD80  }
0x60: {  	[spmem:s2] =	stream.indirect.scatter.add.f32 [tilespmem:s12], [sflag:$0x7], $0x10, s0, s14, $0xb8;
	[tilespmem:$0x5190] =	vst v63  }
0x61: {  	_ =	swait.ge [sflag:s21], $0x280  }
0x62: {  	[sflag:s21] =	ssyncset.done $0x0  }
0x63: {  	s0 =	sadd.s32 $0x2918, s28;
	[sflag:s21] =	ssyncadd.s32 $0xFFFFFD80  }
0x64: {  	[spmem:s2] =	stream.indirect.scatter.add.f32 [tilespmem:s12], [sflag:$0x8], $0x10, s0, s14, $0xb8;
	[tilespmem:$0x5190] =	vst v63  }
0x65: {  	_ =	swait.ge [sflag:s22], $0x280  }
0x66: {  	[sflag:s22] =	ssyncset.done $0x0  }
0x67: {  	s0 =	sadd.s32 $0x2940, s28;
	[sflag:s22] =	ssyncadd.s32 $0xFFFFFD80  }
0x68: {  	[spmem:s2] =	stream.indirect.scatter.add.f32 [tilespmem:s12], [sflag:$0x9], $0x10, s0, s14, $0xb8;
	[tilespmem:$0x5190] =	vst v63  }
0x69: {  	_ =	swait.ge [sflag:s23], $0x280  }
.Ltmp0:
0x6a: {  	[sflag:s23] =	ssyncset.done $0x0;
	(pc) =	sbr.rel @p0 .LBB2_2-.Ltmp0, $4  }
0x6b: {  	s0 =	sadd.s32 $0x2968, s28;
	[sflag:s23] =	ssyncadd.s32 $0xFFFFFD80  }
0x6c: {  	[spmem:s2] =	stream.indirect.scatter.add.f32 [tilespmem:s12], [sflag:$0xA], $0x10, s0, s14, $0xb8;
	[tilespmem:$0x5190] =	vst v63  }
0x6d: {  	_ =	swait.ge [sflag:s24], $0x280  }
0x6e: {  	s29 =	smov.u32 s31;
	s28 =	sshra.s32 s30, $0x2;
	[sflag:s24] =	ssyncset.done $0x0  }
0x6f: {  	s0 =	sadd.s32 $0x2800, s28;
	[sflag:s24] =	ssyncadd.s32 $0xFFFFFD80  }
0x70: {  	[spmem:s2] =	stream.indirect.scatter.add.f32 [tilespmem:s12], [sflag:$0x1], $0x10, s0, s14, $0xb8;
	[tilespmem:$0x5190] =	vst v63  }
0x71: {  	_ =	swait.ge [sflag:s15], $0x280  }
0x72: {  	[sflag:s15] =	ssyncset.done $0x0  }
0x73: {  	s30 =	sadd.s32 $0x2828, s28;
	[sflag:s15] =	ssyncadd.s32 $0xFFFFFD80  }
0x74: {  	[spmem:s2] =	stream.indirect.scatter.add.f32 [tilespmem:s12], [sflag:$0x2], $0x10, s30, s14, $0xb8;
	[tilespmem:$0x5190] =	vst v63  }
0x75: {  	_ =	swait.ge [sflag:s16], $0x280  }
0x76: {  	[sflag:s16] =	ssyncset.done $0x0  }
0x77: {  	s31 =	sadd.s32 $0x2850, s28;
	[sflag:s16] =	ssyncadd.s32 $0xFFFFFD80  }
0x78: {  	[spmem:s2] =	stream.indirect.scatter.add.f32 [tilespmem:s12], [sflag:$0x3], $0x10, s31, s14, $0xb8;
	[tilespmem:$0x5190] =	vst v63  }
0x79: {  	_ =	swait.ge [sflag:s17], $0x280  }
0x7a: {  	[sflag:s17] =	ssyncset.done $0x0  }
0x7b: {  	s29 =	sadd.s32 $0x2878, s28;
	[sflag:s17] =	ssyncadd.s32 $0xFFFFFD80  }
0x7c: {  	[spmem:s2] =	stream.indirect.scatter.add.f32 [tilespmem:s12], [sflag:$0x4], $0x10, s29, s14, $0xb8;
	[tilespmem:$0x5190] =	vst v63  }
0x7d: {  	_ =	swait.ge [sflag:s18], $0x280  }
0x7e: {  	[sflag:s18] =	ssyncset.done $0x0  }
0x7f: {  	s30 =	sadd.s32 $0x28A0, s28;
	[sflag:s18] =	ssyncadd.s32 $0xFFFFFD80  }
0x80: {  	[spmem:s2] =	stream.indirect.scatter.add.f32 [tilespmem:s12], [sflag:$0x5], $0x10, s30, s14, $0xb8;
	[tilespmem:$0x5190] =	vst v63  }
0x81: {  	_ =	swait.ge [sflag:s19], $0x280  }
0x82: {  	[sflag:s19] =	ssyncset.done $0x0  }
0x83: {  	s31 =	sadd.s32 $0x28C8, s28;
	[sflag:s19] =	ssyncadd.s32 $0xFFFFFD80  }
0x84: {  	[spmem:s2] =	stream.indirect.scatter.add.f32 [tilespmem:s12], [sflag:$0x6], $0x10, s31, s14, $0xb8;
	[tilespmem:$0x5190] =	vst v63  }
0x85: {  	_ =	swait.ge [sflag:s20], $0x280  }
0x86: {  	[sflag:s20] =	ssyncset.done $0x0  }
0x87: {  	s29 =	sadd.s32 $0x28F0, s28;
	[sflag:s20] =	ssyncadd.s32 $0xFFFFFD80  }
0x88: {  	[spmem:s2] =	stream.indirect.scatter.add.f32 [tilespmem:s12], [sflag:$0x7], $0x10, s29, s14, $0xb8;
	[tilespmem:$0x5190] =	vst v63  }
0x89: {  	_ =	swait.ge [sflag:s21], $0x280  }
0x8a: {  	[sflag:s21] =	ssyncset.done $0x0  }
0x8b: {  	s30 =	sadd.s32 $0x2918, s28;
	[sflag:s21] =	ssyncadd.s32 $0xFFFFFD80  }
0x8c: {  	[spmem:s2] =	stream.indirect.scatter.add.f32 [tilespmem:s12], [sflag:$0x8], $0x10, s30, s14, $0xb8;
	[tilespmem:$0x5190] =	vst v63  }
0x8d: {  	_ =	swait.ge [sflag:s22], $0x280  }
0x8e: {  	[sflag:s22] =	ssyncset.done $0x0  }
0x8f: {  	s31 =	sadd.s32 $0x2940, s28;
	[sflag:s22] =	ssyncadd.s32 $0xFFFFFD80  }
0x90: {  	[spmem:s2] =	stream.indirect.scatter.add.f32 [tilespmem:s12], [sflag:$0x9], $0x10, s31, s14, $0xb8;
	[tilespmem:$0x5190] =	vst v63  }
0x91: {  	_ =	swait.ge [sflag:s23], $0x280  }
0x92: {  	[sflag:s23] =	ssyncset.done $0x0  }
0x93: {  	s28 =	sadd.s32 $0x2968, s28;
	[sflag:s23] =	ssyncadd.s32 $0xFFFFFD80  }
0x94: {  	[spmem:s2] =	stream.indirect.scatter.add.f32 [tilespmem:s12], [sflag:$0xA], $0x10, s28, s14, $0xb8;
	[tilespmem:$0x5190] =	vst v63  }
0x95: {  	_ =	swait.ge [sflag:s24], $0x280  }
0x96: {  	[sflag:s24] =	ssyncset.done $0x0  }
0x97: {  	s29 =	simm.s32 $0x4D80;
	[sflag:s24] =	ssyncadd.s32 $0xFFFFFD80  }
0x98: {  	[spmem:s2] =	stream.indirect.scatter.add.f32 [tilespmem:s12], [sflag:$0x1], $0x10, s29, s14, $0xb8;
	[tilespmem:$0x5190] =	vst v63  }
0x99: {  	s30 =	simm.s32 $0x4DA8  }
0x9a: {  	[spmem:s2] =	stream.indirect.scatter.add.f32 [tilespmem:s12], [sflag:$0x2], $0x10, s30, s14, $0xb8;
	[tilespmem:$0x5190] =	vst v63  }
0x9b: {  	s31 =	simm.s32 $0x4DD0  }
0x9c: {  	[spmem:s2] =	stream.indirect.scatter.add.f32 [tilespmem:s12], [sflag:$0x3], $0x10, s31, s14, $0xb8;
	[tilespmem:$0x5190] =	vst v63  }
0x9d: {  	s28 =	simm.s32 $0x4DF8  }
0x9e: {  	[spmem:s2] =	stream.indirect.scatter.add.f32 [tilespmem:s12], [sflag:$0x4], $0x10, s28, s14, $0xb8;
	[tilespmem:$0x5190] =	vst v63  }
0x9f: {  	s29 =	simm.s32 $0x4E20  }
0xa0: {  	[spmem:s2] =	stream.indirect.scatter.add.f32 [tilespmem:s12], [sflag:$0x5], $0x10, s29, s14, $0xb8;
	[tilespmem:$0x5190] =	vst v63  }
0xa1: {  	s30 =	simm.s32 $0x4E48  }
0xa2: {  	[spmem:s2] =	stream.indirect.scatter.add.f32 [tilespmem:s12], [sflag:$0x6], $0x10, s30, s14, $0xb8;
	[tilespmem:$0x5190] =	vst v63  }
0xa3: {  	s31 =	simm.s32 $0x4E70  }
0xa4: {  	[spmem:s2] =	stream.indirect.scatter.add.f32 [tilespmem:s12], [sflag:$0x7], $0x10, s31, s14, $0xb8;
	[tilespmem:$0x5190] =	vst v63  }
0xa5: {  	_ = 	snop  }
0xa6: {  	[spmem:s2] =	stream.indirect.scatter.add.f32 [tilespmem:s12], [sflag:$0x8], $0x10, s1, s14, $0xb8;
	[tilespmem:$0x5190] =	vst v63  }
0xa7: {  	_ = 	snop  }
0xa8: {  	[spmem:s2] =	stream.indirect.scatter.add.f32 [tilespmem:s12], [sflag:$0x9], $0x10, s13, s14, $0xb8;
	[tilespmem:$0x5190] =	vst v63  }
0xa9: {  	_ = 	snop  }
0xaa: {  	[spmem:s2] =	stream.indirect.scatter.add.f32 [tilespmem:s12], [sflag:$0xA], $0x10, s25, s14, $0xb8;
	[tilespmem:$0x5190] =	vst v63  }
0xab: {  	_ =	swait.ge [sflag:s15], $0x280  }
0xac: {  	[sflag:s15] =	ssyncset.done $0x0  }
0xad: {  	[sflag:s15] =	ssyncadd.s32 $0xFFFFFD80  }
0xae: {  	_ =	swait.ge [sflag:s16], $0x280  }
0xaf: {  	[sflag:s16] =	ssyncset.done $0x0  }
0xb0: {  	[sflag:s16] =	ssyncadd.s32 $0xFFFFFD80  }
0xb1: {  	_ =	swait.ge [sflag:s17], $0x280  }
0xb2: {  	[sflag:s17] =	ssyncset.done $0x0  }
0xb3: {  	[sflag:s17] =	ssyncadd.s32 $0xFFFFFD80  }
0xb4: {  	_ =	swait.ge [sflag:s18], $0x280  }
0xb5: {  	[sflag:s18] =	ssyncset.done $0x0  }
0xb6: {  	[sflag:s18] =	ssyncadd.s32 $0xFFFFFD80  }
0xb7: {  	_ =	swait.ge [sflag:s19], $0x280  }
0xb8: {  	[sflag:s19] =	ssyncset.done $0x0  }
0xb9: {  	[sflag:s19] =	ssyncadd.s32 $0xFFFFFD80  }
0xba: {  	_ =	swait.ge [sflag:s20], $0x280  }
0xbb: {  	[sflag:s20] =	ssyncset.done $0x0  }
0xbc: {  	[sflag:s20] =	ssyncadd.s32 $0xFFFFFD80  }
0xbd: {  	_ =	swait.ge [sflag:s21], $0x280  }
0xbe: {  	[sflag:s21] =	ssyncset.done $0x0  }
0xbf: {  	[sflag:s21] =	ssyncadd.s32 $0xFFFFFD80  }
0xc0: {  	_ =	swait.ge [sflag:s22], $0x280  }
0xc1: {  	[sflag:s22] =	ssyncset.done $0x0  }
0xc2: {  	[sflag:s22] =	ssyncadd.s32 $0xFFFFFD80  }
0xc3: {  	_ =	swait.ge [sflag:s23], $0x280  }
0xc4: {  	[sflag:s23] =	ssyncset.done $0x0  }
0xc5: {  	[sflag:s23] =	ssyncadd.s32 $0xFFFFFD80  }
0xc6: {  	_ =	swait.ge [sflag:s24], $0x280  }
0xc7: {  	s26 =	sadd.s32 $0x1, s26;
	[sflag:s24] =	ssyncset.done $0x0  }
0xc8: {  	p0 =	sne.s32 s26, s9;
	[sflag:s24] =	ssyncadd.s32 $0xFFFFFD80  }
.Ltmp1:
0xc9: {  	[bflag:$0x0] =	sbarrier.arrive $0xFFFF;
	(pc) =	sbr.rel @p0 .LBB2_1-.Ltmp1, $4  }
0xca: {  	[hbm:s8], [sflag:s6] =	dma.local [spmem:s10], $0x500  }
0xcb: {  	_ =	swait.ge [sflag:s11], $0x500  }
0xcc: {  	[sflag:s11] =	ssyncset.done $0x0  }
0xcd: {  	[sflag:s11] =	ssyncadd.s32 $0xFFFFFB00  }
0xce: {  	_ =	sfence.sel $0x180000  }
0xcf: {  	[bflag:$0x0] =	sbarrier.arrive $0xFFFF  }
0xd0: {  	_ =	strace $0x90000047  }
0xd1: {  	s0 =	stileid.u32;
	[bflag:$0x2] =	sbarrier.arrive $0xFFFF  }
0xd2: {  	p0 =	sne.s32 s0, $0x0;
	s0 =	rddreg [dreg:$0x3]  }
0xd3: {  	s0 =	sadd.s32 @!p0 $0x100000, s0  }
0xd4: {  	[sflag:s0] =	ssyncadd.tile.s32 @!p0 $0x1;
	_ =	shalt  }
.Lfunc_end2:
_tile_overlayer_lowered:
.L_overlay_start_2:
0xd5: {  	(tag) =	ssettag $0x2  }
0xd6: {  	s0 =	rddreg [dreg:$0x0];
	s2 =	stileid.u32  }
0xd7: {  	s1 =	rddreg [dreg:$0x1];
	p0 =	sne.s32 s2, $0x0  }
0xd8: {  	s3 =	rddreg [dreg:$0x2];
	[bflag:$0x3] =	sbarrier.arrive $0xFFFF;
	s2 =	simm.s32 @!p0 $0x1C0B  }
0xd9: {  	[timem:s3], [sflag:s2] =	dma.local @!p0 [hbm:s0], s1  }
0xda: {  	s0 =	simm.s32 @!p0 $0xB  }
0xdb: {  	_ =	swait.ge @!p0 [sflag:s0], s1  }
0xdc: {  	s1 =	ssub.s32 @!p0 $0x0, s1;
	[sflag:s0] =	ssyncset.done @!p0 $0x0  }
0xdd: {  	[sflag:s0] =	ssyncadd.s32 @!p0 s1  }
0xde: {  	[bflag:$0x3] =	sbarrier.arrive $0xFFFF  }
0xdf: {  	_ =	shalt  }

</sc_bundles>
